<compile_context>
chip_gen: v7x
topology: tpu7x:2x2x1
jax: 0.10.2.dev20260603
libtpu: 0.0.44.dev20260713+nightly
codegen_flags: <defaults>
</compile_context>

<pallas_src>
import functools

import jax
import jax.numpy as jnp
from jax import lax
from jax.experimental import pallas as pl
from jax.experimental.pallas import tpu as pltpu
from jax.experimental.pallas import tpu_sc as plsc

N_NODES = 10000
NP = 10112
CHUNK = 64
NCH0 = 296
NCH1 = 20
TOTCH = (NCH0 + NCH1) * 16
EPAD = TOTCH * CHUNK
RPT = NP // 16


def _sc_agg(D):
  mesh = plsc.VectorSubcoreMesh(core_axis_name="c", subcore_axis_name="s")

  @functools.partial(
      pl.kernel,
      out_type=jax.ShapeDtypeStruct((2, NP, D), jnp.float32),
      mesh=mesh,
      scratch_types=[
          pltpu.VMEM((6, 2, CHUNK), jnp.int32),
          pltpu.VMEM((4, CHUNK, D), jnp.float32),
          pltpu.VMEM_SHARED((NP, D), jnp.float32),
          pltpu.SemaphoreType.DMA((4,)),
          pltpu.SemaphoreType.DMA((4,)),
          pltpu.SemaphoreType.DMA((6,)),
      ],
      compiler_params=pltpu.CompilerParams(use_tc_tiling_on_sc=False),
  )
  def k(h_hbm, edges_hbm, zero_hbm, out_hbm, idx_v, rows_v, acc_s,
        gsem, ssem, isem):
    cid = lax.axis_index("c")
    sid = lax.axis_index("s")
    start = lax.select(cid == 0, sid * NCH0, 16 * NCH0 + sid * NCH1)
    n_my = lax.select(cid == 0, NCH0, NCH1)

    pltpu.sync_copy(zero_hbm, rows_v.at[0])
    def zbody(j, carry):
      pltpu.sync_copy(rows_v.at[0], acc_s.at[pl.ds(sid * RPT + j * CHUNK, CHUNK)])
      return carry
    lax.fori_loop(0, RPT // CHUNK, zbody, 0)
    pltpu.sync_copy(rows_v.at[0, pl.ds(0, RPT - (RPT // CHUNK) * CHUNK)],
                    acc_s.at[pl.ds(sid * RPT + (RPT // CHUNK) * CHUNK,
                                   RPT - (RPT // CHUNK) * CHUNK)])
    plsc.subcore_barrier()

    pltpu.sync_copy(edges_hbm.at[start], idx_v.at[0])
    pltpu.sync_copy(edges_hbm.at[start + 1], idx_v.at[1])
    pltpu.sync_copy(edges_hbm.at[start + 2], idx_v.at[2])
    pltpu.async_copy(h_hbm.at[idx_v.at[0, 0]], rows_v.at[0], gsem.at[0])
    pltpu.async_copy(h_hbm.at[idx_v.at[1, 0]], rows_v.at[1], gsem.at[1])

    def body(c, carry):
      b = lax.rem(c, 4)
      b2 = lax.rem(c + 2, 4)
      j = lax.rem(c, 6)
      j2 = lax.rem(c + 2, 6)
      j3 = lax.rem(c + 3, 6)

      @pl.when(c + 2 < n_my)
      def _():
        @pl.when(c >= 2)
        def _():
          pltpu.make_async_copy(rows_v.at[b2], acc_s.at[idx_v.at[j2, 1]],
                                ssem.at[b2]).wait()
        @pl.when(c >= 1)
        def _():
          pltpu.make_async_copy(edges_hbm.at[start + c + 2], idx_v.at[j2],
                                isem.at[j2]).wait()
        pltpu.async_copy(h_hbm.at[idx_v.at[j2, 0]], rows_v.at[b2],
                         gsem.at[b2])

      @pl.when(c + 3 < n_my)
      def _():
        pltpu.async_copy(edges_hbm.at[start + c + 3], idx_v.at[j3],
                         isem.at[j3])

      pltpu.make_async_copy(h_hbm.at[idx_v.at[j, 0]], rows_v.at[b],
                            gsem.at[b]).wait()
      pltpu.async_copy(rows_v.at[b], acc_s.at[idx_v.at[j, 1]], ssem.at[b],
                       add=True)
      return carry

    lax.fori_loop(0, n_my, body, 0)

    def drain(kk, carry):
      pltpu.make_async_copy(rows_v.at[lax.rem(kk, 4)],
                            acc_s.at[idx_v.at[lax.rem(kk, 6), 1]],
                            ssem.at[lax.rem(kk, 4)]).wait()
      return carry

    lax.fori_loop(n_my - 4, n_my, drain, 0)
    plsc.subcore_barrier()

    def wbody(j, carry):
      r = sid * RPT + j * CHUNK
      pltpu.sync_copy(acc_s.at[pl.ds(r, CHUNK)], rows_v.at[0])
      pltpu.sync_copy(rows_v.at[0], out_hbm.at[cid, pl.ds(r, CHUNK)])
      return carry

    lax.fori_loop(0, RPT // CHUNK, wbody, 0)
    _tail = RPT - (RPT // CHUNK) * CHUNK
    r = sid * RPT + (RPT // CHUNK) * CHUNK
    pltpu.sync_copy(acc_s.at[pl.ds(r, _tail)], rows_v.at[0, pl.ds(0, _tail)])
    pltpu.sync_copy(rows_v.at[0, pl.ds(0, _tail)],
                    out_hbm.at[cid, pl.ds(r, _tail)])

  return k


_R = 1264


def _tc1(p, w, b):

  def body(p_ref, w_ref, b_ref, h_ref, rc_ref):
    s = p_ref[0] + p_ref[1]
    rc = 1.0 / jnp.maximum(s[:, 128:129], 1.0)
    x = s[:, :128] * rc
    y = lax.dot_general(x, w_ref[...], (((1,), (1,)), ((), ())),
                        preferred_element_type=jnp.float32) + b_ref[...]
    h_ref[...] = jnp.where(y > 0, y, jnp.exp(jnp.minimum(y, 0.0)) - 1.0)
    rc_ref[...] = rc

  return pl.pallas_call(
      body,
      grid=(NP // _R,),
      in_specs=[
          pl.BlockSpec((2, _R, 144), lambda i: (0, i, 0)),
          pl.BlockSpec((128, 128), lambda i: (0, 0)),
          pl.BlockSpec((1, 128), lambda i: (0, 0)),
      ],
      out_specs=[
          pl.BlockSpec((_R, 128), lambda i: (i, 0)),
          pl.BlockSpec((_R, 1), lambda i: (i, 0)),
      ],
      out_shape=[
          jax.ShapeDtypeStruct((NP, 128), jnp.float32),
          jax.ShapeDtypeStruct((NP, 1), jnp.float32),
      ],
  )(p, w, b)


def _tc2(p, rc, w, b):

  def body(p_ref, rc_ref, w_ref, b_ref, o_ref):
    x = (p_ref[0] + p_ref[1]) * rc_ref[...]
    y = lax.dot_general(x, w_ref[...], (((1,), (1,)), ((), ())),
                        preferred_element_type=jnp.float32) + b_ref[...]
    o_ref[...] = jnp.where(y > 0, y, jnp.exp(jnp.minimum(y, 0.0)) - 1.0)

  return pl.pallas_call(
      body,
      grid=(NP // _R,),
      in_specs=[
          pl.BlockSpec((2, _R, 128), lambda i: (0, i, 0)),
          pl.BlockSpec((_R, 1), lambda i: (i, 0)),
          pl.BlockSpec((128, 128), lambda i: (0, 0)),
          pl.BlockSpec((1, 128), lambda i: (0, 0)),
      ],
      out_specs=pl.BlockSpec((_R, 128), lambda i: (i, 0)),
      out_shape=jax.ShapeDtypeStruct((NP, 128), jnp.float32),
  )(p, rc, w, b)


def kernel(h, edge_index, W1, b1, W2, b2):
  E = edge_index.shape[1]
  pad = EPAD - E
  src = jnp.concatenate([edge_index[0].astype(jnp.int32),
                         jnp.zeros((pad,), jnp.int32)]).reshape(TOTCH, CHUNK)
  dst = jnp.concatenate([edge_index[1].astype(jnp.int32),
                         jnp.full((pad,), N_NODES, jnp.int32)]
                        ).reshape(TOTCH, CHUNK)
  edges = jnp.stack([src, dst], axis=1)
  h_aug = jnp.concatenate(
      [h, jnp.ones((N_NODES, 1), jnp.float32),
       jnp.zeros((N_NODES, 15), jnp.float32)], axis=1)

  z144 = jnp.zeros((CHUNK, 144), jnp.float32)
  z128 = jnp.zeros((CHUNK, 128), jnp.float32)

  p1 = _sc_agg(144)(h_aug, edges, z144)
  h1, rc = _tc1(p1, W1, b1.reshape(1, 128))
  p2 = _sc_agg(128)(h1, edges, z128)
  out = _tc2(p2, rc, W2, b2.reshape(1, 128))
  return out[:N_NODES]

# --- scband reference (transcript-rebuilt; emitter-appended) ---
"""Pipeline reference for scband-gcn-64725157151108 (READ-ONLY COPY).

The authoritative reference and input builder live on the scoring server;
editing this copy changes nothing except your own understanding.
"""

import jax, jax.numpy as jnp
import numpy as np

N, E, D_IN, D_HID, D_OUT = 10000, 320000, 128, 128, 128


def setup_inputs(seed: int = 0) -> dict:
    key = jax.random.key(seed)
    ks = jax.random.split(key, 6)
    h = jax.random.normal(ks[0], (N, D_IN), dtype=jnp.float32)
    edge_index = jax.random.randint(ks[1], (2, E), 0, N)
    W1 = jax.random.normal(ks[2], (D_HID, D_IN), dtype=jnp.float32) * (1.0 / np.sqrt(D_IN))
    b1 = jnp.zeros((D_HID,), dtype=jnp.float32)
    W2 = jax.random.normal(ks[3], (D_OUT, D_HID), dtype=jnp.float32) * (1.0 / np.sqrt(D_HID))
    b2 = jnp.zeros((D_OUT,), dtype=jnp.float32)
    return {"h": h, "edge_index": edge_index, "W1": W1, "b1": b1, "W2": W2, "b2": b2}


def _segment_mean(vals, dst, num_nodes):
    s = jax.ops.segment_sum(vals, dst, num_segments=num_nodes)
    cnt = jax.ops.segment_sum(jnp.ones((dst.shape[0], 1), dtype=vals.dtype), dst, num_segments=num_nodes)
    return s / jnp.maximum(cnt, 1.0)


def reference(h, edge_index, W1, b1, W2, b2):
    # GCN with mask=False, num_layers=2: two GCNLayers, each followed by F.elu.
    # GCNLayer: mean-aggregate incoming neighbor features (copy_src + mean), then Linear.
    src, dst = edge_index[0], edge_index[1]
    n = h.shape[0]
    # layer 1
    agg = _segment_mean(jnp.take(h, src, axis=0), dst, n)
    h1 = jax.nn.elu(agg @ W1.T + b1)
    # layer 2
    agg2 = _segment_mean(jnp.take(h1, src, axis=0), dst, n)
    out = jax.nn.elu(agg2 @ W2.T + b2)
    return out

if __name__ == "__main__":
    import jax
    _d = setup_inputs()
    print(jax.jit(kernel)(*tuple(_d.values())))

</pallas_src>

<mosaic_0001>
#map = affine_map<(d0, d1) -> (0, 0)>
#map1 = affine_map<(d0, d1) -> (0, 0, 0)>
module attributes {stable_mosaic.version = 14 : i64} {
  func.func @k(%arg0: i32, %arg1: i32, %arg2: memref<10112x128xf32, #tpu.memory_space<hbm>>, %arg3: memref<5056x2x64xi32, #tpu.memory_space<hbm>>, %arg4: memref<64x128xf32, #tpu.memory_space<hbm>>, %arg5: memref<2x10112x128xf32, #tpu.memory_space<hbm>>, %arg6: memref<6x2x64xi32, #tpu.memory_space<vmem>>, %arg7: memref<4x64x128xf32, #tpu.memory_space<vmem>>, %arg8: memref<10112x128xf32, #tpu.memory_space<vmem_shared>>, %arg9: memref<4x!tpu.dma_semaphore, #tpu.memory_space<semaphore_mem>>, %arg10: memref<4x!tpu.dma_semaphore, #tpu.memory_space<semaphore_mem>>, %arg11: memref<6x!tpu.dma_semaphore, #tpu.memory_space<semaphore_mem>>) attributes {dimension_semantics = [#tpu.dimension_semantics<core_parallel>, #tpu.dimension_semantics<subcore_parallel>], iteration_bounds = array<i64: 2, 16>, scalar_prefetch = 0 : i64, scratch_operands = 6 : i64, tpu.core_type = #tpu.core_type<sc_vector_subcore>, window_params = [{transform_indices = #map}, {transform_indices = #map1}, {transform_indices = #map}, {transform_indices = #map1}]} {
    %eq3A = arith.constant 0 : i32
    %eq3A_0 = arith.cmpi eq, %arg0, %eq3A : i32
    %mul3A = arith.constant 296 : i32
    %mul3A_1 = arith.muli %arg1, %mul3A : i32
    %mul3A_2 = arith.constant 20 : i32
    %mul3A_3 = arith.muli %arg1, %mul3A_2 : i32
    %add3A = arith.constant 4736 : i32
    %add3A_4 = arith.addi %add3A, %mul3A_3 : i32
    %select_n3A = arith.select %eq3A_0, %mul3A_1, %add3A_4 : i32
    %eq3A_5 = arith.constant 0 : i32
    %eq3A_6 = arith.cmpi eq, %arg0, %eq3A_5 : i32
    %select_n3A_7 = arith.constant 20 : i32
    %select_n3A_8 = arith.constant 296 : i32
    %select_n3A_9 = arith.select %eq3A_6, %select_n3A_8, %select_n3A_7 : i32
    %run_scoped3A = arith.constant 0 : i32
    "tpu.region"() ({
      %run_scoped3A_90 = tpu.sem_alloc : memref<!tpu.dma_semaphore, #tpu.memory_space<semaphore_mem>>
      %dma_start3A_91 = arith.constant 0 : i32
      %dma_start3A_92 = arith.constant 0 : i32
      %dma_start3A_93 = tpu.memref_slice %arg7[%run_scoped3A, %dma_start3A_91, %dma_start3A_92] : memref<4x64x128xf32, #tpu.memory_space<vmem>> -> memref<1x64x128xf32, #tpu.memory_space<vmem>>
      %dma_start3A_94 = tpu.memref_squeeze %dma_start3A_93 : memref<1x64x128xf32, #tpu.memory_space<vmem>> -> memref<64x128xf32, #tpu.memory_space<vmem>>
      %dma_start3A_95 = arith.constant 0 : i32
      %dma_start3A_96 = arith.constant 0 : i32
      %dma_start3A_97 = tpu.memref_slice %arg7[%run_scoped3A, %dma_start3A_95, %dma_start3A_96] : memref<4x64x128xf32, #tpu.memory_space<vmem>> -> memref<1x64x128xf32, #tpu.memory_space<vmem>>
      %dma_start3A_98 = tpu.memref_squeeze %dma_start3A_97 : memref<1x64x128xf32, #tpu.memory_space<vmem>> -> memref<64x128xf32, #tpu.memory_space<vmem>>
      tpu.enqueue_dma source(%arg4 : memref<64x128xf32, #tpu.memory_space<hbm>>) target(%dma_start3A_98 : memref<64x128xf32, #tpu.memory_space<vmem>>) target_semaphore(%run_scoped3A_90 : memref<!tpu.dma_semaphore, #tpu.memory_space<semaphore_mem>>)
      %dma_wait3A = arith.constant 0 : i32
      %dma_wait3A_99 = arith.constant 0 : i32
      %dma_wait3A_100 = tpu.memref_slice %arg7[%run_scoped3A, %dma_wait3A, %dma_wait3A_99] : memref<4x64x128xf32, #tpu.memory_space<vmem>> -> memref<1x64x128xf32, #tpu.memory_space<vmem>>
      %dma_wait3A_101 = tpu.memref_squeeze %dma_wait3A_100 : memref<1x64x128xf32, #tpu.memory_space<vmem>> -> memref<64x128xf32, #tpu.memory_space<vmem>>
      %dma_wait3A_102 = arith.constant 0 : i32
      %dma_wait3A_103 = arith.constant 0 : i32
      %dma_wait3A_104 = tpu.memref_slice %arg7[%run_scoped3A, %dma_wait3A_102, %dma_wait3A_103] : memref<4x64x128xf32, #tpu.memory_space<vmem>> -> memref<1x64x128xf32, #tpu.memory_space<vmem>>
      %dma_wait3A_105 = tpu.memref_squeeze %dma_wait3A_104 : memref<1x64x128xf32, #tpu.memory_space<vmem>> -> memref<64x128xf32, #tpu.memory_space<vmem>>
      tpu.wait_dma2 semaphore(%run_scoped3A_90 : memref<!tpu.dma_semaphore, #tpu.memory_space<semaphore_mem>>) src(%arg4 : memref<64x128xf32, #tpu.memory_space<hbm>>) dst(%dma_wait3A_105 : memref<64x128xf32, #tpu.memory_space<vmem>>)
      tpu.yield
    }) : () -> ()
    %scan3A = arith.constant 0 : i32
    %scan3A_10 = arith.constant 0 : i32
    %scan3A_11 = arith.constant 9 : i32
    %scan3A_12 = arith.addi %scan3A_10, %scan3A_11 : i32
    %scan3A_13 = arith.constant 1 : i32
    scf.for %scan3A_90 = %scan3A_10 to %scan3A_12 step %scan3A_13  : i32 {
      %mul3A_91 = arith.constant 632 : i32
      %mul3A_92 = arith.muli %arg1, %mul3A_91 : i32
      %mul3A_93 = arith.constant 64 : i32
      %mul3A_94 = arith.muli %scan3A_90, %mul3A_93 : i32
      %add3A_95 = arith.addi %mul3A_92, %mul3A_94 : i32
      %run_scoped3A_96 = arith.constant 0 : i32
      "tpu.region"() ({
        %run_scoped3A_97 = tpu.sem_alloc : memref<!tpu.dma_semaphore, #tpu.memory_space<semaphore_mem>>
        %dma_start3A_98 = arith.constant 0 : i32
        %dma_start3A_99 = arith.constant 0 : i32
        %dma_start3A_100 = tpu.memref_slice %arg7[%run_scoped3A_96, %dma_start3A_98, %dma_start3A_99] : memref<4x64x128xf32, #tpu.memory_space<vmem>> -> memref<1x64x128xf32, #tpu.memory_space<vmem>>
        %dma_start3A_101 = tpu.memref_squeeze %dma_start3A_100 : memref<1x64x128xf32, #tpu.memory_space<vmem>> -> memref<64x128xf32, #tpu.memory_space<vmem>>
        %dma_start3A_102 = arith.constant 0 : i32
        %dma_start3A_103 = tpu.memref_slice %arg8[%add3A_95, %dma_start3A_102] : memref<10112x128xf32, #tpu.memory_space<vmem_shared>> -> memref<64x128xf32, #tpu.memory_space<vmem_shared>>
        %dma_start3A_104 = arith.constant 0 : i32
        %dma_start3A_105 = tpu.memref_slice %arg8[%add3A_95, %dma_start3A_104] : memref<10112x128xf32, #tpu.memory_space<vmem_shared>> -> memref<64x128xf32, #tpu.memory_space<vmem_shared>>
        %dma_start3A_106 = arith.constant 0 : i32
        %dma_start3A_107 = arith.constant 0 : i32
        %dma_start3A_108 = tpu.memref_slice %arg7[%run_scoped3A_96, %dma_start3A_106, %dma_start3A_107] : memref<4x64x128xf32, #tpu.memory_space<vmem>> -> memref<1x64x128xf32, #tpu.memory_space<vmem>>
        %dma_start3A_109 = tpu.memref_squeeze %dma_start3A_108 : memref<1x64x128xf32, #tpu.memory_space<vmem>> -> memref<64x128xf32, #tpu.memory_space<vmem>>
        tpu.enqueue_dma source(%dma_start3A_109 : memref<64x128xf32, #tpu.memory_space<vmem>>) target(%dma_start3A_105 : memref<64x128xf32, #tpu.memory_space<vmem_shared>>) target_semaphore(%run_scoped3A_97 : memref<!tpu.dma_semaphore, #tpu.memory_space<semaphore_mem>>)
        %dma_wait3A = arith.constant 0 : i32
        %dma_wait3A_110 = arith.constant 0 : i32
        %dma_wait3A_111 = tpu.memref_slice %arg7[%run_scoped3A_96, %dma_wait3A, %dma_wait3A_110] : memref<4x64x128xf32, #tpu.memory_space<vmem>> -> memref<1x64x128xf32, #tpu.memory_space<vmem>>
        %dma_wait3A_112 = tpu.memref_squeeze %dma_wait3A_111 : memref<1x64x128xf32, #tpu.memory_space<vmem>> -> memref<64x128xf32, #tpu.memory_space<vmem>>
        %dma_wait3A_113 = arith.constant 0 : i32
        %dma_wait3A_114 = tpu.memref_slice %arg8[%add3A_95, %dma_wait3A_113] : memref<10112x128xf32, #tpu.memory_space<vmem_shared>> -> memref<64x128xf32, #tpu.memory_space<vmem_shared>>
        %dma_wait3A_115 = arith.constant 0 : i32
        %dma_wait3A_116 = tpu.memref_slice %arg8[%add3A_95, %dma_wait3A_115] : memref<10112x128xf32, #tpu.memory_space<vmem_shared>> -> memref<64x128xf32, #tpu.memory_space<vmem_shared>>
        %dma_wait3A_117 = arith.constant 0 : i32
        %dma_wait3A_118 = arith.constant 0 : i32
        %dma_wait3A_119 = tpu.memref_slice %arg7[%run_scoped3A_96, %dma_wait3A_117, %dma_wait3A_118] : memref<4x64x128xf32, #tpu.memory_space<vmem>> -> memref<1x64x128xf32, #tpu.memory_space<vmem>>
        %dma_wait3A_120 = tpu.memref_squeeze %dma_wait3A_119 : memref<1x64x128xf32, #tpu.memory_space<vmem>> -> memref<64x128xf32, #tpu.memory_space<vmem>>
        tpu.wait_dma2 semaphore(%run_scoped3A_97 : memref<!tpu.dma_semaphore, #tpu.memory_space<semaphore_mem>>) src(%dma_wait3A_120 : memref<64x128xf32, #tpu.memory_space<vmem>>) dst(%dma_wait3A_116 : memref<64x128xf32, #tpu.memory_space<vmem_shared>>)
        tpu.yield
      }) : () -> ()
    }
    %scan3A_14 = arith.constant 9 : i32
    %mul3A_15 = arith.constant 632 : i32
    %mul3A_16 = arith.muli %arg1, %mul3A_15 : i32
    %add3A_17 = arith.constant 576 : i32
    %add3A_18 = arith.addi %mul3A_16, %add3A_17 : i32
    %run_scoped3A_19 = arith.constant 0 : i32
    "tpu.region"() ({
      %run_scoped3A_90 = tpu.sem_alloc : memref<!tpu.dma_semaphore, #tpu.memory_space<semaphore_mem>>
      %dma_start3A_91 = arith.constant 0 : i32
      %dma_start3A_92 = arith.constant 0 : i32
      %dma_start3A_93 = tpu.memref_slice %arg7[%run_scoped3A_19, %dma_start3A_91, %dma_start3A_92] : memref<4x64x128xf32, #tpu.memory_space<vmem>> -> memref<1x56x128xf32, #tpu.memory_space<vmem>>
      %dma_start3A_94 = tpu.memref_squeeze %dma_start3A_93 : memref<1x56x128xf32, #tpu.memory_space<vmem>> -> memref<56x128xf32, #tpu.memory_space<vmem>>
      %dma_start3A_95 = arith.constant 0 : i32
      %dma_start3A_96 = tpu.memref_slice %arg8[%add3A_18, %dma_start3A_95] : memref<10112x128xf32, #tpu.memory_space<vmem_shared>> -> memref<56x128xf32, #tpu.memory_space<vmem_shared>>
      %dma_start3A_97 = arith.constant 0 : i32
      %dma_start3A_98 = tpu.memref_slice %arg8[%add3A_18, %dma_start3A_97] : memref<10112x128xf32, #tpu.memory_space<vmem_shared>> -> memref<56x128xf32, #tpu.memory_space<vmem_shared>>
      %dma_start3A_99 = arith.constant 0 : i32
      %dma_start3A_100 = arith.constant 0 : i32
      %dma_start3A_101 = tpu.memref_slice %arg7[%run_scoped3A_19, %dma_start3A_99, %dma_start3A_100] : memref<4x64x128xf32, #tpu.memory_space<vmem>> -> memref<1x56x128xf32, #tpu.memory_space<vmem>>
      %dma_start3A_102 = tpu.memref_squeeze %dma_start3A_101 : memref<1x56x128xf32, #tpu.memory_space<vmem>> -> memref<56x128xf32, #tpu.memory_space<vmem>>
      tpu.enqueue_dma source(%dma_start3A_102 : memref<56x128xf32, #tpu.memory_space<vmem>>) target(%dma_start3A_98 : memref<56x128xf32, #tpu.memory_space<vmem_shared>>) target_semaphore(%run_scoped3A_90 : memref<!tpu.dma_semaphore, #tpu.memory_space<semaphore_mem>>)
      %dma_wait3A = arith.constant 0 : i32
      %dma_wait3A_103 = arith.constant 0 : i32
      %dma_wait3A_104 = tpu.memref_slice %arg7[%run_scoped3A_19, %dma_wait3A, %dma_wait3A_103] : memref<4x64x128xf32, #tpu.memory_space<vmem>> -> memref<1x56x128xf32, #tpu.memory_space<vmem>>
      %dma_wait3A_105 = tpu.memref_squeeze %dma_wait3A_104 : memref<1x56x128xf32, #tpu.memory_space<vmem>> -> memref<56x128xf32, #tpu.memory_space<vmem>>
      %dma_wait3A_106 = arith.constant 0 : i32
      %dma_wait3A_107 = tpu.memref_slice %arg8[%add3A_18, %dma_wait3A_106] : memref<10112x128xf32, #tpu.memory_space<vmem_shared>> -> memref<56x128xf32, #tpu.memory_space<vmem_shared>>
      %dma_wait3A_108 = arith.constant 0 : i32
      %dma_wait3A_109 = tpu.memref_slice %arg8[%add3A_18, %dma_wait3A_108] : memref<10112x128xf32, #tpu.memory_space<vmem_shared>> -> memref<56x128xf32, #tpu.memory_space<vmem_shared>>
      %dma_wait3A_110 = arith.constant 0 : i32
      %dma_wait3A_111 = arith.constant 0 : i32
      %dma_wait3A_112 = tpu.memref_slice %arg7[%run_scoped3A_19, %dma_wait3A_110, %dma_wait3A_111] : memref<4x64x128xf32, #tpu.memory_space<vmem>> -> memref<1x56x128xf32, #tpu.memory_space<vmem>>
      %dma_wait3A_113 = tpu.memref_squeeze %dma_wait3A_112 : memref<1x56x128xf32, #tpu.memory_space<vmem>> -> memref<56x128xf32, #tpu.memory_space<vmem>>
      tpu.wait_dma2 semaphore(%run_scoped3A_90 : memref<!tpu.dma_semaphore, #tpu.memory_space<semaphore_mem>>) src(%dma_wait3A_113 : memref<56x128xf32, #tpu.memory_space<vmem>>) dst(%dma_wait3A_109 : memref<56x128xf32, #tpu.memory_space<vmem_shared>>)
      tpu.yield
    }) : () -> ()
    %barrier3A = arith.constant 0 : index
    tpu.barrier barrier_id(%barrier3A)
    %run_scoped3A_20 = arith.constant 0 : i32
    "tpu.region"() ({
      %run_scoped3A_90 = tpu.sem_alloc : memref<!tpu.dma_semaphore, #tpu.memory_space<semaphore_mem>>
      %dma_start3A_91 = arith.constant 0 : i32
      %dma_start3A_92 = arith.constant 0 : i32
      %dma_start3A_93 = tpu.memref_slice %arg6[%run_scoped3A_20, %dma_start3A_91, %dma_start3A_92] : memref<6x2x64xi32, #tpu.memory_space<vmem>> -> memref<1x2x64xi32, #tpu.memory_space<vmem>>
      %dma_start3A_94 = tpu.memref_squeeze %dma_start3A_93 : memref<1x2x64xi32, #tpu.memory_space<vmem>> -> memref<2x64xi32, #tpu.memory_space<vmem>>
      %dma_start3A_95 = arith.constant 0 : i32
      %dma_start3A_96 = arith.constant 0 : i32
      %dma_start3A_97 = tpu.memref_slice %arg3[%select_n3A, %dma_start3A_95, %dma_start3A_96] : memref<5056x2x64xi32, #tpu.memory_space<hbm>> -> memref<1x2x64xi32, #tpu.memory_space<hbm>>
      %dma_start3A_98 = tpu.memref_squeeze %dma_start3A_97 : memref<1x2x64xi32, #tpu.memory_space<hbm>> -> memref<2x64xi32, #tpu.memory_space<hbm>>
      %dma_start3A_99 = arith.constant 0 : i32
      %dma_start3A_100 = arith.constant 0 : i32
      %dma_start3A_101 = tpu.memref_slice %arg6[%run_scoped3A_20, %dma_start3A_99, %dma_start3A_100] : memref<6x2x64xi32, #tpu.memory_space<vmem>> -> memref<1x2x64xi32, #tpu.memory_space<vmem>>
      %dma_start3A_102 = tpu.memref_squeeze %dma_start3A_101 : memref<1x2x64xi32, #tpu.memory_space<vmem>> -> memref<2x64xi32, #tpu.memory_space<vmem>>
      %dma_start3A_103 = arith.constant 0 : i32
      %dma_start3A_104 = arith.constant 0 : i32
      %dma_start3A_105 = tpu.memref_slice %arg3[%select_n3A, %dma_start3A_103, %dma_start3A_104] : memref<5056x2x64xi32, #tpu.memory_space<hbm>> -> memref<1x2x64xi32, #tpu.memory_space<hbm>>
      %dma_start3A_106 = tpu.memref_squeeze %dma_start3A_105 : memref<1x2x64xi32, #tpu.memory_space<hbm>> -> memref<2x64xi32, #tpu.memory_space<hbm>>
      tpu.enqueue_dma source(%dma_start3A_106 : memref<2x64xi32, #tpu.memory_space<hbm>>) target(%dma_start3A_102 : memref<2x64xi32, #tpu.memory_space<vmem>>) target_semaphore(%run_scoped3A_90 : memref<!tpu.dma_semaphore, #tpu.memory_space<semaphore_mem>>)
      %dma_wait3A = arith.constant 0 : i32
      %dma_wait3A_107 = arith.constant 0 : i32
      %dma_wait3A_108 = tpu.memref_slice %arg6[%run_scoped3A_20, %dma_wait3A, %dma_wait3A_107] : memref<6x2x64xi32, #tpu.memory_space<vmem>> -> memref<1x2x64xi32, #tpu.memory_space<vmem>>
      %dma_wait3A_109 = tpu.memref_squeeze %dma_wait3A_108 : memref<1x2x64xi32, #tpu.memory_space<vmem>> -> memref<2x64xi32, #tpu.memory_space<vmem>>
      %dma_wait3A_110 = arith.constant 0 : i32
      %dma_wait3A_111 = arith.constant 0 : i32
      %dma_wait3A_112 = tpu.memref_slice %arg3[%select_n3A, %dma_wait3A_110, %dma_wait3A_111] : memref<5056x2x64xi32, #tpu.memory_space<hbm>> -> memref<1x2x64xi32, #tpu.memory_space<hbm>>
      %dma_wait3A_113 = tpu.memref_squeeze %dma_wait3A_112 : memref<1x2x64xi32, #tpu.memory_space<hbm>> -> memref<2x64xi32, #tpu.memory_space<hbm>>
      %dma_wait3A_114 = arith.constant 0 : i32
      %dma_wait3A_115 = arith.constant 0 : i32
      %dma_wait3A_116 = tpu.memref_slice %arg6[%run_scoped3A_20, %dma_wait3A_114, %dma_wait3A_115] : memref<6x2x64xi32, #tpu.memory_space<vmem>> -> memref<1x2x64xi32, #tpu.memory_space<vmem>>
      %dma_wait3A_117 = tpu.memref_squeeze %dma_wait3A_116 : memref<1x2x64xi32, #tpu.memory_space<vmem>> -> memref<2x64xi32, #tpu.memory_space<vmem>>
      %dma_wait3A_118 = arith.constant 0 : i32
      %dma_wait3A_119 = arith.constant 0 : i32
      %dma_wait3A_120 = tpu.memref_slice %arg3[%select_n3A, %dma_wait3A_118, %dma_wait3A_119] : memref<5056x2x64xi32, #tpu.memory_space<hbm>> -> memref<1x2x64xi32, #tpu.memory_space<hbm>>
      %dma_wait3A_121 = tpu.memref_squeeze %dma_wait3A_120 : memref<1x2x64xi32, #tpu.memory_space<hbm>> -> memref<2x64xi32, #tpu.memory_space<hbm>>
      tpu.wait_dma2 semaphore(%run_scoped3A_90 : memref<!tpu.dma_semaphore, #tpu.memory_space<semaphore_mem>>) src(%dma_wait3A_121 : memref<2x64xi32, #tpu.memory_space<hbm>>) dst(%dma_wait3A_117 : memref<2x64xi32, #tpu.memory_space<vmem>>)
      tpu.yield
    }) : () -> ()
    %add3A_21 = arith.constant 1 : i32
    %add3A_22 = arith.addi %select_n3A, %add3A_21 : i32
    %run_scoped3A_23 = arith.constant 1 : i32
    "tpu.region"() ({
      %run_scoped3A_90 = tpu.sem_alloc : memref<!tpu.dma_semaphore, #tpu.memory_space<semaphore_mem>>
      %dma_start3A_91 = arith.constant 0 : i32
      %dma_start3A_92 = arith.constant 0 : i32
      %dma_start3A_93 = tpu.memref_slice %arg6[%run_scoped3A_23, %dma_start3A_91, %dma_start3A_92] : memref<6x2x64xi32, #tpu.memory_space<vmem>> -> memref<1x2x64xi32, #tpu.memory_space<vmem>>
      %dma_start3A_94 = tpu.memref_squeeze %dma_start3A_93 : memref<1x2x64xi32, #tpu.memory_space<vmem>> -> memref<2x64xi32, #tpu.memory_space<vmem>>
      %dma_start3A_95 = arith.constant 0 : i32
      %dma_start3A_96 = arith.constant 0 : i32
      %dma_start3A_97 = tpu.memref_slice %arg3[%add3A_22, %dma_start3A_95, %dma_start3A_96] : memref<5056x2x64xi32, #tpu.memory_space<hbm>> -> memref<1x2x64xi32, #tpu.memory_space<hbm>>
      %dma_start3A_98 = tpu.memref_squeeze %dma_start3A_97 : memref<1x2x64xi32, #tpu.memory_space<hbm>> -> memref<2x64xi32, #tpu.memory_space<hbm>>
      %dma_start3A_99 = arith.constant 0 : i32
      %dma_start3A_100 = arith.constant 0 : i32
      %dma_start3A_101 = tpu.memref_slice %arg6[%run_scoped3A_23, %dma_start3A_99, %dma_start3A_100] : memref<6x2x64xi32, #tpu.memory_space<vmem>> -> memref<1x2x64xi32, #tpu.memory_space<vmem>>
      %dma_start3A_102 = tpu.memref_squeeze %dma_start3A_101 : memref<1x2x64xi32, #tpu.memory_space<vmem>> -> memref<2x64xi32, #tpu.memory_space<vmem>>
      %dma_start3A_103 = arith.constant 0 : i32
      %dma_start3A_104 = arith.constant 0 : i32
      %dma_start3A_105 = tpu.memref_slice %arg3[%add3A_22, %dma_start3A_103, %dma_start3A_104] : memref<5056x2x64xi32, #tpu.memory_space<hbm>> -> memref<1x2x64xi32, #tpu.memory_space<hbm>>
      %dma_start3A_106 = tpu.memref_squeeze %dma_start3A_105 : memref<1x2x64xi32, #tpu.memory_space<hbm>> -> memref<2x64xi32, #tpu.memory_space<hbm>>
      tpu.enqueue_dma source(%dma_start3A_106 : memref<2x64xi32, #tpu.memory_space<hbm>>) target(%dma_start3A_102 : memref<2x64xi32, #tpu.memory_space<vmem>>) target_semaphore(%run_scoped3A_90 : memref<!tpu.dma_semaphore, #tpu.memory_space<semaphore_mem>>)
      %dma_wait3A = arith.constant 0 : i32
      %dma_wait3A_107 = arith.constant 0 : i32
      %dma_wait3A_108 = tpu.memref_slice %arg6[%run_scoped3A_23, %dma_wait3A, %dma_wait3A_107] : memref<6x2x64xi32, #tpu.memory_space<vmem>> -> memref<1x2x64xi32, #tpu.memory_space<vmem>>
      %dma_wait3A_109 = tpu.memref_squeeze %dma_wait3A_108 : memref<1x2x64xi32, #tpu.memory_space<vmem>> -> memref<2x64xi32, #tpu.memory_space<vmem>>
      %dma_wait3A_110 = arith.constant 0 : i32
      %dma_wait3A_111 = arith.constant 0 : i32
      %dma_wait3A_112 = tpu.memref_slice %arg3[%add3A_22, %dma_wait3A_110, %dma_wait3A_111] : memref<5056x2x64xi32, #tpu.memory_space<hbm>> -> memref<1x2x64xi32, #tpu.memory_space<hbm>>
      %dma_wait3A_113 = tpu.memref_squeeze %dma_wait3A_112 : memref<1x2x64xi32, #tpu.memory_space<hbm>> -> memref<2x64xi32, #tpu.memory_space<hbm>>
      %dma_wait3A_114 = arith.constant 0 : i32
      %dma_wait3A_115 = arith.constant 0 : i32
      %dma_wait3A_116 = tpu.memref_slice %arg6[%run_scoped3A_23, %dma_wait3A_114, %dma_wait3A_115] : memref<6x2x64xi32, #tpu.memory_space<vmem>> -> memref<1x2x64xi32, #tpu.memory_space<vmem>>
      %dma_wait3A_117 = tpu.memref_squeeze %dma_wait3A_116 : memref<1x2x64xi32, #tpu.memory_space<vmem>> -> memref<2x64xi32, #tpu.memory_space<vmem>>
      %dma_wait3A_118 = arith.constant 0 : i32
      %dma_wait3A_119 = arith.constant 0 : i32
      %dma_wait3A_120 = tpu.memref_slice %arg3[%add3A_22, %dma_wait3A_118, %dma_wait3A_119] : memref<5056x2x64xi32, #tpu.memory_space<hbm>> -> memref<1x2x64xi32, #tpu.memory_space<hbm>>
      %dma_wait3A_121 = tpu.memref_squeeze %dma_wait3A_120 : memref<1x2x64xi32, #tpu.memory_space<hbm>> -> memref<2x64xi32, #tpu.memory_space<hbm>>
      tpu.wait_dma2 semaphore(%run_scoped3A_90 : memref<!tpu.dma_semaphore, #tpu.memory_space<semaphore_mem>>) src(%dma_wait3A_121 : memref<2x64xi32, #tpu.memory_space<hbm>>) dst(%dma_wait3A_117 : memref<2x64xi32, #tpu.memory_space<vmem>>)
      tpu.yield
    }) : () -> ()
    %add3A_24 = arith.constant 2 : i32
    %add3A_25 = arith.addi %select_n3A, %add3A_24 : i32
    %run_scoped3A_26 = arith.constant 2 : i32
    "tpu.region"() ({
      %run_scoped3A_90 = tpu.sem_alloc : memref<!tpu.dma_semaphore, #tpu.memory_space<semaphore_mem>>
      %dma_start3A_91 = arith.constant 0 : i32
      %dma_start3A_92 = arith.constant 0 : i32
      %dma_start3A_93 = tpu.memref_slice %arg6[%run_scoped3A_26, %dma_start3A_91, %dma_start3A_92] : memref<6x2x64xi32, #tpu.memory_space<vmem>> -> memref<1x2x64xi32, #tpu.memory_space<vmem>>
      %dma_start3A_94 = tpu.memref_squeeze %dma_start3A_93 : memref<1x2x64xi32, #tpu.memory_space<vmem>> -> memref<2x64xi32, #tpu.memory_space<vmem>>
      %dma_start3A_95 = arith.constant 0 : i32
      %dma_start3A_96 = arith.constant 0 : i32
      %dma_start3A_97 = tpu.memref_slice %arg3[%add3A_25, %dma_start3A_95, %dma_start3A_96] : memref<5056x2x64xi32, #tpu.memory_space<hbm>> -> memref<1x2x64xi32, #tpu.memory_space<hbm>>
      %dma_start3A_98 = tpu.memref_squeeze %dma_start3A_97 : memref<1x2x64xi32, #tpu.memory_space<hbm>> -> memref<2x64xi32, #tpu.memory_space<hbm>>
      %dma_start3A_99 = arith.constant 0 : i32
      %dma_start3A_100 = arith.constant 0 : i32
      %dma_start3A_101 = tpu.memref_slice %arg6[%run_scoped3A_26, %dma_start3A_99, %dma_start3A_100] : memref<6x2x64xi32, #tpu.memory_space<vmem>> -> memref<1x2x64xi32, #tpu.memory_space<vmem>>
      %dma_start3A_102 = tpu.memref_squeeze %dma_start3A_101 : memref<1x2x64xi32, #tpu.memory_space<vmem>> -> memref<2x64xi32, #tpu.memory_space<vmem>>
      %dma_start3A_103 = arith.constant 0 : i32
      %dma_start3A_104 = arith.constant 0 : i32
      %dma_start3A_105 = tpu.memref_slice %arg3[%add3A_25, %dma_start3A_103, %dma_start3A_104] : memref<5056x2x64xi32, #tpu.memory_space<hbm>> -> memref<1x2x64xi32, #tpu.memory_space<hbm>>
      %dma_start3A_106 = tpu.memref_squeeze %dma_start3A_105 : memref<1x2x64xi32, #tpu.memory_space<hbm>> -> memref<2x64xi32, #tpu.memory_space<hbm>>
      tpu.enqueue_dma source(%dma_start3A_106 : memref<2x64xi32, #tpu.memory_space<hbm>>) target(%dma_start3A_102 : memref<2x64xi32, #tpu.memory_space<vmem>>) target_semaphore(%run_scoped3A_90 : memref<!tpu.dma_semaphore, #tpu.memory_space<semaphore_mem>>)
      %dma_wait3A = arith.constant 0 : i32
      %dma_wait3A_107 = arith.constant 0 : i32
      %dma_wait3A_108 = tpu.memref_slice %arg6[%run_scoped3A_26, %dma_wait3A, %dma_wait3A_107] : memref<6x2x64xi32, #tpu.memory_space<vmem>> -> memref<1x2x64xi32, #tpu.memory_space<vmem>>
      %dma_wait3A_109 = tpu.memref_squeeze %dma_wait3A_108 : memref<1x2x64xi32, #tpu.memory_space<vmem>> -> memref<2x64xi32, #tpu.memory_space<vmem>>
      %dma_wait3A_110 = arith.constant 0 : i32
      %dma_wait3A_111 = arith.constant 0 : i32
      %dma_wait3A_112 = tpu.memref_slice %arg3[%add3A_25, %dma_wait3A_110, %dma_wait3A_111] : memref<5056x2x64xi32, #tpu.memory_space<hbm>> -> memref<1x2x64xi32, #tpu.memory_space<hbm>>
      %dma_wait3A_113 = tpu.memref_squeeze %dma_wait3A_112 : memref<1x2x64xi32, #tpu.memory_space<hbm>> -> memref<2x64xi32, #tpu.memory_space<hbm>>
      %dma_wait3A_114 = arith.constant 0 : i32
      %dma_wait3A_115 = arith.constant 0 : i32
      %dma_wait3A_116 = tpu.memref_slice %arg6[%run_scoped3A_26, %dma_wait3A_114, %dma_wait3A_115] : memref<6x2x64xi32, #tpu.memory_space<vmem>> -> memref<1x2x64xi32, #tpu.memory_space<vmem>>
      %dma_wait3A_117 = tpu.memref_squeeze %dma_wait3A_116 : memref<1x2x64xi32, #tpu.memory_space<vmem>> -> memref<2x64xi32, #tpu.memory_space<vmem>>
      %dma_wait3A_118 = arith.constant 0 : i32
      %dma_wait3A_119 = arith.constant 0 : i32
      %dma_wait3A_120 = tpu.memref_slice %arg3[%add3A_25, %dma_wait3A_118, %dma_wait3A_119] : memref<5056x2x64xi32, #tpu.memory_space<hbm>> -> memref<1x2x64xi32, #tpu.memory_space<hbm>>
      %dma_wait3A_121 = tpu.memref_squeeze %dma_wait3A_120 : memref<1x2x64xi32, #tpu.memory_space<hbm>> -> memref<2x64xi32, #tpu.memory_space<hbm>>
      tpu.wait_dma2 semaphore(%run_scoped3A_90 : memref<!tpu.dma_semaphore, #tpu.memory_space<semaphore_mem>>) src(%dma_wait3A_121 : memref<2x64xi32, #tpu.memory_space<hbm>>) dst(%dma_wait3A_117 : memref<2x64xi32, #tpu.memory_space<vmem>>)
      tpu.yield
    }) : () -> ()
    %dma_start3A = arith.constant 0 : i32
    %dma_start3A_27 = arith.constant 0 : i32
    %dma_start3A_28 = arith.constant 0 : i32
    %dma_start3A_29 = arith.constant 0 : i32
    %dma_start3A_30 = arith.constant 0 : i32
    %dma_start3A_31 = arith.constant 0 : i32
    %dma_start3A_32 = tpu.memref_slice %arg7[%dma_start3A_28, %dma_start3A_30, %dma_start3A_31] : memref<4x64x128xf32, #tpu.memory_space<vmem>> -> memref<1x64x128xf32, #tpu.memory_space<vmem>>
    %dma_start3A_33 = tpu.memref_squeeze %dma_start3A_32 : memref<1x64x128xf32, #tpu.memory_space<vmem>> -> memref<64x128xf32, #tpu.memory_space<vmem>>
    %dma_start3A_34 = arith.constant 0 : i32
    %dma_start3A_35 = tpu.memref_slice %arg6[%dma_start3A, %dma_start3A_27, %dma_start3A_34] : memref<6x2x64xi32, #tpu.memory_space<vmem>> -> memref<1x1x64xi32, #tpu.memory_space<vmem>>
    %dma_start3A_36 = tpu.memref_squeeze %dma_start3A_35 : memref<1x1x64xi32, #tpu.memory_space<vmem>> -> memref<64xi32, #tpu.memory_space<vmem>>
    %dma_start3A_37 = arith.constant 0 : i32
    %dma_start3A_38 = arith.constant 0 : i32
    %dma_start3A_39 = tpu.memref_slice %arg2[%dma_start3A_37, %dma_start3A_38] : memref<10112x128xf32, #tpu.memory_space<hbm>> -> memref<10112x128xf32, #tpu.memory_space<hbm>>
    %dma_start3A_40 = tpu.memref_slice %arg9[%dma_start3A_29] : memref<4x!tpu.dma_semaphore, #tpu.memory_space<semaphore_mem>> -> memref<1x!tpu.dma_semaphore, #tpu.memory_space<semaphore_mem>>
    %dma_start3A_41 = tpu.memref_squeeze %dma_start3A_40 : memref<1x!tpu.dma_semaphore, #tpu.memory_space<semaphore_mem>> -> memref<!tpu.dma_semaphore, #tpu.memory_space<semaphore_mem>>
    tpu.enqueue_indirect_dma source(%dma_start3A_39 : memref<10112x128xf32, #tpu.memory_space<hbm>>) target(%dma_start3A_33 : memref<64x128xf32, #tpu.memory_space<vmem>>) offsets(%dma_start3A_36 : memref<64xi32, #tpu.memory_space<vmem>>) semaphore(%dma_start3A_41 : memref<!tpu.dma_semaphore, #tpu.memory_space<semaphore_mem>>)
    %dma_start3A_42 = arith.constant 1 : i32
    %dma_start3A_43 = arith.constant 0 : i32
    %dma_start3A_44 = arith.constant 1 : i32
    %dma_start3A_45 = arith.constant 1 : i32
    %dma_start3A_46 = arith.constant 0 : i32
    %dma_start3A_47 = arith.constant 0 : i32
    %dma_start3A_48 = tpu.memref_slice %arg7[%dma_start3A_44, %dma_start3A_46, %dma_start3A_47] : memref<4x64x128xf32, #tpu.memory_space<vmem>> -> memref<1x64x128xf32, #tpu.memory_space<vmem>>
    %dma_start3A_49 = tpu.memref_squeeze %dma_start3A_48 : memref<1x64x128xf32, #tpu.memory_space<vmem>> -> memref<64x128xf32, #tpu.memory_space<vmem>>
    %dma_start3A_50 = arith.constant 0 : i32
    %dma_start3A_51 = tpu.memref_slice %arg6[%dma_start3A_42, %dma_start3A_43, %dma_start3A_50] : memref<6x2x64xi32, #tpu.memory_space<vmem>> -> memref<1x1x64xi32, #tpu.memory_space<vmem>>
    %dma_start3A_52 = tpu.memref_squeeze %dma_start3A_51 : memref<1x1x64xi32, #tpu.memory_space<vmem>> -> memref<64xi32, #tpu.memory_space<vmem>>
    %dma_start3A_53 = arith.constant 0 : i32
    %dma_start3A_54 = arith.constant 0 : i32
    %dma_start3A_55 = tpu.memref_slice %arg2[%dma_start3A_53, %dma_start3A_54] : memref<10112x128xf32, #tpu.memory_space<hbm>> -> memref<10112x128xf32, #tpu.memory_space<hbm>>
    %dma_start3A_56 = tpu.memref_slice %arg9[%dma_start3A_45] : memref<4x!tpu.dma_semaphore, #tpu.memory_space<semaphore_mem>> -> memref<1x!tpu.dma_semaphore, #tpu.memory_space<semaphore_mem>>
    %dma_start3A_57 = tpu.memref_squeeze %dma_start3A_56 : memref<1x!tpu.dma_semaphore, #tpu.memory_space<semaphore_mem>> -> memref<!tpu.dma_semaphore, #tpu.memory_space<semaphore_mem>>
    tpu.enqueue_indirect_dma source(%dma_start3A_55 : memref<10112x128xf32, #tpu.memory_space<hbm>>) target(%dma_start3A_49 : memref<64x128xf32, #tpu.memory_space<vmem>>) offsets(%dma_start3A_52 : memref<64xi32, #tpu.memory_space<vmem>>) semaphore(%dma_start3A_57 : memref<!tpu.dma_semaphore, #tpu.memory_space<semaphore_mem>>)
    %while3A = arith.constant 0 : i32
    %while3A_58 = arith.constant 0 : i32
    %while3A_59 = arith.subi %select_n3A_9, %while3A_58 : i32
    %while3A_60 = arith.addi %while3A_58, %while3A_59 : i32
    %while3A_61 = arith.constant 1 : i32
    %while3A_62 = arith.divsi %while3A_59, %while3A_61 : i32
    %while3A_63 = arith.muli %while3A_62, %while3A_61 : i32
    %while3A_64 = arith.addi %while3A_58, %while3A_63 : i32
    %while3A_65 = arith.constant 1 : i32
    scf.for %while3A_90 = %while3A_58 to %while3A_64 step %while3A_65  : i32 {
      %rem3A = arith.constant 4 : i32
      %rem3A_91 = arith.remsi %while3A_90, %rem3A : i32
      %add3A_92 = arith.constant 2 : i32
      %add3A_93 = arith.addi %while3A_90, %add3A_92 : i32
      %rem3A_94 = arith.constant 4 : i32
      %rem3A_95 = arith.remsi %add3A_93, %rem3A_94 : i32
      %rem3A_96 = arith.constant 6 : i32
      %rem3A_97 = arith.remsi %while3A_90, %rem3A_96 : i32
      %add3A_98 = arith.constant 2 : i32
      %add3A_99 = arith.addi %while3A_90, %add3A_98 : i32
      %rem3A_100 = arith.constant 6 : i32
      %rem3A_101 = arith.remsi %add3A_99, %rem3A_100 : i32
      %add3A_102 = arith.constant 3 : i32
      %add3A_103 = arith.addi %while3A_90, %add3A_102 : i32
      %rem3A_104 = arith.constant 6 : i32
      %rem3A_105 = arith.remsi %add3A_103, %rem3A_104 : i32
      %add3A_106 = arith.constant 2 : i32
      %add3A_107 = arith.addi %while3A_90, %add3A_106 : i32
      %lt3A = arith.cmpi slt, %add3A_107, %select_n3A_9 : i32
      %convert_element_type3A = arith.extui %lt3A : i1 to i32
      %cond3A = arith.constant 0 : i32
      %cond3A_108 = arith.cmpi ne, %convert_element_type3A, %cond3A : i32
      scf.if %cond3A_108 {
        %ge3A = arith.constant 2 : i32
        %ge3A_140 = arith.cmpi sge, %while3A_90, %ge3A : i32
        %convert_element_type3A_141 = arith.extui %ge3A_140 : i1 to i32
        %cond3A_142 = arith.constant 0 : i32
        %cond3A_143 = arith.cmpi ne, %convert_element_type3A_141, %cond3A_142 : i32
        scf.if %cond3A_143 {
          %dma_wait3A_162 = arith.constant 1 : i32
          %dma_wait3A_163 = arith.constant 0 : i32
          %dma_wait3A_164 = arith.constant 0 : i32
          %dma_wait3A_165 = tpu.memref_slice %arg7[%rem3A_95, %dma_wait3A_163, %dma_wait3A_164] : memref<4x64x128xf32, #tpu.memory_space<vmem>> -> memref<1x64x128xf32, #tpu.memory_space<vmem>>
          %dma_wait3A_166 = tpu.memref_squeeze %dma_wait3A_165 : memref<1x64x128xf32, #tpu.memory_space<vmem>> -> memref<64x128xf32, #tpu.memory_space<vmem>>
          %dma_wait3A_167 = arith.constant 0 : i32
          %dma_wait3A_168 = tpu.memref_slice %arg6[%rem3A_101, %dma_wait3A_162, %dma_wait3A_167] : memref<6x2x64xi32, #tpu.memory_space<vmem>> -> memref<1x1x64xi32, #tpu.memory_space<vmem>>
          %dma_wait3A_169 = tpu.memref_squeeze %dma_wait3A_168 : memref<1x1x64xi32, #tpu.memory_space<vmem>> -> memref<64xi32, #tpu.memory_space<vmem>>
          %dma_wait3A_170 = arith.constant 0 : i32
          %dma_wait3A_171 = arith.constant 0 : i32
          %dma_wait3A_172 = tpu.memref_slice %arg8[%dma_wait3A_170, %dma_wait3A_171] : memref<10112x128xf32, #tpu.memory_space<vmem_shared>> -> memref<10112x128xf32, #tpu.memory_space<vmem_shared>>
          %dma_wait3A_173 = tpu.memref_slice %arg10[%rem3A_95] : memref<4x!tpu.dma_semaphore, #tpu.memory_space<semaphore_mem>> -> memref<1x!tpu.dma_semaphore, #tpu.memory_space<semaphore_mem>>
          %dma_wait3A_174 = tpu.memref_squeeze %dma_wait3A_173 : memref<1x!tpu.dma_semaphore, #tpu.memory_space<semaphore_mem>> -> memref<!tpu.dma_semaphore, #tpu.memory_space<semaphore_mem>>
          tpu.wait_indirect_dma semaphore(%dma_wait3A_174 : memref<!tpu.dma_semaphore, #tpu.memory_space<semaphore_mem>>) src(%dma_wait3A_166 : memref<64x128xf32, #tpu.memory_space<vmem>>) dst(%dma_wait3A_172 : memref<10112x128xf32, #tpu.memory_space<vmem_shared>>)
        } else {
        }
        %ge3A_144 = arith.constant 1 : i32
        %ge3A_145 = arith.cmpi sge, %while3A_90, %ge3A_144 : i32
        %convert_element_type3A_146 = arith.extui %ge3A_145 : i1 to i32
        %cond3A_147 = arith.constant 0 : i32
        %cond3A_148 = arith.cmpi ne, %convert_element_type3A_146, %cond3A_147 : i32
        scf.if %cond3A_148 {
          %add3A_162 = arith.addi %select_n3A, %while3A_90 : i32
          %add3A_163 = arith.constant 2 : i32
          %add3A_164 = arith.addi %add3A_162, %add3A_163 : i32
          %dma_wait3A_165 = arith.constant 0 : i32
          %dma_wait3A_166 = arith.constant 0 : i32
          %dma_wait3A_167 = tpu.memref_slice %arg6[%rem3A_101, %dma_wait3A_165, %dma_wait3A_166] : memref<6x2x64xi32, #tpu.memory_space<vmem>> -> memref<1x2x64xi32, #tpu.memory_space<vmem>>
          %dma_wait3A_168 = tpu.memref_squeeze %dma_wait3A_167 : memref<1x2x64xi32, #tpu.memory_space<vmem>> -> memref<2x64xi32, #tpu.memory_space<vmem>>
          %dma_wait3A_169 = arith.constant 0 : i32
          %dma_wait3A_170 = arith.constant 0 : i32
          %dma_wait3A_171 = tpu.memref_slice %arg3[%add3A_164, %dma_wait3A_169, %dma_wait3A_170] : memref<5056x2x64xi32, #tpu.memory_space<hbm>> -> memref<1x2x64xi32, #tpu.memory_space<hbm>>
          %dma_wait3A_172 = tpu.memref_squeeze %dma_wait3A_171 : memref<1x2x64xi32, #tpu.memory_space<hbm>> -> memref<2x64xi32, #tpu.memory_space<hbm>>
          %dma_wait3A_173 = tpu.memref_slice %arg11[%rem3A_101] : memref<6x!tpu.dma_semaphore, #tpu.memory_space<semaphore_mem>> -> memref<1x!tpu.dma_semaphore, #tpu.memory_space<semaphore_mem>>
          %dma_wait3A_174 = tpu.memref_squeeze %dma_wait3A_173 : memref<1x!tpu.dma_semaphore, #tpu.memory_space<semaphore_mem>> -> memref<!tpu.dma_semaphore, #tpu.memory_space<semaphore_mem>>
          %dma_wait3A_175 = arith.constant 0 : i32
          %dma_wait3A_176 = arith.constant 0 : i32
          %dma_wait3A_177 = tpu.memref_slice %arg6[%rem3A_101, %dma_wait3A_175, %dma_wait3A_176] : memref<6x2x64xi32, #tpu.memory_space<vmem>> -> memref<1x2x64xi32, #tpu.memory_space<vmem>>
          %dma_wait3A_178 = tpu.memref_squeeze %dma_wait3A_177 : memref<1x2x64xi32, #tpu.memory_space<vmem>> -> memref<2x64xi32, #tpu.memory_space<vmem>>
          %dma_wait3A_179 = arith.constant 0 : i32
          %dma_wait3A_180 = arith.constant 0 : i32
          %dma_wait3A_181 = tpu.memref_slice %arg3[%add3A_164, %dma_wait3A_179, %dma_wait3A_180] : memref<5056x2x64xi32, #tpu.memory_space<hbm>> -> memref<1x2x64xi32, #tpu.memory_space<hbm>>
          %dma_wait3A_182 = tpu.memref_squeeze %dma_wait3A_181 : memref<1x2x64xi32, #tpu.memory_space<hbm>> -> memref<2x64xi32, #tpu.memory_space<hbm>>
          tpu.wait_dma2 semaphore(%dma_wait3A_174 : memref<!tpu.dma_semaphore, #tpu.memory_space<semaphore_mem>>) src(%dma_wait3A_182 : memref<2x64xi32, #tpu.memory_space<hbm>>) dst(%dma_wait3A_178 : memref<2x64xi32, #tpu.memory_space<vmem>>)
        } else {
        }
        %dma_start3A_149 = arith.constant 0 : i32
        %dma_start3A_150 = arith.constant 0 : i32
        %dma_start3A_151 = arith.constant 0 : i32
        %dma_start3A_152 = tpu.memref_slice %arg7[%rem3A_95, %dma_start3A_150, %dma_start3A_151] : memref<4x64x128xf32, #tpu.memory_space<vmem>> -> memref<1x64x128xf32, #tpu.memory_space<vmem>>
        %dma_start3A_153 = tpu.memref_squeeze %dma_start3A_152 : memref<1x64x128xf32, #tpu.memory_space<vmem>> -> memref<64x128xf32, #tpu.memory_space<vmem>>
        %dma_start3A_154 = arith.constant 0 : i32
        %dma_start3A_155 = tpu.memref_slice %arg6[%rem3A_101, %dma_start3A_149, %dma_start3A_154] : memref<6x2x64xi32, #tpu.memory_space<vmem>> -> memref<1x1x64xi32, #tpu.memory_space<vmem>>
        %dma_start3A_156 = tpu.memref_squeeze %dma_start3A_155 : memref<1x1x64xi32, #tpu.memory_space<vmem>> -> memref<64xi32, #tpu.memory_space<vmem>>
        %dma_start3A_157 = arith.constant 0 : i32
        %dma_start3A_158 = arith.constant 0 : i32
        %dma_start3A_159 = tpu.memref_slice %arg2[%dma_start3A_157, %dma_start3A_158] : memref<10112x128xf32, #tpu.memory_space<hbm>> -> memref<10112x128xf32, #tpu.memory_space<hbm>>
        %dma_start3A_160 = tpu.memref_slice %arg9[%rem3A_95] : memref<4x!tpu.dma_semaphore, #tpu.memory_space<semaphore_mem>> -> memref<1x!tpu.dma_semaphore, #tpu.memory_space<semaphore_mem>>
        %dma_start3A_161 = tpu.memref_squeeze %dma_start3A_160 : memref<1x!tpu.dma_semaphore, #tpu.memory_space<semaphore_mem>> -> memref<!tpu.dma_semaphore, #tpu.memory_space<semaphore_mem>>
        tpu.enqueue_indirect_dma source(%dma_start3A_159 : memref<10112x128xf32, #tpu.memory_space<hbm>>) target(%dma_start3A_153 : memref<64x128xf32, #tpu.memory_space<vmem>>) offsets(%dma_start3A_156 : memref<64xi32, #tpu.memory_space<vmem>>) semaphore(%dma_start3A_161 : memref<!tpu.dma_semaphore, #tpu.memory_space<semaphore_mem>>)
      } else {
      }
      %add3A_109 = arith.constant 3 : i32
      %add3A_110 = arith.addi %while3A_90, %add3A_109 : i32
      %lt3A_111 = arith.cmpi slt, %add3A_110, %select_n3A_9 : i32
      %convert_element_type3A_112 = arith.extui %lt3A_111 : i1 to i32
      %cond3A_113 = arith.constant 0 : i32
      %cond3A_114 = arith.cmpi ne, %convert_element_type3A_112, %cond3A_113 : i32
      scf.if %cond3A_114 {
        %add3A_140 = arith.addi %select_n3A, %while3A_90 : i32
        %add3A_141 = arith.constant 3 : i32
        %add3A_142 = arith.addi %add3A_140, %add3A_141 : i32
        %dma_start3A_143 = arith.constant 0 : i32
        %dma_start3A_144 = arith.constant 0 : i32
        %dma_start3A_145 = tpu.memref_slice %arg6[%rem3A_105, %dma_start3A_143, %dma_start3A_144] : memref<6x2x64xi32, #tpu.memory_space<vmem>> -> memref<1x2x64xi32, #tpu.memory_space<vmem>>
        %dma_start3A_146 = tpu.memref_squeeze %dma_start3A_145 : memref<1x2x64xi32, #tpu.memory_space<vmem>> -> memref<2x64xi32, #tpu.memory_space<vmem>>
        %dma_start3A_147 = arith.constant 0 : i32
        %dma_start3A_148 = arith.constant 0 : i32
        %dma_start3A_149 = tpu.memref_slice %arg3[%add3A_142, %dma_start3A_147, %dma_start3A_148] : memref<5056x2x64xi32, #tpu.memory_space<hbm>> -> memref<1x2x64xi32, #tpu.memory_space<hbm>>
        %dma_start3A_150 = tpu.memref_squeeze %dma_start3A_149 : memref<1x2x64xi32, #tpu.memory_space<hbm>> -> memref<2x64xi32, #tpu.memory_space<hbm>>
        %dma_start3A_151 = tpu.memref_slice %arg11[%rem3A_105] : memref<6x!tpu.dma_semaphore, #tpu.memory_space<semaphore_mem>> -> memref<1x!tpu.dma_semaphore, #tpu.memory_space<semaphore_mem>>
        %dma_start3A_152 = tpu.memref_squeeze %dma_start3A_151 : memref<1x!tpu.dma_semaphore, #tpu.memory_space<semaphore_mem>> -> memref<!tpu.dma_semaphore, #tpu.memory_space<semaphore_mem>>
        %dma_start3A_153 = arith.constant 0 : i32
        %dma_start3A_154 = arith.constant 0 : i32
        %dma_start3A_155 = tpu.memref_slice %arg6[%rem3A_105, %dma_start3A_153, %dma_start3A_154] : memref<6x2x64xi32, #tpu.memory_space<vmem>> -> memref<1x2x64xi32, #tpu.memory_space<vmem>>
        %dma_start3A_156 = tpu.memref_squeeze %dma_start3A_155 : memref<1x2x64xi32, #tpu.memory_space<vmem>> -> memref<2x64xi32, #tpu.memory_space<vmem>>
        %dma_start3A_157 = arith.constant 0 : i32
        %dma_start3A_158 = arith.constant 0 : i32
        %dma_start3A_159 = tpu.memref_slice %arg3[%add3A_142, %dma_start3A_157, %dma_start3A_158] : memref<5056x2x64xi32, #tpu.memory_space<hbm>> -> memref<1x2x64xi32, #tpu.memory_space<hbm>>
        %dma_start3A_160 = tpu.memref_squeeze %dma_start3A_159 : memref<1x2x64xi32, #tpu.memory_space<hbm>> -> memref<2x64xi32, #tpu.memory_space<hbm>>
        tpu.enqueue_dma source(%dma_start3A_160 : memref<2x64xi32, #tpu.memory_space<hbm>>) target(%dma_start3A_156 : memref<2x64xi32, #tpu.memory_space<vmem>>) target_semaphore(%dma_start3A_152 : memref<!tpu.dma_semaphore, #tpu.memory_space<semaphore_mem>>)
      } else {
      }
      %dma_wait3A = arith.constant 0 : i32
      %dma_wait3A_115 = arith.constant 0 : i32
      %dma_wait3A_116 = arith.constant 0 : i32
      %dma_wait3A_117 = tpu.memref_slice %arg7[%rem3A_91, %dma_wait3A_115, %dma_wait3A_116] : memref<4x64x128xf32, #tpu.memory_space<vmem>> -> memref<1x64x128xf32, #tpu.memory_space<vmem>>
      %dma_wait3A_118 = tpu.memref_squeeze %dma_wait3A_117 : memref<1x64x128xf32, #tpu.memory_space<vmem>> -> memref<64x128xf32, #tpu.memory_space<vmem>>
      %dma_wait3A_119 = arith.constant 0 : i32
      %dma_wait3A_120 = tpu.memref_slice %arg6[%rem3A_97, %dma_wait3A, %dma_wait3A_119] : memref<6x2x64xi32, #tpu.memory_space<vmem>> -> memref<1x1x64xi32, #tpu.memory_space<vmem>>
      %dma_wait3A_121 = tpu.memref_squeeze %dma_wait3A_120 : memref<1x1x64xi32, #tpu.memory_space<vmem>> -> memref<64xi32, #tpu.memory_space<vmem>>
      %dma_wait3A_122 = arith.constant 0 : i32
      %dma_wait3A_123 = arith.constant 0 : i32
      %dma_wait3A_124 = tpu.memref_slice %arg2[%dma_wait3A_122, %dma_wait3A_123] : memref<10112x128xf32, #tpu.memory_space<hbm>> -> memref<10112x128xf32, #tpu.memory_space<hbm>>
      %dma_wait3A_125 = tpu.memref_slice %arg9[%rem3A_91] : memref<4x!tpu.dma_semaphore, #tpu.memory_space<semaphore_mem>> -> memref<1x!tpu.dma_semaphore, #tpu.memory_space<semaphore_mem>>
      %dma_wait3A_126 = tpu.memref_squeeze %dma_wait3A_125 : memref<1x!tpu.dma_semaphore, #tpu.memory_space<semaphore_mem>> -> memref<!tpu.dma_semaphore, #tpu.memory_space<semaphore_mem>>
      tpu.wait_indirect_dma semaphore(%dma_wait3A_126 : memref<!tpu.dma_semaphore, #tpu.memory_space<semaphore_mem>>) src(%dma_wait3A_124 : memref<10112x128xf32, #tpu.memory_space<hbm>>) dst(%dma_wait3A_118 : memref<64x128xf32, #tpu.memory_space<vmem>>)
      %dma_start3A_127 = arith.constant 1 : i32
      %dma_start3A_128 = arith.constant 0 : i32
      %dma_start3A_129 = arith.constant 0 : i32
      %dma_start3A_130 = tpu.memref_slice %arg7[%rem3A_91, %dma_start3A_128, %dma_start3A_129] : memref<4x64x128xf32, #tpu.memory_space<vmem>> -> memref<1x64x128xf32, #tpu.memory_space<vmem>>
      %dma_start3A_131 = tpu.memref_squeeze %dma_start3A_130 : memref<1x64x128xf32, #tpu.memory_space<vmem>> -> memref<64x128xf32, #tpu.memory_space<vmem>>
      %dma_start3A_132 = arith.constant 0 : i32
      %dma_start3A_133 = tpu.memref_slice %arg6[%rem3A_97, %dma_start3A_127, %dma_start3A_132] : memref<6x2x64xi32, #tpu.memory_space<vmem>> -> memref<1x1x64xi32, #tpu.memory_space<vmem>>
      %dma_start3A_134 = tpu.memref_squeeze %dma_start3A_133 : memref<1x1x64xi32, #tpu.memory_space<vmem>> -> memref<64xi32, #tpu.memory_space<vmem>>
      %dma_start3A_135 = arith.constant 0 : i32
      %dma_start3A_136 = arith.constant 0 : i32
      %dma_start3A_137 = tpu.memref_slice %arg8[%dma_start3A_135, %dma_start3A_136] : memref<10112x128xf32, #tpu.memory_space<vmem_shared>> -> memref<10112x128xf32, #tpu.memory_space<vmem_shared>>
      %dma_start3A_138 = tpu.memref_slice %arg10[%rem3A_91] : memref<4x!tpu.dma_semaphore, #tpu.memory_space<semaphore_mem>> -> memref<1x!tpu.dma_semaphore, #tpu.memory_space<semaphore_mem>>
      %dma_start3A_139 = tpu.memref_squeeze %dma_start3A_138 : memref<1x!tpu.dma_semaphore, #tpu.memory_space<semaphore_mem>> -> memref<!tpu.dma_semaphore, #tpu.memory_space<semaphore_mem>>
      tpu.enqueue_indirect_dma source(%dma_start3A_131 : memref<64x128xf32, #tpu.memory_space<vmem>>) target(%dma_start3A_137 : memref<10112x128xf32, #tpu.memory_space<vmem_shared>>) offsets(%dma_start3A_134 : memref<64xi32, #tpu.memory_space<vmem>>) semaphore(%dma_start3A_139 : memref<!tpu.dma_semaphore, #tpu.memory_space<semaphore_mem>>) {add = true}
    }
    %while3A_66 = arith.constant 1 : i32
    scf.for %while3A_90 = %while3A_64 to %while3A_60 step %while3A_66  : i32 {
      %rem3A = arith.constant 4 : i32
      %rem3A_91 = arith.remsi %while3A_90, %rem3A : i32
      %add3A_92 = arith.constant 2 : i32
      %add3A_93 = arith.addi %while3A_90, %add3A_92 : i32
      %rem3A_94 = arith.constant 4 : i32
      %rem3A_95 = arith.remsi %add3A_93, %rem3A_94 : i32
      %rem3A_96 = arith.constant 6 : i32
      %rem3A_97 = arith.remsi %while3A_90, %rem3A_96 : i32
      %add3A_98 = arith.constant 2 : i32
      %add3A_99 = arith.addi %while3A_90, %add3A_98 : i32
      %rem3A_100 = arith.constant 6 : i32
      %rem3A_101 = arith.remsi %add3A_99, %rem3A_100 : i32
      %add3A_102 = arith.constant 3 : i32
      %add3A_103 = arith.addi %while3A_90, %add3A_102 : i32
      %rem3A_104 = arith.constant 6 : i32
      %rem3A_105 = arith.remsi %add3A_103, %rem3A_104 : i32
      %add3A_106 = arith.constant 2 : i32
      %add3A_107 = arith.addi %while3A_90, %add3A_106 : i32
      %lt3A = arith.cmpi slt, %add3A_107, %select_n3A_9 : i32
      %convert_element_type3A = arith.extui %lt3A : i1 to i32
      %cond3A = arith.constant 0 : i32
      %cond3A_108 = arith.cmpi ne, %convert_element_type3A, %cond3A : i32
      scf.if %cond3A_108 {
        %ge3A = arith.constant 2 : i32
        %ge3A_140 = arith.cmpi sge, %while3A_90, %ge3A : i32
        %convert_element_type3A_141 = arith.extui %ge3A_140 : i1 to i32
        %cond3A_142 = arith.constant 0 : i32
        %cond3A_143 = arith.cmpi ne, %convert_element_type3A_141, %cond3A_142 : i32
        scf.if %cond3A_143 {
          %dma_wait3A_162 = arith.constant 1 : i32
          %dma_wait3A_163 = arith.constant 0 : i32
          %dma_wait3A_164 = arith.constant 0 : i32
          %dma_wait3A_165 = tpu.memref_slice %arg7[%rem3A_95, %dma_wait3A_163, %dma_wait3A_164] : memref<4x64x128xf32, #tpu.memory_space<vmem>> -> memref<1x64x128xf32, #tpu.memory_space<vmem>>
          %dma_wait3A_166 = tpu.memref_squeeze %dma_wait3A_165 : memref<1x64x128xf32, #tpu.memory_space<vmem>> -> memref<64x128xf32, #tpu.memory_space<vmem>>
          %dma_wait3A_167 = arith.constant 0 : i32
          %dma_wait3A_168 = tpu.memref_slice %arg6[%rem3A_101, %dma_wait3A_162, %dma_wait3A_167] : memref<6x2x64xi32, #tpu.memory_space<vmem>> -> memref<1x1x64xi32, #tpu.memory_space<vmem>>
          %dma_wait3A_169 = tpu.memref_squeeze %dma_wait3A_168 : memref<1x1x64xi32, #tpu.memory_space<vmem>> -> memref<64xi32, #tpu.memory_space<vmem>>
          %dma_wait3A_170 = arith.constant 0 : i32
          %dma_wait3A_171 = arith.constant 0 : i32
          %dma_wait3A_172 = tpu.memref_slice %arg8[%dma_wait3A_170, %dma_wait3A_171] : memref<10112x128xf32, #tpu.memory_space<vmem_shared>> -> memref<10112x128xf32, #tpu.memory_space<vmem_shared>>
          %dma_wait3A_173 = tpu.memref_slice %arg10[%rem3A_95] : memref<4x!tpu.dma_semaphore, #tpu.memory_space<semaphore_mem>> -> memref<1x!tpu.dma_semaphore, #tpu.memory_space<semaphore_mem>>
          %dma_wait3A_174 = tpu.memref_squeeze %dma_wait3A_173 : memref<1x!tpu.dma_semaphore, #tpu.memory_space<semaphore_mem>> -> memref<!tpu.dma_semaphore, #tpu.memory_space<semaphore_mem>>
          tpu.wait_indirect_dma semaphore(%dma_wait3A_174 : memref<!tpu.dma_semaphore, #tpu.memory_space<semaphore_mem>>) src(%dma_wait3A_166 : memref<64x128xf32, #tpu.memory_space<vmem>>) dst(%dma_wait3A_172 : memref<10112x128xf32, #tpu.memory_space<vmem_shared>>)
        } else {
        }
        %ge3A_144 = arith.constant 1 : i32
        %ge3A_145 = arith.cmpi sge, %while3A_90, %ge3A_144 : i32
        %convert_element_type3A_146 = arith.extui %ge3A_145 : i1 to i32
        %cond3A_147 = arith.constant 0 : i32
        %cond3A_148 = arith.cmpi ne, %convert_element_type3A_146, %cond3A_147 : i32
        scf.if %cond3A_148 {
          %add3A_162 = arith.addi %select_n3A, %while3A_90 : i32
          %add3A_163 = arith.constant 2 : i32
          %add3A_164 = arith.addi %add3A_162, %add3A_163 : i32
          %dma_wait3A_165 = arith.constant 0 : i32
          %dma_wait3A_166 = arith.constant 0 : i32
          %dma_wait3A_167 = tpu.memref_slice %arg6[%rem3A_101, %dma_wait3A_165, %dma_wait3A_166] : memref<6x2x64xi32, #tpu.memory_space<vmem>> -> memref<1x2x64xi32, #tpu.memory_space<vmem>>
          %dma_wait3A_168 = tpu.memref_squeeze %dma_wait3A_167 : memref<1x2x64xi32, #tpu.memory_space<vmem>> -> memref<2x64xi32, #tpu.memory_space<vmem>>
          %dma_wait3A_169 = arith.constant 0 : i32
          %dma_wait3A_170 = arith.constant 0 : i32
          %dma_wait3A_171 = tpu.memref_slice %arg3[%add3A_164, %dma_wait3A_169, %dma_wait3A_170] : memref<5056x2x64xi32, #tpu.memory_space<hbm>> -> memref<1x2x64xi32, #tpu.memory_space<hbm>>
          %dma_wait3A_172 = tpu.memref_squeeze %dma_wait3A_171 : memref<1x2x64xi32, #tpu.memory_space<hbm>> -> memref<2x64xi32, #tpu.memory_space<hbm>>
          %dma_wait3A_173 = tpu.memref_slice %arg11[%rem3A_101] : memref<6x!tpu.dma_semaphore, #tpu.memory_space<semaphore_mem>> -> memref<1x!tpu.dma_semaphore, #tpu.memory_space<semaphore_mem>>
          %dma_wait3A_174 = tpu.memref_squeeze %dma_wait3A_173 : memref<1x!tpu.dma_semaphore, #tpu.memory_space<semaphore_mem>> -> memref<!tpu.dma_semaphore, #tpu.memory_space<semaphore_mem>>
          %dma_wait3A_175 = arith.constant 0 : i32
          %dma_wait3A_176 = arith.constant 0 : i32
          %dma_wait3A_177 = tpu.memref_slice %arg6[%rem3A_101, %dma_wait3A_175, %dma_wait3A_176] : memref<6x2x64xi32, #tpu.memory_space<vmem>> -> memref<1x2x64xi32, #tpu.memory_space<vmem>>
          %dma_wait3A_178 = tpu.memref_squeeze %dma_wait3A_177 : memref<1x2x64xi32, #tpu.memory_space<vmem>> -> memref<2x64xi32, #tpu.memory_space<vmem>>
          %dma_wait3A_179 = arith.constant 0 : i32
          %dma_wait3A_180 = arith.constant 0 : i32
          %dma_wait3A_181 = tpu.memref_slice %arg3[%add3A_164, %dma_wait3A_179, %dma_wait3A_180] : memref<5056x2x64xi32, #tpu.memory_space<hbm>> -> memref<1x2x64xi32, #tpu.memory_space<hbm>>
          %dma_wait3A_182 = tpu.memref_squeeze %dma_wait3A_181 : memref<1x2x64xi32, #tpu.memory_space<hbm>> -> memref<2x64xi32, #tpu.memory_space<hbm>>
          tpu.wait_dma2 semaphore(%dma_wait3A_174 : memref<!tpu.dma_semaphore, #tpu.memory_space<semaphore_mem>>) src(%dma_wait3A_182 : memref<2x64xi32, #tpu.memory_space<hbm>>) dst(%dma_wait3A_178 : memref<2x64xi32, #tpu.memory_space<vmem>>)
        } else {
        }
        %dma_start3A_149 = arith.constant 0 : i32
        %dma_start3A_150 = arith.constant 0 : i32
        %dma_start3A_151 = arith.constant 0 : i32
        %dma_start3A_152 = tpu.memref_slice %arg7[%rem3A_95, %dma_start3A_150, %dma_start3A_151] : memref<4x64x128xf32, #tpu.memory_space<vmem>> -> memref<1x64x128xf32, #tpu.memory_space<vmem>>
        %dma_start3A_153 = tpu.memref_squeeze %dma_start3A_152 : memref<1x64x128xf32, #tpu.memory_space<vmem>> -> memref<64x128xf32, #tpu.memory_space<vmem>>
        %dma_start3A_154 = arith.constant 0 : i32
        %dma_start3A_155 = tpu.memref_slice %arg6[%rem3A_101, %dma_start3A_149, %dma_start3A_154] : memref<6x2x64xi32, #tpu.memory_space<vmem>> -> memref<1x1x64xi32, #tpu.memory_space<vmem>>
        %dma_start3A_156 = tpu.memref_squeeze %dma_start3A_155 : memref<1x1x64xi32, #tpu.memory_space<vmem>> -> memref<64xi32, #tpu.memory_space<vmem>>
        %dma_start3A_157 = arith.constant 0 : i32
        %dma_start3A_158 = arith.constant 0 : i32
        %dma_start3A_159 = tpu.memref_slice %arg2[%dma_start3A_157, %dma_start3A_158] : memref<10112x128xf32, #tpu.memory_space<hbm>> -> memref<10112x128xf32, #tpu.memory_space<hbm>>
        %dma_start3A_160 = tpu.memref_slice %arg9[%rem3A_95] : memref<4x!tpu.dma_semaphore, #tpu.memory_space<semaphore_mem>> -> memref<1x!tpu.dma_semaphore, #tpu.memory_space<semaphore_mem>>
        %dma_start3A_161 = tpu.memref_squeeze %dma_start3A_160 : memref<1x!tpu.dma_semaphore, #tpu.memory_space<semaphore_mem>> -> memref<!tpu.dma_semaphore, #tpu.memory_space<semaphore_mem>>
        tpu.enqueue_indirect_dma source(%dma_start3A_159 : memref<10112x128xf32, #tpu.memory_space<hbm>>) target(%dma_start3A_153 : memref<64x128xf32, #tpu.memory_space<vmem>>) offsets(%dma_start3A_156 : memref<64xi32, #tpu.memory_space<vmem>>) semaphore(%dma_start3A_161 : memref<!tpu.dma_semaphore, #tpu.memory_space<semaphore_mem>>)
      } else {
      }
      %add3A_109 = arith.constant 3 : i32
      %add3A_110 = arith.addi %while3A_90, %add3A_109 : i32
      %lt3A_111 = arith.cmpi slt, %add3A_110, %select_n3A_9 : i32
      %convert_element_type3A_112 = arith.extui %lt3A_111 : i1 to i32
      %cond3A_113 = arith.constant 0 : i32
      %cond3A_114 = arith.cmpi ne, %convert_element_type3A_112, %cond3A_113 : i32
      scf.if %cond3A_114 {
        %add3A_140 = arith.addi %select_n3A, %while3A_90 : i32
        %add3A_141 = arith.constant 3 : i32
        %add3A_142 = arith.addi %add3A_140, %add3A_141 : i32
        %dma_start3A_143 = arith.constant 0 : i32
        %dma_start3A_144 = arith.constant 0 : i32
        %dma_start3A_145 = tpu.memref_slice %arg6[%rem3A_105, %dma_start3A_143, %dma_start3A_144] : memref<6x2x64xi32, #tpu.memory_space<vmem>> -> memref<1x2x64xi32, #tpu.memory_space<vmem>>
        %dma_start3A_146 = tpu.memref_squeeze %dma_start3A_145 : memref<1x2x64xi32, #tpu.memory_space<vmem>> -> memref<2x64xi32, #tpu.memory_space<vmem>>
        %dma_start3A_147 = arith.constant 0 : i32
        %dma_start3A_148 = arith.constant 0 : i32
        %dma_start3A_149 = tpu.memref_slice %arg3[%add3A_142, %dma_start3A_147, %dma_start3A_148] : memref<5056x2x64xi32, #tpu.memory_space<hbm>> -> memref<1x2x64xi32, #tpu.memory_space<hbm>>
        %dma_start3A_150 = tpu.memref_squeeze %dma_start3A_149 : memref<1x2x64xi32, #tpu.memory_space<hbm>> -> memref<2x64xi32, #tpu.memory_space<hbm>>
        %dma_start3A_151 = tpu.memref_slice %arg11[%rem3A_105] : memref<6x!tpu.dma_semaphore, #tpu.memory_space<semaphore_mem>> -> memref<1x!tpu.dma_semaphore, #tpu.memory_space<semaphore_mem>>
        %dma_start3A_152 = tpu.memref_squeeze %dma_start3A_151 : memref<1x!tpu.dma_semaphore, #tpu.memory_space<semaphore_mem>> -> memref<!tpu.dma_semaphore, #tpu.memory_space<semaphore_mem>>
        %dma_start3A_153 = arith.constant 0 : i32
        %dma_start3A_154 = arith.constant 0 : i32
        %dma_start3A_155 = tpu.memref_slice %arg6[%rem3A_105, %dma_start3A_153, %dma_start3A_154] : memref<6x2x64xi32, #tpu.memory_space<vmem>> -> memref<1x2x64xi32, #tpu.memory_space<vmem>>
        %dma_start3A_156 = tpu.memref_squeeze %dma_start3A_155 : memref<1x2x64xi32, #tpu.memory_space<vmem>> -> memref<2x64xi32, #tpu.memory_space<vmem>>
        %dma_start3A_157 = arith.constant 0 : i32
        %dma_start3A_158 = arith.constant 0 : i32
        %dma_start3A_159 = tpu.memref_slice %arg3[%add3A_142, %dma_start3A_157, %dma_start3A_158] : memref<5056x2x64xi32, #tpu.memory_space<hbm>> -> memref<1x2x64xi32, #tpu.memory_space<hbm>>
        %dma_start3A_160 = tpu.memref_squeeze %dma_start3A_159 : memref<1x2x64xi32, #tpu.memory_space<hbm>> -> memref<2x64xi32, #tpu.memory_space<hbm>>
        tpu.enqueue_dma source(%dma_start3A_160 : memref<2x64xi32, #tpu.memory_space<hbm>>) target(%dma_start3A_156 : memref<2x64xi32, #tpu.memory_space<vmem>>) target_semaphore(%dma_start3A_152 : memref<!tpu.dma_semaphore, #tpu.memory_space<semaphore_mem>>)
      } else {
      }
      %dma_wait3A = arith.constant 0 : i32
      %dma_wait3A_115 = arith.constant 0 : i32
      %dma_wait3A_116 = arith.constant 0 : i32
      %dma_wait3A_117 = tpu.memref_slice %arg7[%rem3A_91, %dma_wait3A_115, %dma_wait3A_116] : memref<4x64x128xf32, #tpu.memory_space<vmem>> -> memref<1x64x128xf32, #tpu.memory_space<vmem>>
      %dma_wait3A_118 = tpu.memref_squeeze %dma_wait3A_117 : memref<1x64x128xf32, #tpu.memory_space<vmem>> -> memref<64x128xf32, #tpu.memory_space<vmem>>
      %dma_wait3A_119 = arith.constant 0 : i32
      %dma_wait3A_120 = tpu.memref_slice %arg6[%rem3A_97, %dma_wait3A, %dma_wait3A_119] : memref<6x2x64xi32, #tpu.memory_space<vmem>> -> memref<1x1x64xi32, #tpu.memory_space<vmem>>
      %dma_wait3A_121 = tpu.memref_squeeze %dma_wait3A_120 : memref<1x1x64xi32, #tpu.memory_space<vmem>> -> memref<64xi32, #tpu.memory_space<vmem>>
      %dma_wait3A_122 = arith.constant 0 : i32
      %dma_wait3A_123 = arith.constant 0 : i32
      %dma_wait3A_124 = tpu.memref_slice %arg2[%dma_wait3A_122, %dma_wait3A_123] : memref<10112x128xf32, #tpu.memory_space<hbm>> -> memref<10112x128xf32, #tpu.memory_space<hbm>>
      %dma_wait3A_125 = tpu.memref_slice %arg9[%rem3A_91] : memref<4x!tpu.dma_semaphore, #tpu.memory_space<semaphore_mem>> -> memref<1x!tpu.dma_semaphore, #tpu.memory_space<semaphore_mem>>
      %dma_wait3A_126 = tpu.memref_squeeze %dma_wait3A_125 : memref<1x!tpu.dma_semaphore, #tpu.memory_space<semaphore_mem>> -> memref<!tpu.dma_semaphore, #tpu.memory_space<semaphore_mem>>
      tpu.wait_indirect_dma semaphore(%dma_wait3A_126 : memref<!tpu.dma_semaphore, #tpu.memory_space<semaphore_mem>>) src(%dma_wait3A_124 : memref<10112x128xf32, #tpu.memory_space<hbm>>) dst(%dma_wait3A_118 : memref<64x128xf32, #tpu.memory_space<vmem>>)
      %dma_start3A_127 = arith.constant 1 : i32
      %dma_start3A_128 = arith.constant 0 : i32
      %dma_start3A_129 = arith.constant 0 : i32
      %dma_start3A_130 = tpu.memref_slice %arg7[%rem3A_91, %dma_start3A_128, %dma_start3A_129] : memref<4x64x128xf32, #tpu.memory_space<vmem>> -> memref<1x64x128xf32, #tpu.memory_space<vmem>>
      %dma_start3A_131 = tpu.memref_squeeze %dma_start3A_130 : memref<1x64x128xf32, #tpu.memory_space<vmem>> -> memref<64x128xf32, #tpu.memory_space<vmem>>
      %dma_start3A_132 = arith.constant 0 : i32
      %dma_start3A_133 = tpu.memref_slice %arg6[%rem3A_97, %dma_start3A_127, %dma_start3A_132] : memref<6x2x64xi32, #tpu.memory_space<vmem>> -> memref<1x1x64xi32, #tpu.memory_space<vmem>>
      %dma_start3A_134 = tpu.memref_squeeze %dma_start3A_133 : memref<1x1x64xi32, #tpu.memory_space<vmem>> -> memref<64xi32, #tpu.memory_space<vmem>>
      %dma_start3A_135 = arith.constant 0 : i32
      %dma_start3A_136 = arith.constant 0 : i32
      %dma_start3A_137 = tpu.memref_slice %arg8[%dma_start3A_135, %dma_start3A_136] : memref<10112x128xf32, #tpu.memory_space<vmem_shared>> -> memref<10112x128xf32, #tpu.memory_space<vmem_shared>>
      %dma_start3A_138 = tpu.memref_slice %arg10[%rem3A_91] : memref<4x!tpu.dma_semaphore, #tpu.memory_space<semaphore_mem>> -> memref<1x!tpu.dma_semaphore, #tpu.memory_space<semaphore_mem>>
      %dma_start3A_139 = tpu.memref_squeeze %dma_start3A_138 : memref<1x!tpu.dma_semaphore, #tpu.memory_space<semaphore_mem>> -> memref<!tpu.dma_semaphore, #tpu.memory_space<semaphore_mem>>
      tpu.enqueue_indirect_dma source(%dma_start3A_131 : memref<64x128xf32, #tpu.memory_space<vmem>>) target(%dma_start3A_137 : memref<10112x128xf32, #tpu.memory_space<vmem_shared>>) offsets(%dma_start3A_134 : memref<64xi32, #tpu.memory_space<vmem>>) semaphore(%dma_start3A_139 : memref<!tpu.dma_semaphore, #tpu.memory_space<semaphore_mem>>) {add = true}
    }
    %sub3A = arith.constant 4 : i32
    %sub3A_67 = arith.subi %select_n3A_9, %sub3A : i32
    %while3A_68 = arith.constant 0 : i32
    %while3A_69 = arith.subi %select_n3A_9, %sub3A_67 : i32
    %while3A_70 = arith.addi %sub3A_67, %while3A_69 : i32
    %while3A_71 = arith.constant 1 : i32
    %while3A_72 = arith.divsi %while3A_69, %while3A_71 : i32
    %while3A_73 = arith.muli %while3A_72, %while3A_71 : i32
    %while3A_74 = arith.addi %sub3A_67, %while3A_73 : i32
    %while3A_75 = arith.constant 1 : i32
    scf.for %while3A_90 = %sub3A_67 to %while3A_74 step %while3A_75  : i32 {
      %rem3A = arith.constant 4 : i32
      %rem3A_91 = arith.remsi %while3A_90, %rem3A : i32
      %rem3A_92 = arith.constant 6 : i32
      %rem3A_93 = arith.remsi %while3A_90, %rem3A_92 : i32
      %rem3A_94 = arith.constant 4 : i32
      %rem3A_95 = arith.remsi %while3A_90, %rem3A_94 : i32
      %dma_wait3A = arith.constant 1 : i32
      %dma_wait3A_96 = arith.constant 0 : i32
      %dma_wait3A_97 = arith.constant 0 : i32
      %dma_wait3A_98 = tpu.memref_slice %arg7[%rem3A_91, %dma_wait3A_96, %dma_wait3A_97] : memref<4x64x128xf32, #tpu.memory_space<vmem>> -> memref<1x64x128xf32, #tpu.memory_space<vmem>>
      %dma_wait3A_99 = tpu.memref_squeeze %dma_wait3A_98 : memref<1x64x128xf32, #tpu.memory_space<vmem>> -> memref<64x128xf32, #tpu.memory_space<vmem>>
      %dma_wait3A_100 = arith.constant 0 : i32
      %dma_wait3A_101 = tpu.memref_slice %arg6[%rem3A_93, %dma_wait3A, %dma_wait3A_100] : memref<6x2x64xi32, #tpu.memory_space<vmem>> -> memref<1x1x64xi32, #tpu.memory_space<vmem>>
      %dma_wait3A_102 = tpu.memref_squeeze %dma_wait3A_101 : memref<1x1x64xi32, #tpu.memory_space<vmem>> -> memref<64xi32, #tpu.memory_space<vmem>>
      %dma_wait3A_103 = arith.constant 0 : i32
      %dma_wait3A_104 = arith.constant 0 : i32
      %dma_wait3A_105 = tpu.memref_slice %arg8[%dma_wait3A_103, %dma_wait3A_104] : memref<10112x128xf32, #tpu.memory_space<vmem_shared>> -> memref<10112x128xf32, #tpu.memory_space<vmem_shared>>
      %dma_wait3A_106 = tpu.memref_slice %arg10[%rem3A_95] : memref<4x!tpu.dma_semaphore, #tpu.memory_space<semaphore_mem>> -> memref<1x!tpu.dma_semaphore, #tpu.memory_space<semaphore_mem>>
      %dma_wait3A_107 = tpu.memref_squeeze %dma_wait3A_106 : memref<1x!tpu.dma_semaphore, #tpu.memory_space<semaphore_mem>> -> memref<!tpu.dma_semaphore, #tpu.memory_space<semaphore_mem>>
      tpu.wait_indirect_dma semaphore(%dma_wait3A_107 : memref<!tpu.dma_semaphore, #tpu.memory_space<semaphore_mem>>) src(%dma_wait3A_99 : memref<64x128xf32, #tpu.memory_space<vmem>>) dst(%dma_wait3A_105 : memref<10112x128xf32, #tpu.memory_space<vmem_shared>>)
    }
    %while3A_76 = arith.constant 1 : i32
    scf.for %while3A_90 = %while3A_74 to %while3A_70 step %while3A_76  : i32 {
      %rem3A = arith.constant 4 : i32
      %rem3A_91 = arith.remsi %while3A_90, %rem3A : i32
      %rem3A_92 = arith.constant 6 : i32
      %rem3A_93 = arith.remsi %while3A_90, %rem3A_92 : i32
      %rem3A_94 = arith.constant 4 : i32
      %rem3A_95 = arith.remsi %while3A_90, %rem3A_94 : i32
      %dma_wait3A = arith.constant 1 : i32
      %dma_wait3A_96 = arith.constant 0 : i32
      %dma_wait3A_97 = arith.constant 0 : i32
      %dma_wait3A_98 = tpu.memref_slice %arg7[%rem3A_91, %dma_wait3A_96, %dma_wait3A_97] : memref<4x64x128xf32, #tpu.memory_space<vmem>> -> memref<1x64x128xf32, #tpu.memory_space<vmem>>
      %dma_wait3A_99 = tpu.memref_squeeze %dma_wait3A_98 : memref<1x64x128xf32, #tpu.memory_space<vmem>> -> memref<64x128xf32, #tpu.memory_space<vmem>>
      %dma_wait3A_100 = arith.constant 0 : i32
      %dma_wait3A_101 = tpu.memref_slice %arg6[%rem3A_93, %dma_wait3A, %dma_wait3A_100] : memref<6x2x64xi32, #tpu.memory_space<vmem>> -> memref<1x1x64xi32, #tpu.memory_space<vmem>>
      %dma_wait3A_102 = tpu.memref_squeeze %dma_wait3A_101 : memref<1x1x64xi32, #tpu.memory_space<vmem>> -> memref<64xi32, #tpu.memory_space<vmem>>
      %dma_wait3A_103 = arith.constant 0 : i32
      %dma_wait3A_104 = arith.constant 0 : i32
      %dma_wait3A_105 = tpu.memref_slice %arg8[%dma_wait3A_103, %dma_wait3A_104] : memref<10112x128xf32, #tpu.memory_space<vmem_shared>> -> memref<10112x128xf32, #tpu.memory_space<vmem_shared>>
      %dma_wait3A_106 = tpu.memref_slice %arg10[%rem3A_95] : memref<4x!tpu.dma_semaphore, #tpu.memory_space<semaphore_mem>> -> memref<1x!tpu.dma_semaphore, #tpu.memory_space<semaphore_mem>>
      %dma_wait3A_107 = tpu.memref_squeeze %dma_wait3A_106 : memref<1x!tpu.dma_semaphore, #tpu.memory_space<semaphore_mem>> -> memref<!tpu.dma_semaphore, #tpu.memory_space<semaphore_mem>>
      tpu.wait_indirect_dma semaphore(%dma_wait3A_107 : memref<!tpu.dma_semaphore, #tpu.memory_space<semaphore_mem>>) src(%dma_wait3A_99 : memref<64x128xf32, #tpu.memory_space<vmem>>) dst(%dma_wait3A_105 : memref<10112x128xf32, #tpu.memory_space<vmem_shared>>)
    }
    %barrier3A_77 = arith.constant 0 : index
    tpu.barrier barrier_id(%barrier3A_77)
    %scan3A_78 = arith.constant 0 : i32
    %scan3A_79 = arith.constant 0 : i32
    %scan3A_80 = arith.constant 9 : i32
    %scan3A_81 = arith.addi %scan3A_79, %scan3A_80 : i32
    %scan3A_82 = arith.constant 1 : i32
    scf.for %scan3A_90 = %scan3A_79 to %scan3A_81 step %scan3A_82  : i32 {
      %mul3A_91 = arith.constant 632 : i32
      %mul3A_92 = arith.muli %arg1, %mul3A_91 : i32
      %mul3A_93 = arith.constant 64 : i32
      %mul3A_94 = arith.muli %scan3A_90, %mul3A_93 : i32
      %add3A_95 = arith.addi %mul3A_92, %mul3A_94 : i32
      %run_scoped3A_96 = arith.constant 0 : i32
      "tpu.region"() ({
        %run_scoped3A_98 = tpu.sem_alloc : memref<!tpu.dma_semaphore, #tpu.memory_space<semaphore_mem>>
        %dma_start3A_99 = arith.constant 0 : i32
        %dma_start3A_100 = arith.constant 0 : i32
        %dma_start3A_101 = tpu.memref_slice %arg7[%run_scoped3A_96, %dma_start3A_99, %dma_start3A_100] : memref<4x64x128xf32, #tpu.memory_space<vmem>> -> memref<1x64x128xf32, #tpu.memory_space<vmem>>
        %dma_start3A_102 = tpu.memref_squeeze %dma_start3A_101 : memref<1x64x128xf32, #tpu.memory_space<vmem>> -> memref<64x128xf32, #tpu.memory_space<vmem>>
        %dma_start3A_103 = arith.constant 0 : i32
        %dma_start3A_104 = tpu.memref_slice %arg8[%add3A_95, %dma_start3A_103] : memref<10112x128xf32, #tpu.memory_space<vmem_shared>> -> memref<64x128xf32, #tpu.memory_space<vmem_shared>>
        %dma_start3A_105 = arith.constant 0 : i32
        %dma_start3A_106 = arith.constant 0 : i32
        %dma_start3A_107 = tpu.memref_slice %arg7[%run_scoped3A_96, %dma_start3A_105, %dma_start3A_106] : memref<4x64x128xf32, #tpu.memory_space<vmem>> -> memref<1x64x128xf32, #tpu.memory_space<vmem>>
        %dma_start3A_108 = tpu.memref_squeeze %dma_start3A_107 : memref<1x64x128xf32, #tpu.memory_space<vmem>> -> memref<64x128xf32, #tpu.memory_space<vmem>>
        %dma_start3A_109 = arith.constant 0 : i32
        %dma_start3A_110 = tpu.memref_slice %arg8[%add3A_95, %dma_start3A_109] : memref<10112x128xf32, #tpu.memory_space<vmem_shared>> -> memref<64x128xf32, #tpu.memory_space<vmem_shared>>
        tpu.enqueue_dma source(%dma_start3A_110 : memref<64x128xf32, #tpu.memory_space<vmem_shared>>) target(%dma_start3A_108 : memref<64x128xf32, #tpu.memory_space<vmem>>) target_semaphore(%run_scoped3A_98 : memref<!tpu.dma_semaphore, #tpu.memory_space<semaphore_mem>>)
        %dma_wait3A = arith.constant 0 : i32
        %dma_wait3A_111 = arith.constant 0 : i32
        %dma_wait3A_112 = tpu.memref_slice %arg7[%run_scoped3A_96, %dma_wait3A, %dma_wait3A_111] : memref<4x64x128xf32, #tpu.memory_space<vmem>> -> memref<1x64x128xf32, #tpu.memory_space<vmem>>
        %dma_wait3A_113 = tpu.memref_squeeze %dma_wait3A_112 : memref<1x64x128xf32, #tpu.memory_space<vmem>> -> memref<64x128xf32, #tpu.memory_space<vmem>>
        %dma_wait3A_114 = arith.constant 0 : i32
        %dma_wait3A_115 = tpu.memref_slice %arg8[%add3A_95, %dma_wait3A_114] : memref<10112x128xf32, #tpu.memory_space<vmem_shared>> -> memref<64x128xf32, #tpu.memory_space<vmem_shared>>
        %dma_wait3A_116 = arith.constant 0 : i32
        %dma_wait3A_117 = arith.constant 0 : i32
        %dma_wait3A_118 = tpu.memref_slice %arg7[%run_scoped3A_96, %dma_wait3A_116, %dma_wait3A_117] : memref<4x64x128xf32, #tpu.memory_space<vmem>> -> memref<1x64x128xf32, #tpu.memory_space<vmem>>
        %dma_wait3A_119 = tpu.memref_squeeze %dma_wait3A_118 : memref<1x64x128xf32, #tpu.memory_space<vmem>> -> memref<64x128xf32, #tpu.memory_space<vmem>>
        %dma_wait3A_120 = arith.constant 0 : i32
        %dma_wait3A_121 = tpu.memref_slice %arg8[%add3A_95, %dma_wait3A_120] : memref<10112x128xf32, #tpu.memory_space<vmem_shared>> -> memref<64x128xf32, #tpu.memory_space<vmem_shared>>
        tpu.wait_dma2 semaphore(%run_scoped3A_98 : memref<!tpu.dma_semaphore, #tpu.memory_space<semaphore_mem>>) src(%dma_wait3A_121 : memref<64x128xf32, #tpu.memory_space<vmem_shared>>) dst(%dma_wait3A_119 : memref<64x128xf32, #tpu.memory_space<vmem>>)
        tpu.yield
      }) : () -> ()
      %run_scoped3A_97 = arith.constant 0 : i32
      "tpu.region"() ({
        %run_scoped3A_98 = tpu.sem_alloc : memref<!tpu.dma_semaphore, #tpu.memory_space<semaphore_mem>>
        %dma_start3A_99 = arith.constant 0 : i32
        %dma_start3A_100 = arith.constant 0 : i32
        %dma_start3A_101 = tpu.memref_slice %arg7[%run_scoped3A_97, %dma_start3A_99, %dma_start3A_100] : memref<4x64x128xf32, #tpu.memory_space<vmem>> -> memref<1x64x128xf32, #tpu.memory_space<vmem>>
        %dma_start3A_102 = tpu.memref_squeeze %dma_start3A_101 : memref<1x64x128xf32, #tpu.memory_space<vmem>> -> memref<64x128xf32, #tpu.memory_space<vmem>>
        %dma_start3A_103 = arith.constant 0 : i32
        %dma_start3A_104 = tpu.memref_slice %arg5[%arg0, %add3A_95, %dma_start3A_103] : memref<2x10112x128xf32, #tpu.memory_space<hbm>> -> memref<1x64x128xf32, #tpu.memory_space<hbm>>
        %dma_start3A_105 = tpu.memref_squeeze %dma_start3A_104 : memref<1x64x128xf32, #tpu.memory_space<hbm>> -> memref<64x128xf32, #tpu.memory_space<hbm>>
        %dma_start3A_106 = arith.constant 0 : i32
        %dma_start3A_107 = tpu.memref_slice %arg5[%arg0, %add3A_95, %dma_start3A_106] : memref<2x10112x128xf32, #tpu.memory_space<hbm>> -> memref<1x64x128xf32, #tpu.memory_space<hbm>>
        %dma_start3A_108 = tpu.memref_squeeze %dma_start3A_107 : memref<1x64x128xf32, #tpu.memory_space<hbm>> -> memref<64x128xf32, #tpu.memory_space<hbm>>
        %dma_start3A_109 = arith.constant 0 : i32
        %dma_start3A_110 = arith.constant 0 : i32
        %dma_start3A_111 = tpu.memref_slice %arg7[%run_scoped3A_97, %dma_start3A_109, %dma_start3A_110] : memref<4x64x128xf32, #tpu.memory_space<vmem>> -> memref<1x64x128xf32, #tpu.memory_space<vmem>>
        %dma_start3A_112 = tpu.memref_squeeze %dma_start3A_111 : memref<1x64x128xf32, #tpu.memory_space<vmem>> -> memref<64x128xf32, #tpu.memory_space<vmem>>
        tpu.enqueue_dma source(%dma_start3A_112 : memref<64x128xf32, #tpu.memory_space<vmem>>) target(%dma_start3A_108 : memref<64x128xf32, #tpu.memory_space<hbm>>) target_semaphore(%run_scoped3A_98 : memref<!tpu.dma_semaphore, #tpu.memory_space<semaphore_mem>>)
        %dma_wait3A = arith.constant 0 : i32
        %dma_wait3A_113 = arith.constant 0 : i32
        %dma_wait3A_114 = tpu.memref_slice %arg7[%run_scoped3A_97, %dma_wait3A, %dma_wait3A_113] : memref<4x64x128xf32, #tpu.memory_space<vmem>> -> memref<1x64x128xf32, #tpu.memory_space<vmem>>
        %dma_wait3A_115 = tpu.memref_squeeze %dma_wait3A_114 : memref<1x64x128xf32, #tpu.memory_space<vmem>> -> memref<64x128xf32, #tpu.memory_space<vmem>>
        %dma_wait3A_116 = arith.constant 0 : i32
        %dma_wait3A_117 = tpu.memref_slice %arg5[%arg0, %add3A_95, %dma_wait3A_116] : memref<2x10112x128xf32, #tpu.memory_space<hbm>> -> memref<1x64x128xf32, #tpu.memory_space<hbm>>
        %dma_wait3A_118 = tpu.memref_squeeze %dma_wait3A_117 : memref<1x64x128xf32, #tpu.memory_space<hbm>> -> memref<64x128xf32, #tpu.memory_space<hbm>>
        %dma_wait3A_119 = arith.constant 0 : i32
        %dma_wait3A_120 = tpu.memref_slice %arg5[%arg0, %add3A_95, %dma_wait3A_119] : memref<2x10112x128xf32, #tpu.memory_space<hbm>> -> memref<1x64x128xf32, #tpu.memory_space<hbm>>
        %dma_wait3A_121 = tpu.memref_squeeze %dma_wait3A_120 : memref<1x64x128xf32, #tpu.memory_space<hbm>> -> memref<64x128xf32, #tpu.memory_space<hbm>>
        %dma_wait3A_122 = arith.constant 0 : i32
        %dma_wait3A_123 = arith.constant 0 : i32
        %dma_wait3A_124 = tpu.memref_slice %arg7[%run_scoped3A_97, %dma_wait3A_122, %dma_wait3A_123] : memref<4x64x128xf32, #tpu.memory_space<vmem>> -> memref<1x64x128xf32, #tpu.memory_space<vmem>>
        %dma_wait3A_125 = tpu.memref_squeeze %dma_wait3A_124 : memref<1x64x128xf32, #tpu.memory_space<vmem>> -> memref<64x128xf32, #tpu.memory_space<vmem>>
        tpu.wait_dma2 semaphore(%run_scoped3A_98 : memref<!tpu.dma_semaphore, #tpu.memory_space<semaphore_mem>>) src(%dma_wait3A_125 : memref<64x128xf32, #tpu.memory_space<vmem>>) dst(%dma_wait3A_121 : memref<64x128xf32, #tpu.memory_space<hbm>>)
        tpu.yield
      }) : () -> ()
    }
    %scan3A_83 = arith.constant 9 : i32
    %mul3A_84 = arith.constant 632 : i32
    %mul3A_85 = arith.muli %arg1, %mul3A_84 : i32
    %add3A_86 = arith.constant 576 : i32
    %add3A_87 = arith.addi %mul3A_85, %add3A_86 : i32
    %run_scoped3A_88 = arith.constant 0 : i32
    "tpu.region"() ({
      %run_scoped3A_90 = tpu.sem_alloc : memref<!tpu.dma_semaphore, #tpu.memory_space<semaphore_mem>>
      %dma_start3A_91 = arith.constant 0 : i32
      %dma_start3A_92 = arith.constant 0 : i32
      %dma_start3A_93 = tpu.memref_slice %arg7[%run_scoped3A_88, %dma_start3A_91, %dma_start3A_92] : memref<4x64x128xf32, #tpu.memory_space<vmem>> -> memref<1x56x128xf32, #tpu.memory_space<vmem>>
      %dma_start3A_94 = tpu.memref_squeeze %dma_start3A_93 : memref<1x56x128xf32, #tpu.memory_space<vmem>> -> memref<56x128xf32, #tpu.memory_space<vmem>>
      %dma_start3A_95 = arith.constant 0 : i32
      %dma_start3A_96 = tpu.memref_slice %arg8[%add3A_87, %dma_start3A_95] : memref<10112x128xf32, #tpu.memory_space<vmem_shared>> -> memref<56x128xf32, #tpu.memory_space<vmem_shared>>
      %dma_start3A_97 = arith.constant 0 : i32
      %dma_start3A_98 = arith.constant 0 : i32
      %dma_start3A_99 = tpu.memref_slice %arg7[%run_scoped3A_88, %dma_start3A_97, %dma_start3A_98] : memref<4x64x128xf32, #tpu.memory_space<vmem>> -> memref<1x56x128xf32, #tpu.memory_space<vmem>>
      %dma_start3A_100 = tpu.memref_squeeze %dma_start3A_99 : memref<1x56x128xf32, #tpu.memory_space<vmem>> -> memref<56x128xf32, #tpu.memory_space<vmem>>
      %dma_start3A_101 = arith.constant 0 : i32
      %dma_start3A_102 = tpu.memref_slice %arg8[%add3A_87, %dma_start3A_101] : memref<10112x128xf32, #tpu.memory_space<vmem_shared>> -> memref<56x128xf32, #tpu.memory_space<vmem_shared>>
      tpu.enqueue_dma source(%dma_start3A_102 : memref<56x128xf32, #tpu.memory_space<vmem_shared>>) target(%dma_start3A_100 : memref<56x128xf32, #tpu.memory_space<vmem>>) target_semaphore(%run_scoped3A_90 : memref<!tpu.dma_semaphore, #tpu.memory_space<semaphore_mem>>)
      %dma_wait3A = arith.constant 0 : i32
      %dma_wait3A_103 = arith.constant 0 : i32
      %dma_wait3A_104 = tpu.memref_slice %arg7[%run_scoped3A_88, %dma_wait3A, %dma_wait3A_103] : memref<4x64x128xf32, #tpu.memory_space<vmem>> -> memref<1x56x128xf32, #tpu.memory_space<vmem>>
      %dma_wait3A_105 = tpu.memref_squeeze %dma_wait3A_104 : memref<1x56x128xf32, #tpu.memory_space<vmem>> -> memref<56x128xf32, #tpu.memory_space<vmem>>
      %dma_wait3A_106 = arith.constant 0 : i32
      %dma_wait3A_107 = tpu.memref_slice %arg8[%add3A_87, %dma_wait3A_106] : memref<10112x128xf32, #tpu.memory_space<vmem_shared>> -> memref<56x128xf32, #tpu.memory_space<vmem_shared>>
      %dma_wait3A_108 = arith.constant 0 : i32
      %dma_wait3A_109 = arith.constant 0 : i32
      %dma_wait3A_110 = tpu.memref_slice %arg7[%run_scoped3A_88, %dma_wait3A_108, %dma_wait3A_109] : memref<4x64x128xf32, #tpu.memory_space<vmem>> -> memref<1x56x128xf32, #tpu.memory_space<vmem>>
      %dma_wait3A_111 = tpu.memref_squeeze %dma_wait3A_110 : memref<1x56x128xf32, #tpu.memory_space<vmem>> -> memref<56x128xf32, #tpu.memory_space<vmem>>
      %dma_wait3A_112 = arith.constant 0 : i32
      %dma_wait3A_113 = tpu.memref_slice %arg8[%add3A_87, %dma_wait3A_112] : memref<10112x128xf32, #tpu.memory_space<vmem_shared>> -> memref<56x128xf32, #tpu.memory_space<vmem_shared>>
      tpu.wait_dma2 semaphore(%run_scoped3A_90 : memref<!tpu.dma_semaphore, #tpu.memory_space<semaphore_mem>>) src(%dma_wait3A_113 : memref<56x128xf32, #tpu.memory_space<vmem_shared>>) dst(%dma_wait3A_111 : memref<56x128xf32, #tpu.memory_space<vmem>>)
      tpu.yield
    }) : () -> ()
    %run_scoped3A_89 = arith.constant 0 : i32
    "tpu.region"() ({
      %run_scoped3A_90 = tpu.sem_alloc : memref<!tpu.dma_semaphore, #tpu.memory_space<semaphore_mem>>
      %dma_start3A_91 = arith.constant 0 : i32
      %dma_start3A_92 = arith.constant 0 : i32
      %dma_start3A_93 = tpu.memref_slice %arg7[%run_scoped3A_89, %dma_start3A_91, %dma_start3A_92] : memref<4x64x128xf32, #tpu.memory_space<vmem>> -> memref<1x56x128xf32, #tpu.memory_space<vmem>>
      %dma_start3A_94 = tpu.memref_squeeze %dma_start3A_93 : memref<1x56x128xf32, #tpu.memory_space<vmem>> -> memref<56x128xf32, #tpu.memory_space<vmem>>
      %dma_start3A_95 = arith.constant 0 : i32
      %dma_start3A_96 = tpu.memref_slice %arg5[%arg0, %add3A_87, %dma_start3A_95] : memref<2x10112x128xf32, #tpu.memory_space<hbm>> -> memref<1x56x128xf32, #tpu.memory_space<hbm>>
      %dma_start3A_97 = tpu.memref_squeeze %dma_start3A_96 : memref<1x56x128xf32, #tpu.memory_space<hbm>> -> memref<56x128xf32, #tpu.memory_space<hbm>>
      %dma_start3A_98 = arith.constant 0 : i32
      %dma_start3A_99 = tpu.memref_slice %arg5[%arg0, %add3A_87, %dma_start3A_98] : memref<2x10112x128xf32, #tpu.memory_space<hbm>> -> memref<1x56x128xf32, #tpu.memory_space<hbm>>
      %dma_start3A_100 = tpu.memref_squeeze %dma_start3A_99 : memref<1x56x128xf32, #tpu.memory_space<hbm>> -> memref<56x128xf32, #tpu.memory_space<hbm>>
      %dma_start3A_101 = arith.constant 0 : i32
      %dma_start3A_102 = arith.constant 0 : i32
      %dma_start3A_103 = tpu.memref_slice %arg7[%run_scoped3A_89, %dma_start3A_101, %dma_start3A_102] : memref<4x64x128xf32, #tpu.memory_space<vmem>> -> memref<1x56x128xf32, #tpu.memory_space<vmem>>
      %dma_start3A_104 = tpu.memref_squeeze %dma_start3A_103 : memref<1x56x128xf32, #tpu.memory_space<vmem>> -> memref<56x128xf32, #tpu.memory_space<vmem>>
      tpu.enqueue_dma source(%dma_start3A_104 : memref<56x128xf32, #tpu.memory_space<vmem>>) target(%dma_start3A_100 : memref<56x128xf32, #tpu.memory_space<hbm>>) target_semaphore(%run_scoped3A_90 : memref<!tpu.dma_semaphore, #tpu.memory_space<semaphore_mem>>)
      %dma_wait3A = arith.constant 0 : i32
      %dma_wait3A_105 = arith.constant 0 : i32
      %dma_wait3A_106 = tpu.memref_slice %arg7[%run_scoped3A_89, %dma_wait3A, %dma_wait3A_105] : memref<4x64x128xf32, #tpu.memory_space<vmem>> -> memref<1x56x128xf32, #tpu.memory_space<vmem>>
      %dma_wait3A_107 = tpu.memref_squeeze %dma_wait3A_106 : memref<1x56x128xf32, #tpu.memory_space<vmem>> -> memref<56x128xf32, #tpu.memory_space<vmem>>
      %dma_wait3A_108 = arith.constant 0 : i32
      %dma_wait3A_109 = tpu.memref_slice %arg5[%arg0, %add3A_87, %dma_wait3A_108] : memref<2x10112x128xf32, #tpu.memory_space<hbm>> -> memref<1x56x128xf32, #tpu.memory_space<hbm>>
      %dma_wait3A_110 = tpu.memref_squeeze %dma_wait3A_109 : memref<1x56x128xf32, #tpu.memory_space<hbm>> -> memref<56x128xf32, #tpu.memory_space<hbm>>
      %dma_wait3A_111 = arith.constant 0 : i32
      %dma_wait3A_112 = tpu.memref_slice %arg5[%arg0, %add3A_87, %dma_wait3A_111] : memref<2x10112x128xf32, #tpu.memory_space<hbm>> -> memref<1x56x128xf32, #tpu.memory_space<hbm>>
      %dma_wait3A_113 = tpu.memref_squeeze %dma_wait3A_112 : memref<1x56x128xf32, #tpu.memory_space<hbm>> -> memref<56x128xf32, #tpu.memory_space<hbm>>
      %dma_wait3A_114 = arith.constant 0 : i32
      %dma_wait3A_115 = arith.constant 0 : i32
      %dma_wait3A_116 = tpu.memref_slice %arg7[%run_scoped3A_89, %dma_wait3A_114, %dma_wait3A_115] : memref<4x64x128xf32, #tpu.memory_space<vmem>> -> memref<1x56x128xf32, #tpu.memory_space<vmem>>
      %dma_wait3A_117 = tpu.memref_squeeze %dma_wait3A_116 : memref<1x56x128xf32, #tpu.memory_space<vmem>> -> memref<56x128xf32, #tpu.memory_space<vmem>>
      tpu.wait_dma2 semaphore(%run_scoped3A_90 : memref<!tpu.dma_semaphore, #tpu.memory_space<semaphore_mem>>) src(%dma_wait3A_117 : memref<56x128xf32, #tpu.memory_space<vmem>>) dst(%dma_wait3A_113 : memref<56x128xf32, #tpu.memory_space<hbm>>)
      tpu.yield
    }) : () -> ()
    return
  }
}

#map = affine_map<(d0, d1) -> (0, 0)>
#map1 = affine_map<(d0, d1) -> (0, 0, 0)>
module attributes {stable_mosaic.version = 14 : i64} {
  func.func @k(%arg0: i32, %arg1: i32, %arg2: memref<10000x144xf32, #tpu.memory_space<hbm>>, %arg3: memref<5056x2x64xi32, #tpu.memory_space<hbm>>, %arg4: memref<64x144xf32, #tpu.memory_space<hbm>>, %arg5: memref<2x10112x144xf32, #tpu.memory_space<hbm>>, %arg6: memref<6x2x64xi32, #tpu.memory_space<vmem>>, %arg7: memref<4x64x144xf32, #tpu.memory_space<vmem>>, %arg8: memref<10112x144xf32, #tpu.memory_space<vmem_shared>>, %arg9: memref<4x!tpu.dma_semaphore, #tpu.memory_space<semaphore_mem>>, %arg10: memref<4x!tpu.dma_semaphore, #tpu.memory_space<semaphore_mem>>, %arg11: memref<6x!tpu.dma_semaphore, #tpu.memory_space<semaphore_mem>>) attributes {dimension_semantics = [#tpu.dimension_semantics<core_parallel>, #tpu.dimension_semantics<subcore_parallel>], iteration_bounds = array<i64: 2, 16>, scalar_prefetch = 0 : i64, scratch_operands = 6 : i64, tpu.core_type = #tpu.core_type<sc_vector_subcore>, window_params = [{transform_indices = #map}, {transform_indices = #map1}, {transform_indices = #map}, {transform_indices = #map1}]} {
    %eq3A = arith.constant 0 : i32
    %eq3A_0 = arith.cmpi eq, %arg0, %eq3A : i32
    %mul3A = arith.constant 296 : i32
    %mul3A_1 = arith.muli %arg1, %mul3A : i32
    %mul3A_2 = arith.constant 20 : i32
    %mul3A_3 = arith.muli %arg1, %mul3A_2 : i32
    %add3A = arith.constant 4736 : i32
    %add3A_4 = arith.addi %add3A, %mul3A_3 : i32
    %select_n3A = arith.select %eq3A_0, %mul3A_1, %add3A_4 : i32
    %eq3A_5 = arith.constant 0 : i32
    %eq3A_6 = arith.cmpi eq, %arg0, %eq3A_5 : i32
    %select_n3A_7 = arith.constant 20 : i32
    %select_n3A_8 = arith.constant 296 : i32
    %select_n3A_9 = arith.select %eq3A_6, %select_n3A_8, %select_n3A_7 : i32
    %run_scoped3A = arith.constant 0 : i32
    "tpu.region"() ({
      %run_scoped3A_90 = tpu.sem_alloc : memref<!tpu.dma_semaphore, #tpu.memory_space<semaphore_mem>>
      %dma_start3A_91 = arith.constant 0 : i32
      %dma_start3A_92 = arith.constant 0 : i32
      %dma_start3A_93 = tpu.memref_slice %arg7[%run_scoped3A, %dma_start3A_91, %dma_start3A_92] : memref<4x64x144xf32, #tpu.memory_space<vmem>> -> memref<1x64x144xf32, #tpu.memory_space<vmem>>
      %dma_start3A_94 = tpu.memref_squeeze %dma_start3A_93 : memref<1x64x144xf32, #tpu.memory_space<vmem>> -> memref<64x144xf32, #tpu.memory_space<vmem>>
      %dma_start3A_95 = arith.constant 0 : i32
      %dma_start3A_96 = arith.constant 0 : i32
      %dma_start3A_97 = tpu.memref_slice %arg7[%run_scoped3A, %dma_start3A_95, %dma_start3A_96] : memref<4x64x144xf32, #tpu.memory_space<vmem>> -> memref<1x64x144xf32, #tpu.memory_space<vmem>>
      %dma_start3A_98 = tpu.memref_squeeze %dma_start3A_97 : memref<1x64x144xf32, #tpu.memory_space<vmem>> -> memref<64x144xf32, #tpu.memory_space<vmem>>
      tpu.enqueue_dma source(%arg4 : memref<64x144xf32, #tpu.memory_space<hbm>>) target(%dma_start3A_98 : memref<64x144xf32, #tpu.memory_space<vmem>>) target_semaphore(%run_scoped3A_90 : memref<!tpu.dma_semaphore, #tpu.memory_space<semaphore_mem>>)
      %dma_wait3A = arith.constant 0 : i32
      %dma_wait3A_99 = arith.constant 0 : i32
      %dma_wait3A_100 = tpu.memref_slice %arg7[%run_scoped3A, %dma_wait3A, %dma_wait3A_99] : memref<4x64x144xf32, #tpu.memory_space<vmem>> -> memref<1x64x144xf32, #tpu.memory_space<vmem>>
      %dma_wait3A_101 = tpu.memref_squeeze %dma_wait3A_100 : memref<1x64x144xf32, #tpu.memory_space<vmem>> -> memref<64x144xf32, #tpu.memory_space<vmem>>
      %dma_wait3A_102 = arith.constant 0 : i32
      %dma_wait3A_103 = arith.constant 0 : i32
      %dma_wait3A_104 = tpu.memref_slice %arg7[%run_scoped3A, %dma_wait3A_102, %dma_wait3A_103] : memref<4x64x144xf32, #tpu.memory_space<vmem>> -> memref<1x64x144xf32, #tpu.memory_space<vmem>>
      %dma_wait3A_105 = tpu.memref_squeeze %dma_wait3A_104 : memref<1x64x144xf32, #tpu.memory_space<vmem>> -> memref<64x144xf32, #tpu.memory_space<vmem>>
      tpu.wait_dma2 semaphore(%run_scoped3A_90 : memref<!tpu.dma_semaphore, #tpu.memory_space<semaphore_mem>>) src(%arg4 : memref<64x144xf32, #tpu.memory_space<hbm>>) dst(%dma_wait3A_105 : memref<64x144xf32, #tpu.memory_space<vmem>>)
      tpu.yield
    }) : () -> ()
    %scan3A = arith.constant 0 : i32
    %scan3A_10 = arith.constant 0 : i32
    %scan3A_11 = arith.constant 9 : i32
    %scan3A_12 = arith.addi %scan3A_10, %scan3A_11 : i32
    %scan3A_13 = arith.constant 1 : i32
    scf.for %scan3A_90 = %scan3A_10 to %scan3A_12 step %scan3A_13  : i32 {
      %mul3A_91 = arith.constant 632 : i32
      %mul3A_92 = arith.muli %arg1, %mul3A_91 : i32
      %mul3A_93 = arith.constant 64 : i32
      %mul3A_94 = arith.muli %scan3A_90, %mul3A_93 : i32
      %add3A_95 = arith.addi %mul3A_92, %mul3A_94 : i32
      %run_scoped3A_96 = arith.constant 0 : i32
      "tpu.region"() ({
        %run_scoped3A_97 = tpu.sem_alloc : memref<!tpu.dma_semaphore, #tpu.memory_space<semaphore_mem>>
        %dma_start3A_98 = arith.constant 0 : i32
        %dma_start3A_99 = arith.constant 0 : i32
        %dma_start3A_100 = tpu.memref_slice %arg7[%run_scoped3A_96, %dma_start3A_98, %dma_start3A_99] : memref<4x64x144xf32, #tpu.memory_space<vmem>> -> memref<1x64x144xf32, #tpu.memory_space<vmem>>
        %dma_start3A_101 = tpu.memref_squeeze %dma_start3A_100 : memref<1x64x144xf32, #tpu.memory_space<vmem>> -> memref<64x144xf32, #tpu.memory_space<vmem>>
        %dma_start3A_102 = arith.constant 0 : i32
        %dma_start3A_103 = tpu.memref_slice %arg8[%add3A_95, %dma_start3A_102] : memref<10112x144xf32, #tpu.memory_space<vmem_shared>> -> memref<64x144xf32, #tpu.memory_space<vmem_shared>>
        %dma_start3A_104 = arith.constant 0 : i32
        %dma_start3A_105 = tpu.memref_slice %arg8[%add3A_95, %dma_start3A_104] : memref<10112x144xf32, #tpu.memory_space<vmem_shared>> -> memref<64x144xf32, #tpu.memory_space<vmem_shared>>
        %dma_start3A_106 = arith.constant 0 : i32
        %dma_start3A_107 = arith.constant 0 : i32
        %dma_start3A_108 = tpu.memref_slice %arg7[%run_scoped3A_96, %dma_start3A_106, %dma_start3A_107] : memref<4x64x144xf32, #tpu.memory_space<vmem>> -> memref<1x64x144xf32, #tpu.memory_space<vmem>>
        %dma_start3A_109 = tpu.memref_squeeze %dma_start3A_108 : memref<1x64x144xf32, #tpu.memory_space<vmem>> -> memref<64x144xf32, #tpu.memory_space<vmem>>
        tpu.enqueue_dma source(%dma_start3A_109 : memref<64x144xf32, #tpu.memory_space<vmem>>) target(%dma_start3A_105 : memref<64x144xf32, #tpu.memory_space<vmem_shared>>) target_semaphore(%run_scoped3A_97 : memref<!tpu.dma_semaphore, #tpu.memory_space<semaphore_mem>>)
        %dma_wait3A = arith.constant 0 : i32
        %dma_wait3A_110 = arith.constant 0 : i32
        %dma_wait3A_111 = tpu.memref_slice %arg7[%run_scoped3A_96, %dma_wait3A, %dma_wait3A_110] : memref<4x64x144xf32, #tpu.memory_space<vmem>> -> memref<1x64x144xf32, #tpu.memory_space<vmem>>
        %dma_wait3A_112 = tpu.memref_squeeze %dma_wait3A_111 : memref<1x64x144xf32, #tpu.memory_space<vmem>> -> memref<64x144xf32, #tpu.memory_space<vmem>>
        %dma_wait3A_113 = arith.constant 0 : i32
        %dma_wait3A_114 = tpu.memref_slice %arg8[%add3A_95, %dma_wait3A_113] : memref<10112x144xf32, #tpu.memory_space<vmem_shared>> -> memref<64x144xf32, #tpu.memory_space<vmem_shared>>
        %dma_wait3A_115 = arith.constant 0 : i32
        %dma_wait3A_116 = tpu.memref_slice %arg8[%add3A_95, %dma_wait3A_115] : memref<10112x144xf32, #tpu.memory_space<vmem_shared>> -> memref<64x144xf32, #tpu.memory_space<vmem_shared>>
        %dma_wait3A_117 = arith.constant 0 : i32
        %dma_wait3A_118 = arith.constant 0 : i32
        %dma_wait3A_119 = tpu.memref_slice %arg7[%run_scoped3A_96, %dma_wait3A_117, %dma_wait3A_118] : memref<4x64x144xf32, #tpu.memory_space<vmem>> -> memref<1x64x144xf32, #tpu.memory_space<vmem>>
        %dma_wait3A_120 = tpu.memref_squeeze %dma_wait3A_119 : memref<1x64x144xf32, #tpu.memory_space<vmem>> -> memref<64x144xf32, #tpu.memory_space<vmem>>
        tpu.wait_dma2 semaphore(%run_scoped3A_97 : memref<!tpu.dma_semaphore, #tpu.memory_space<semaphore_mem>>) src(%dma_wait3A_120 : memref<64x144xf32, #tpu.memory_space<vmem>>) dst(%dma_wait3A_116 : memref<64x144xf32, #tpu.memory_space<vmem_shared>>)
        tpu.yield
      }) : () -> ()
    }
    %scan3A_14 = arith.constant 9 : i32
    %mul3A_15 = arith.constant 632 : i32
    %mul3A_16 = arith.muli %arg1, %mul3A_15 : i32
    %add3A_17 = arith.constant 576 : i32
    %add3A_18 = arith.addi %mul3A_16, %add3A_17 : i32
    %run_scoped3A_19 = arith.constant 0 : i32
    "tpu.region"() ({
      %run_scoped3A_90 = tpu.sem_alloc : memref<!tpu.dma_semaphore, #tpu.memory_space<semaphore_mem>>
      %dma_start3A_91 = arith.constant 0 : i32
      %dma_start3A_92 = arith.constant 0 : i32
      %dma_start3A_93 = tpu.memref_slice %arg7[%run_scoped3A_19, %dma_start3A_91, %dma_start3A_92] : memref<4x64x144xf32, #tpu.memory_space<vmem>> -> memref<1x56x144xf32, #tpu.memory_space<vmem>>
      %dma_start3A_94 = tpu.memref_squeeze %dma_start3A_93 : memref<1x56x144xf32, #tpu.memory_space<vmem>> -> memref<56x144xf32, #tpu.memory_space<vmem>>
      %dma_start3A_95 = arith.constant 0 : i32
      %dma_start3A_96 = tpu.memref_slice %arg8[%add3A_18, %dma_start3A_95] : memref<10112x144xf32, #tpu.memory_space<vmem_shared>> -> memref<56x144xf32, #tpu.memory_space<vmem_shared>>
      %dma_start3A_97 = arith.constant 0 : i32
      %dma_start3A_98 = tpu.memref_slice %arg8[%add3A_18, %dma_start3A_97] : memref<10112x144xf32, #tpu.memory_space<vmem_shared>> -> memref<56x144xf32, #tpu.memory_space<vmem_shared>>
      %dma_start3A_99 = arith.constant 0 : i32
      %dma_start3A_100 = arith.constant 0 : i32
      %dma_start3A_101 = tpu.memref_slice %arg7[%run_scoped3A_19, %dma_start3A_99, %dma_start3A_100] : memref<4x64x144xf32, #tpu.memory_space<vmem>> -> memref<1x56x144xf32, #tpu.memory_space<vmem>>
      %dma_start3A_102 = tpu.memref_squeeze %dma_start3A_101 : memref<1x56x144xf32, #tpu.memory_space<vmem>> -> memref<56x144xf32, #tpu.memory_space<vmem>>
      tpu.enqueue_dma source(%dma_start3A_102 : memref<56x144xf32, #tpu.memory_space<vmem>>) target(%dma_start3A_98 : memref<56x144xf32, #tpu.memory_space<vmem_shared>>) target_semaphore(%run_scoped3A_90 : memref<!tpu.dma_semaphore, #tpu.memory_space<semaphore_mem>>)
      %dma_wait3A = arith.constant 0 : i32
      %dma_wait3A_103 = arith.constant 0 : i32
      %dma_wait3A_104 = tpu.memref_slice %arg7[%run_scoped3A_19, %dma_wait3A, %dma_wait3A_103] : memref<4x64x144xf32, #tpu.memory_space<vmem>> -> memref<1x56x144xf32, #tpu.memory_space<vmem>>
      %dma_wait3A_105 = tpu.memref_squeeze %dma_wait3A_104 : memref<1x56x144xf32, #tpu.memory_space<vmem>> -> memref<56x144xf32, #tpu.memory_space<vmem>>
      %dma_wait3A_106 = arith.constant 0 : i32
      %dma_wait3A_107 = tpu.memref_slice %arg8[%add3A_18, %dma_wait3A_106] : memref<10112x144xf32, #tpu.memory_space<vmem_shared>> -> memref<56x144xf32, #tpu.memory_space<vmem_shared>>
      %dma_wait3A_108 = arith.constant 0 : i32
      %dma_wait3A_109 = tpu.memref_slice %arg8[%add3A_18, %dma_wait3A_108] : memref<10112x144xf32, #tpu.memory_space<vmem_shared>> -> memref<56x144xf32, #tpu.memory_space<vmem_shared>>
      %dma_wait3A_110 = arith.constant 0 : i32
      %dma_wait3A_111 = arith.constant 0 : i32
      %dma_wait3A_112 = tpu.memref_slice %arg7[%run_scoped3A_19, %dma_wait3A_110, %dma_wait3A_111] : memref<4x64x144xf32, #tpu.memory_space<vmem>> -> memref<1x56x144xf32, #tpu.memory_space<vmem>>
      %dma_wait3A_113 = tpu.memref_squeeze %dma_wait3A_112 : memref<1x56x144xf32, #tpu.memory_space<vmem>> -> memref<56x144xf32, #tpu.memory_space<vmem>>
      tpu.wait_dma2 semaphore(%run_scoped3A_90 : memref<!tpu.dma_semaphore, #tpu.memory_space<semaphore_mem>>) src(%dma_wait3A_113 : memref<56x144xf32, #tpu.memory_space<vmem>>) dst(%dma_wait3A_109 : memref<56x144xf32, #tpu.memory_space<vmem_shared>>)
      tpu.yield
    }) : () -> ()
    %barrier3A = arith.constant 0 : index
    tpu.barrier barrier_id(%barrier3A)
    %run_scoped3A_20 = arith.constant 0 : i32
    "tpu.region"() ({
      %run_scoped3A_90 = tpu.sem_alloc : memref<!tpu.dma_semaphore, #tpu.memory_space<semaphore_mem>>
      %dma_start3A_91 = arith.constant 0 : i32
      %dma_start3A_92 = arith.constant 0 : i32
      %dma_start3A_93 = tpu.memref_slice %arg6[%run_scoped3A_20, %dma_start3A_91, %dma_start3A_92] : memref<6x2x64xi32, #tpu.memory_space<vmem>> -> memref<1x2x64xi32, #tpu.memory_space<vmem>>
      %dma_start3A_94 = tpu.memref_squeeze %dma_start3A_93 : memref<1x2x64xi32, #tpu.memory_space<vmem>> -> memref<2x64xi32, #tpu.memory_space<vmem>>
      %dma_start3A_95 = arith.constant 0 : i32
      %dma_start3A_96 = arith.constant 0 : i32
      %dma_start3A_97 = tpu.memref_slice %arg3[%select_n3A, %dma_start3A_95, %dma_start3A_96] : memref<5056x2x64xi32, #tpu.memory_space<hbm>> -> memref<1x2x64xi32, #tpu.memory_space<hbm>>
      %dma_start3A_98 = tpu.memref_squeeze %dma_start3A_97 : memref<1x2x64xi32, #tpu.memory_space<hbm>> -> memref<2x64xi32, #tpu.memory_space<hbm>>
      %dma_start3A_99 = arith.constant 0 : i32
      %dma_start3A_100 = arith.constant 0 : i32
      %dma_start3A_101 = tpu.memref_slice %arg6[%run_scoped3A_20, %dma_start3A_99, %dma_start3A_100] : memref<6x2x64xi32, #tpu.memory_space<vmem>> -> memref<1x2x64xi32, #tpu.memory_space<vmem>>
      %dma_start3A_102 = tpu.memref_squeeze %dma_start3A_101 : memref<1x2x64xi32, #tpu.memory_space<vmem>> -> memref<2x64xi32, #tpu.memory_space<vmem>>
      %dma_start3A_103 = arith.constant 0 : i32
      %dma_start3A_104 = arith.constant 0 : i32
      %dma_start3A_105 = tpu.memref_slice %arg3[%select_n3A, %dma_start3A_103, %dma_start3A_104] : memref<5056x2x64xi32, #tpu.memory_space<hbm>> -> memref<1x2x64xi32, #tpu.memory_space<hbm>>
      %dma_start3A_106 = tpu.memref_squeeze %dma_start3A_105 : memref<1x2x64xi32, #tpu.memory_space<hbm>> -> memref<2x64xi32, #tpu.memory_space<hbm>>
      tpu.enqueue_dma source(%dma_start3A_106 : memref<2x64xi32, #tpu.memory_space<hbm>>) target(%dma_start3A_102 : memref<2x64xi32, #tpu.memory_space<vmem>>) target_semaphore(%run_scoped3A_90 : memref<!tpu.dma_semaphore, #tpu.memory_space<semaphore_mem>>)
      %dma_wait3A = arith.constant 0 : i32
      %dma_wait3A_107 = arith.constant 0 : i32
      %dma_wait3A_108 = tpu.memref_slice %arg6[%run_scoped3A_20, %dma_wait3A, %dma_wait3A_107] : memref<6x2x64xi32, #tpu.memory_space<vmem>> -> memref<1x2x64xi32, #tpu.memory_space<vmem>>
      %dma_wait3A_109 = tpu.memref_squeeze %dma_wait3A_108 : memref<1x2x64xi32, #tpu.memory_space<vmem>> -> memref<2x64xi32, #tpu.memory_space<vmem>>
      %dma_wait3A_110 = arith.constant 0 : i32
      %dma_wait3A_111 = arith.constant 0 : i32
      %dma_wait3A_112 = tpu.memref_slice %arg3[%select_n3A, %dma_wait3A_110, %dma_wait3A_111] : memref<5056x2x64xi32, #tpu.memory_space<hbm>> -> memref<1x2x64xi32, #tpu.memory_space<hbm>>
      %dma_wait3A_113 = tpu.memref_squeeze %dma_wait3A_112 : memref<1x2x64xi32, #tpu.memory_space<hbm>> -> memref<2x64xi32, #tpu.memory_space<hbm>>
      %dma_wait3A_114 = arith.constant 0 : i32
      %dma_wait3A_115 = arith.constant 0 : i32
      %dma_wait3A_116 = tpu.memref_slice %arg6[%run_scoped3A_20, %dma_wait3A_114, %dma_wait3A_115] : memref<6x2x64xi32, #tpu.memory_space<vmem>> -> memref<1x2x64xi32, #tpu.memory_space<vmem>>
      %dma_wait3A_117 = tpu.memref_squeeze %dma_wait3A_116 : memref<1x2x64xi32, #tpu.memory_space<vmem>> -> memref<2x64xi32, #tpu.memory_space<vmem>>
      %dma_wait3A_118 = arith.constant 0 : i32
      %dma_wait3A_119 = arith.constant 0 : i32
      %dma_wait3A_120 = tpu.memref_slice %arg3[%select_n3A, %dma_wait3A_118, %dma_wait3A_119] : memref<5056x2x64xi32, #tpu.memory_space<hbm>> -> memref<1x2x64xi32, #tpu.memory_space<hbm>>
      %dma_wait3A_121 = tpu.memref_squeeze %dma_wait3A_120 : memref<1x2x64xi32, #tpu.memory_space<hbm>> -> memref<2x64xi32, #tpu.memory_space<hbm>>
      tpu.wait_dma2 semaphore(%run_scoped3A_90 : memref<!tpu.dma_semaphore, #tpu.memory_space<semaphore_mem>>) src(%dma_wait3A_121 : memref<2x64xi32, #tpu.memory_space<hbm>>) dst(%dma_wait3A_117 : memref<2x64xi32, #tpu.memory_space<vmem>>)
      tpu.yield
    }) : () -> ()
    %add3A_21 = arith.constant 1 : i32
    %add3A_22 = arith.addi %select_n3A, %add3A_21 : i32
    %run_scoped3A_23 = arith.constant 1 : i32
    "tpu.region"() ({
      %run_scoped3A_90 = tpu.sem_alloc : memref<!tpu.dma_semaphore, #tpu.memory_space<semaphore_mem>>
      %dma_start3A_91 = arith.constant 0 : i32
      %dma_start3A_92 = arith.constant 0 : i32
      %dma_start3A_93 = tpu.memref_slice %arg6[%run_scoped3A_23, %dma_start3A_91, %dma_start3A_92] : memref<6x2x64xi32, #tpu.memory_space<vmem>> -> memref<1x2x64xi32, #tpu.memory_space<vmem>>
      %dma_start3A_94 = tpu.memref_squeeze %dma_start3A_93 : memref<1x2x64xi32, #tpu.memory_space<vmem>> -> memref<2x64xi32, #tpu.memory_space<vmem>>
      %dma_start3A_95 = arith.constant 0 : i32
      %dma_start3A_96 = arith.constant 0 : i32
      %dma_start3A_97 = tpu.memref_slice %arg3[%add3A_22, %dma_start3A_95, %dma_start3A_96] : memref<5056x2x64xi32, #tpu.memory_space<hbm>> -> memref<1x2x64xi32, #tpu.memory_space<hbm>>
      %dma_start3A_98 = tpu.memref_squeeze %dma_start3A_97 : memref<1x2x64xi32, #tpu.memory_space<hbm>> -> memref<2x64xi32, #tpu.memory_space<hbm>>
      %dma_start3A_99 = arith.constant 0 : i32
      %dma_start3A_100 = arith.constant 0 : i32
      %dma_start3A_101 = tpu.memref_slice %arg6[%run_scoped3A_23, %dma_start3A_99, %dma_start3A_100] : memref<6x2x64xi32, #tpu.memory_space<vmem>> -> memref<1x2x64xi32, #tpu.memory_space<vmem>>
      %dma_start3A_102 = tpu.memref_squeeze %dma_start3A_101 : memref<1x2x64xi32, #tpu.memory_space<vmem>> -> memref<2x64xi32, #tpu.memory_space<vmem>>
      %dma_start3A_103 = arith.constant 0 : i32
      %dma_start3A_104 = arith.constant 0 : i32
      %dma_start3A_105 = tpu.memref_slice %arg3[%add3A_22, %dma_start3A_103, %dma_start3A_104] : memref<5056x2x64xi32, #tpu.memory_space<hbm>> -> memref<1x2x64xi32, #tpu.memory_space<hbm>>
      %dma_start3A_106 = tpu.memref_squeeze %dma_start3A_105 : memref<1x2x64xi32, #tpu.memory_space<hbm>> -> memref<2x64xi32, #tpu.memory_space<hbm>>
      tpu.enqueue_dma source(%dma_start3A_106 : memref<2x64xi32, #tpu.memory_space<hbm>>) target(%dma_start3A_102 : memref<2x64xi32, #tpu.memory_space<vmem>>) target_semaphore(%run_scoped3A_90 : memref<!tpu.dma_semaphore, #tpu.memory_space<semaphore_mem>>)
      %dma_wait3A = arith.constant 0 : i32
      %dma_wait3A_107 = arith.constant 0 : i32
      %dma_wait3A_108 = tpu.memref_slice %arg6[%run_scoped3A_23, %dma_wait3A, %dma_wait3A_107] : memref<6x2x64xi32, #tpu.memory_space<vmem>> -> memref<1x2x64xi32, #tpu.memory_space<vmem>>
      %dma_wait3A_109 = tpu.memref_squeeze %dma_wait3A_108 : memref<1x2x64xi32, #tpu.memory_space<vmem>> -> memref<2x64xi32, #tpu.memory_space<vmem>>
      %dma_wait3A_110 = arith.constant 0 : i32
      %dma_wait3A_111 = arith.constant 0 : i32
      %dma_wait3A_112 = tpu.memref_slice %arg3[%add3A_22, %dma_wait3A_110, %dma_wait3A_111] : memref<5056x2x64xi32, #tpu.memory_space<hbm>> -> memref<1x2x64xi32, #tpu.memory_space<hbm>>
      %dma_wait3A_113 = tpu.memref_squeeze %dma_wait3A_112 : memref<1x2x64xi32, #tpu.memory_space<hbm>> -> memref<2x64xi32, #tpu.memory_space<hbm>>
      %dma_wait3A_114 = arith.constant 0 : i32
      %dma_wait3A_115 = arith.constant 0 : i32
      %dma_wait3A_116 = tpu.memref_slice %arg6[%run_scoped3A_23, %dma_wait3A_114, %dma_wait3A_115] : memref<6x2x64xi32, #tpu.memory_space<vmem>> -> memref<1x2x64xi32, #tpu.memory_space<vmem>>
      %dma_wait3A_117 = tpu.memref_squeeze %dma_wait3A_116 : memref<1x2x64xi32, #tpu.memory_space<vmem>> -> memref<2x64xi32, #tpu.memory_space<vmem>>
      %dma_wait3A_118 = arith.constant 0 : i32
      %dma_wait3A_119 = arith.constant 0 : i32
      %dma_wait3A_120 = tpu.memref_slice %arg3[%add3A_22, %dma_wait3A_118, %dma_wait3A_119] : memref<5056x2x64xi32, #tpu.memory_space<hbm>> -> memref<1x2x64xi32, #tpu.memory_space<hbm>>
      %dma_wait3A_121 = tpu.memref_squeeze %dma_wait3A_120 : memref<1x2x64xi32, #tpu.memory_space<hbm>> -> memref<2x64xi32, #tpu.memory_space<hbm>>
      tpu.wait_dma2 semaphore(%run_scoped3A_90 : memref<!tpu.dma_semaphore, #tpu.memory_space<semaphore_mem>>) src(%dma_wait3A_121 : memref<2x64xi32, #tpu.memory_space<hbm>>) dst(%dma_wait3A_117 : memref<2x64xi32, #tpu.memory_space<vmem>>)
      tpu.yield
    }) : () -> ()
    %add3A_24 = arith.constant 2 : i32
    %add3A_25 = arith.addi %select_n3A, %add3A_24 : i32
    %run_scoped3A_26 = arith.constant 2 : i32
    "tpu.region"() ({
      %run_scoped3A_90 = tpu.sem_alloc : memref<!tpu.dma_semaphore, #tpu.memory_space<semaphore_mem>>
      %dma_start3A_91 = arith.constant 0 : i32
      %dma_start3A_92 = arith.constant 0 : i32
      %dma_start3A_93 = tpu.memref_slice %arg6[%run_scoped3A_26, %dma_start3A_91, %dma_start3A_92] : memref<6x2x64xi32, #tpu.memory_space<vmem>> -> memref<1x2x64xi32, #tpu.memory_space<vmem>>
      %dma_start3A_94 = tpu.memref_squeeze %dma_start3A_93 : memref<1x2x64xi32, #tpu.memory_space<vmem>> -> memref<2x64xi32, #tpu.memory_space<vmem>>
      %dma_start3A_95 = arith.constant 0 : i32
      %dma_start3A_96 = arith.constant 0 : i32
      %dma_start3A_97 = tpu.memref_slice %arg3[%add3A_25, %dma_start3A_95, %dma_start3A_96] : memref<5056x2x64xi32, #tpu.memory_space<hbm>> -> memref<1x2x64xi32, #tpu.memory_space<hbm>>
      %dma_start3A_98 = tpu.memref_squeeze %dma_start3A_97 : memref<1x2x64xi32, #tpu.memory_space<hbm>> -> memref<2x64xi32, #tpu.memory_space<hbm>>
      %dma_start3A_99 = arith.constant 0 : i32
      %dma_start3A_100 = arith.constant 0 : i32
      %dma_start3A_101 = tpu.memref_slice %arg6[%run_scoped3A_26, %dma_start3A_99, %dma_start3A_100] : memref<6x2x64xi32, #tpu.memory_space<vmem>> -> memref<1x2x64xi32, #tpu.memory_space<vmem>>
      %dma_start3A_102 = tpu.memref_squeeze %dma_start3A_101 : memref<1x2x64xi32, #tpu.memory_space<vmem>> -> memref<2x64xi32, #tpu.memory_space<vmem>>
      %dma_start3A_103 = arith.constant 0 : i32
      %dma_start3A_104 = arith.constant 0 : i32
      %dma_start3A_105 = tpu.memref_slice %arg3[%add3A_25, %dma_start3A_103, %dma_start3A_104] : memref<5056x2x64xi32, #tpu.memory_space<hbm>> -> memref<1x2x64xi32, #tpu.memory_space<hbm>>
      %dma_start3A_106 = tpu.memref_squeeze %dma_start3A_105 : memref<1x2x64xi32, #tpu.memory_space<hbm>> -> memref<2x64xi32, #tpu.memory_space<hbm>>
      tpu.enqueue_dma source(%dma_start3A_106 : memref<2x64xi32, #tpu.memory_space<hbm>>) target(%dma_start3A_102 : memref<2x64xi32, #tpu.memory_space<vmem>>) target_semaphore(%run_scoped3A_90 : memref<!tpu.dma_semaphore, #tpu.memory_space<semaphore_mem>>)
      %dma_wait3A = arith.constant 0 : i32
      %dma_wait3A_107 = arith.constant 0 : i32
      %dma_wait3A_108 = tpu.memref_slice %arg6[%run_scoped3A_26, %dma_wait3A, %dma_wait3A_107] : memref<6x2x64xi32, #tpu.memory_space<vmem>> -> memref<1x2x64xi32, #tpu.memory_space<vmem>>
      %dma_wait3A_109 = tpu.memref_squeeze %dma_wait3A_108 : memref<1x2x64xi32, #tpu.memory_space<vmem>> -> memref<2x64xi32, #tpu.memory_space<vmem>>
      %dma_wait3A_110 = arith.constant 0 : i32
      %dma_wait3A_111 = arith.constant 0 : i32
      %dma_wait3A_112 = tpu.memref_slice %arg3[%add3A_25, %dma_wait3A_110, %dma_wait3A_111] : memref<5056x2x64xi32, #tpu.memory_space<hbm>> -> memref<1x2x64xi32, #tpu.memory_space<hbm>>
      %dma_wait3A_113 = tpu.memref_squeeze %dma_wait3A_112 : memref<1x2x64xi32, #tpu.memory_space<hbm>> -> memref<2x64xi32, #tpu.memory_space<hbm>>
      %dma_wait3A_114 = arith.constant 0 : i32
      %dma_wait3A_115 = arith.constant 0 : i32
      %dma_wait3A_116 = tpu.memref_slice %arg6[%run_scoped3A_26, %dma_wait3A_114, %dma_wait3A_115] : memref<6x2x64xi32, #tpu.memory_space<vmem>> -> memref<1x2x64xi32, #tpu.memory_space<vmem>>
      %dma_wait3A_117 = tpu.memref_squeeze %dma_wait3A_116 : memref<1x2x64xi32, #tpu.memory_space<vmem>> -> memref<2x64xi32, #tpu.memory_space<vmem>>
      %dma_wait3A_118 = arith.constant 0 : i32
      %dma_wait3A_119 = arith.constant 0 : i32
      %dma_wait3A_120 = tpu.memref_slice %arg3[%add3A_25, %dma_wait3A_118, %dma_wait3A_119] : memref<5056x2x64xi32, #tpu.memory_space<hbm>> -> memref<1x2x64xi32, #tpu.memory_space<hbm>>
      %dma_wait3A_121 = tpu.memref_squeeze %dma_wait3A_120 : memref<1x2x64xi32, #tpu.memory_space<hbm>> -> memref<2x64xi32, #tpu.memory_space<hbm>>
      tpu.wait_dma2 semaphore(%run_scoped3A_90 : memref<!tpu.dma_semaphore, #tpu.memory_space<semaphore_mem>>) src(%dma_wait3A_121 : memref<2x64xi32, #tpu.memory_space<hbm>>) dst(%dma_wait3A_117 : memref<2x64xi32, #tpu.memory_space<vmem>>)
      tpu.yield
    }) : () -> ()
    %dma_start3A = arith.constant 0 : i32
    %dma_start3A_27 = arith.constant 0 : i32
    %dma_start3A_28 = arith.constant 0 : i32
    %dma_start3A_29 = arith.constant 0 : i32
    %dma_start3A_30 = arith.constant 0 : i32
    %dma_start3A_31 = arith.constant 0 : i32
    %dma_start3A_32 = tpu.memref_slice %arg7[%dma_start3A_28, %dma_start3A_30, %dma_start3A_31] : memref<4x64x144xf32, #tpu.memory_space<vmem>> -> memref<1x64x144xf32, #tpu.memory_space<vmem>>
    %dma_start3A_33 = tpu.memref_squeeze %dma_start3A_32 : memref<1x64x144xf32, #tpu.memory_space<vmem>> -> memref<64x144xf32, #tpu.memory_space<vmem>>
    %dma_start3A_34 = arith.constant 0 : i32
    %dma_start3A_35 = tpu.memref_slice %arg6[%dma_start3A, %dma_start3A_27, %dma_start3A_34] : memref<6x2x64xi32, #tpu.memory_space<vmem>> -> memref<1x1x64xi32, #tpu.memory_space<vmem>>
    %dma_start3A_36 = tpu.memref_squeeze %dma_start3A_35 : memref<1x1x64xi32, #tpu.memory_space<vmem>> -> memref<64xi32, #tpu.memory_space<vmem>>
    %dma_start3A_37 = arith.constant 0 : i32
    %dma_start3A_38 = arith.constant 0 : i32
    %dma_start3A_39 = tpu.memref_slice %arg2[%dma_start3A_37, %dma_start3A_38] : memref<10000x144xf32, #tpu.memory_space<hbm>> -> memref<10000x144xf32, #tpu.memory_space<hbm>>
    %dma_start3A_40 = tpu.memref_slice %arg9[%dma_start3A_29] : memref<4x!tpu.dma_semaphore, #tpu.memory_space<semaphore_mem>> -> memref<1x!tpu.dma_semaphore, #tpu.memory_space<semaphore_mem>>
    %dma_start3A_41 = tpu.memref_squeeze %dma_start3A_40 : memref<1x!tpu.dma_semaphore, #tpu.memory_space<semaphore_mem>> -> memref<!tpu.dma_semaphore, #tpu.memory_space<semaphore_mem>>
    tpu.enqueue_indirect_dma source(%dma_start3A_39 : memref<10000x144xf32, #tpu.memory_space<hbm>>) target(%dma_start3A_33 : memref<64x144xf32, #tpu.memory_space<vmem>>) offsets(%dma_start3A_36 : memref<64xi32, #tpu.memory_space<vmem>>) semaphore(%dma_start3A_41 : memref<!tpu.dma_semaphore, #tpu.memory_space<semaphore_mem>>)
    %dma_start3A_42 = arith.constant 1 : i32
    %dma_start3A_43 = arith.constant 0 : i32
    %dma_start3A_44 = arith.constant 1 : i32
    %dma_start3A_45 = arith.constant 1 : i32
    %dma_start3A_46 = arith.constant 0 : i32
    %dma_start3A_47 = arith.constant 0 : i32
    %dma_start3A_48 = tpu.memref_slice %arg7[%dma_start3A_44, %dma_start3A_46, %dma_start3A_47] : memref<4x64x144xf32, #tpu.memory_space<vmem>> -> memref<1x64x144xf32, #tpu.memory_space<vmem>>
    %dma_start3A_49 = tpu.memref_squeeze %dma_start3A_48 : memref<1x64x144xf32, #tpu.memory_space<vmem>> -> memref<64x144xf32, #tpu.memory_space<vmem>>
    %dma_start3A_50 = arith.constant 0 : i32
    %dma_start3A_51 = tpu.memref_slice %arg6[%dma_start3A_42, %dma_start3A_43, %dma_start3A_50] : memref<6x2x64xi32, #tpu.memory_space<vmem>> -> memref<1x1x64xi32, #tpu.memory_space<vmem>>
    %dma_start3A_52 = tpu.memref_squeeze %dma_start3A_51 : memref<1x1x64xi32, #tpu.memory_space<vmem>> -> memref<64xi32, #tpu.memory_space<vmem>>
    %dma_start3A_53 = arith.constant 0 : i32
    %dma_start3A_54 = arith.constant 0 : i32
    %dma_start3A_55 = tpu.memref_slice %arg2[%dma_start3A_53, %dma_start3A_54] : memref<10000x144xf32, #tpu.memory_space<hbm>> -> memref<10000x144xf32, #tpu.memory_space<hbm>>
    %dma_start3A_56 = tpu.memref_slice %arg9[%dma_start3A_45] : memref<4x!tpu.dma_semaphore, #tpu.memory_space<semaphore_mem>> -> memref<1x!tpu.dma_semaphore, #tpu.memory_space<semaphore_mem>>
    %dma_start3A_57 = tpu.memref_squeeze %dma_start3A_56 : memref<1x!tpu.dma_semaphore, #tpu.memory_space<semaphore_mem>> -> memref<!tpu.dma_semaphore, #tpu.memory_space<semaphore_mem>>
    tpu.enqueue_indirect_dma source(%dma_start3A_55 : memref<10000x144xf32, #tpu.memory_space<hbm>>) target(%dma_start3A_49 : memref<64x144xf32, #tpu.memory_space<vmem>>) offsets(%dma_start3A_52 : memref<64xi32, #tpu.memory_space<vmem>>) semaphore(%dma_start3A_57 : memref<!tpu.dma_semaphore, #tpu.memory_space<semaphore_mem>>)
    %while3A = arith.constant 0 : i32
    %while3A_58 = arith.constant 0 : i32
    %while3A_59 = arith.subi %select_n3A_9, %while3A_58 : i32
    %while3A_60 = arith.addi %while3A_58, %while3A_59 : i32
    %while3A_61 = arith.constant 1 : i32
    %while3A_62 = arith.divsi %while3A_59, %while3A_61 : i32
    %while3A_63 = arith.muli %while3A_62, %while3A_61 : i32
    %while3A_64 = arith.addi %while3A_58, %while3A_63 : i32
    %while3A_65 = arith.constant 1 : i32
    scf.for %while3A_90 = %while3A_58 to %while3A_64 step %while3A_65  : i32 {
      %rem3A = arith.constant 4 : i32
      %rem3A_91 = arith.remsi %while3A_90, %rem3A : i32
      %add3A_92 = arith.constant 2 : i32
      %add3A_93 = arith.addi %while3A_90, %add3A_92 : i32
      %rem3A_94 = arith.constant 4 : i32
      %rem3A_95 = arith.remsi %add3A_93, %rem3A_94 : i32
      %rem3A_96 = arith.constant 6 : i32
      %rem3A_97 = arith.remsi %while3A_90, %rem3A_96 : i32
      %add3A_98 = arith.constant 2 : i32
      %add3A_99 = arith.addi %while3A_90, %add3A_98 : i32
      %rem3A_100 = arith.constant 6 : i32
      %rem3A_101 = arith.remsi %add3A_99, %rem3A_100 : i32
      %add3A_102 = arith.constant 3 : i32
      %add3A_103 = arith.addi %while3A_90, %add3A_102 : i32
      %rem3A_104 = arith.constant 6 : i32
      %rem3A_105 = arith.remsi %add3A_103, %rem3A_104 : i32
      %add3A_106 = arith.constant 2 : i32
      %add3A_107 = arith.addi %while3A_90, %add3A_106 : i32
      %lt3A = arith.cmpi slt, %add3A_107, %select_n3A_9 : i32
      %convert_element_type3A = arith.extui %lt3A : i1 to i32
      %cond3A = arith.constant 0 : i32
      %cond3A_108 = arith.cmpi ne, %convert_element_type3A, %cond3A : i32
      scf.if %cond3A_108 {
        %ge3A = arith.constant 2 : i32
        %ge3A_140 = arith.cmpi sge, %while3A_90, %ge3A : i32
        %convert_element_type3A_141 = arith.extui %ge3A_140 : i1 to i32
        %cond3A_142 = arith.constant 0 : i32
        %cond3A_143 = arith.cmpi ne, %convert_element_type3A_141, %cond3A_142 : i32
        scf.if %cond3A_143 {
          %dma_wait3A_162 = arith.constant 1 : i32
          %dma_wait3A_163 = arith.constant 0 : i32
          %dma_wait3A_164 = arith.constant 0 : i32
          %dma_wait3A_165 = tpu.memref_slice %arg7[%rem3A_95, %dma_wait3A_163, %dma_wait3A_164] : memref<4x64x144xf32, #tpu.memory_space<vmem>> -> memref<1x64x144xf32, #tpu.memory_space<vmem>>
          %dma_wait3A_166 = tpu.memref_squeeze %dma_wait3A_165 : memref<1x64x144xf32, #tpu.memory_space<vmem>> -> memref<64x144xf32, #tpu.memory_space<vmem>>
          %dma_wait3A_167 = arith.constant 0 : i32
          %dma_wait3A_168 = tpu.memref_slice %arg6[%rem3A_101, %dma_wait3A_162, %dma_wait3A_167] : memref<6x2x64xi32, #tpu.memory_space<vmem>> -> memref<1x1x64xi32, #tpu.memory_space<vmem>>
          %dma_wait3A_169 = tpu.memref_squeeze %dma_wait3A_168 : memref<1x1x64xi32, #tpu.memory_space<vmem>> -> memref<64xi32, #tpu.memory_space<vmem>>
          %dma_wait3A_170 = arith.constant 0 : i32
          %dma_wait3A_171 = arith.constant 0 : i32
          %dma_wait3A_172 = tpu.memref_slice %arg8[%dma_wait3A_170, %dma_wait3A_171] : memref<10112x144xf32, #tpu.memory_space<vmem_shared>> -> memref<10112x144xf32, #tpu.memory_space<vmem_shared>>
          %dma_wait3A_173 = tpu.memref_slice %arg10[%rem3A_95] : memref<4x!tpu.dma_semaphore, #tpu.memory_space<semaphore_mem>> -> memref<1x!tpu.dma_semaphore, #tpu.memory_space<semaphore_mem>>
          %dma_wait3A_174 = tpu.memref_squeeze %dma_wait3A_173 : memref<1x!tpu.dma_semaphore, #tpu.memory_space<semaphore_mem>> -> memref<!tpu.dma_semaphore, #tpu.memory_space<semaphore_mem>>
          tpu.wait_indirect_dma semaphore(%dma_wait3A_174 : memref<!tpu.dma_semaphore, #tpu.memory_space<semaphore_mem>>) src(%dma_wait3A_166 : memref<64x144xf32, #tpu.memory_space<vmem>>) dst(%dma_wait3A_172 : memref<10112x144xf32, #tpu.memory_space<vmem_shared>>)
        } else {
        }
        %ge3A_144 = arith.constant 1 : i32
        %ge3A_145 = arith.cmpi sge, %while3A_90, %ge3A_144 : i32
        %convert_element_type3A_146 = arith.extui %ge3A_145 : i1 to i32
        %cond3A_147 = arith.constant 0 : i32
        %cond3A_148 = arith.cmpi ne, %convert_element_type3A_146, %cond3A_147 : i32
        scf.if %cond3A_148 {
          %add3A_162 = arith.addi %select_n3A, %while3A_90 : i32
          %add3A_163 = arith.constant 2 : i32
          %add3A_164 = arith.addi %add3A_162, %add3A_163 : i32
          %dma_wait3A_165 = arith.constant 0 : i32
          %dma_wait3A_166 = arith.constant 0 : i32
          %dma_wait3A_167 = tpu.memref_slice %arg6[%rem3A_101, %dma_wait3A_165, %dma_wait3A_166] : memref<6x2x64xi32, #tpu.memory_space<vmem>> -> memref<1x2x64xi32, #tpu.memory_space<vmem>>
          %dma_wait3A_168 = tpu.memref_squeeze %dma_wait3A_167 : memref<1x2x64xi32, #tpu.memory_space<vmem>> -> memref<2x64xi32, #tpu.memory_space<vmem>>
          %dma_wait3A_169 = arith.constant 0 : i32
          %dma_wait3A_170 = arith.constant 0 : i32
          %dma_wait3A_171 = tpu.memref_slice %arg3[%add3A_164, %dma_wait3A_169, %dma_wait3A_170] : memref<5056x2x64xi32, #tpu.memory_space<hbm>> -> memref<1x2x64xi32, #tpu.memory_space<hbm>>
          %dma_wait3A_172 = tpu.memref_squeeze %dma_wait3A_171 : memref<1x2x64xi32, #tpu.memory_space<hbm>> -> memref<2x64xi32, #tpu.memory_space<hbm>>
          %dma_wait3A_173 = tpu.memref_slice %arg11[%rem3A_101] : memref<6x!tpu.dma_semaphore, #tpu.memory_space<semaphore_mem>> -> memref<1x!tpu.dma_semaphore, #tpu.memory_space<semaphore_mem>>
          %dma_wait3A_174 = tpu.memref_squeeze %dma_wait3A_173 : memref<1x!tpu.dma_semaphore, #tpu.memory_space<semaphore_mem>> -> memref<!tpu.dma_semaphore, #tpu.memory_space<semaphore_mem>>
          %dma_wait3A_175 = arith.constant 0 : i32
          %dma_wait3A_176 = arith.constant 0 : i32
          %dma_wait3A_177 = tpu.memref_slice %arg6[%rem3A_101, %dma_wait3A_175, %dma_wait3A_176] : memref<6x2x64xi32, #tpu.memory_space<vmem>> -> memref<1x2x64xi32, #tpu.memory_space<vmem>>
          %dma_wait3A_178 = tpu.memref_squeeze %dma_wait3A_177 : memref<1x2x64xi32, #tpu.memory_space<vmem>> -> memref<2x64xi32, #tpu.memory_space<vmem>>
          %dma_wait3A_179 = arith.constant 0 : i32
          %dma_wait3A_180 = arith.constant 0 : i32
          %dma_wait3A_181 = tpu.memref_slice %arg3[%add3A_164, %dma_wait3A_179, %dma_wait3A_180] : memref<5056x2x64xi32, #tpu.memory_space<hbm>> -> memref<1x2x64xi32, #tpu.memory_space<hbm>>
          %dma_wait3A_182 = tpu.memref_squeeze %dma_wait3A_181 : memref<1x2x64xi32, #tpu.memory_space<hbm>> -> memref<2x64xi32, #tpu.memory_space<hbm>>
          tpu.wait_dma2 semaphore(%dma_wait3A_174 : memref<!tpu.dma_semaphore, #tpu.memory_space<semaphore_mem>>) src(%dma_wait3A_182 : memref<2x64xi32, #tpu.memory_space<hbm>>) dst(%dma_wait3A_178 : memref<2x64xi32, #tpu.memory_space<vmem>>)
        } else {
        }
        %dma_start3A_149 = arith.constant 0 : i32
        %dma_start3A_150 = arith.constant 0 : i32
        %dma_start3A_151 = arith.constant 0 : i32
        %dma_start3A_152 = tpu.memref_slice %arg7[%rem3A_95, %dma_start3A_150, %dma_start3A_151] : memref<4x64x144xf32, #tpu.memory_space<vmem>> -> memref<1x64x144xf32, #tpu.memory_space<vmem>>
        %dma_start3A_153 = tpu.memref_squeeze %dma_start3A_152 : memref<1x64x144xf32, #tpu.memory_space<vmem>> -> memref<64x144xf32, #tpu.memory_space<vmem>>
        %dma_start3A_154 = arith.constant 0 : i32
        %dma_start3A_155 = tpu.memref_slice %arg6[%rem3A_101, %dma_start3A_149, %dma_start3A_154] : memref<6x2x64xi32, #tpu.memory_space<vmem>> -> memref<1x1x64xi32, #tpu.memory_space<vmem>>
        %dma_start3A_156 = tpu.memref_squeeze %dma_start3A_155 : memref<1x1x64xi32, #tpu.memory_space<vmem>> -> memref<64xi32, #tpu.memory_space<vmem>>
        %dma_start3A_157 = arith.constant 0 : i32
        %dma_start3A_158 = arith.constant 0 : i32
        %dma_start3A_159 = tpu.memref_slice %arg2[%dma_start3A_157, %dma_start3A_158] : memref<10000x144xf32, #tpu.memory_space<hbm>> -> memref<10000x144xf32, #tpu.memory_space<hbm>>
        %dma_start3A_160 = tpu.memref_slice %arg9[%rem3A_95] : memref<4x!tpu.dma_semaphore, #tpu.memory_space<semaphore_mem>> -> memref<1x!tpu.dma_semaphore, #tpu.memory_space<semaphore_mem>>
        %dma_start3A_161 = tpu.memref_squeeze %dma_start3A_160 : memref<1x!tpu.dma_semaphore, #tpu.memory_space<semaphore_mem>> -> memref<!tpu.dma_semaphore, #tpu.memory_space<semaphore_mem>>
        tpu.enqueue_indirect_dma source(%dma_start3A_159 : memref<10000x144xf32, #tpu.memory_space<hbm>>) target(%dma_start3A_153 : memref<64x144xf32, #tpu.memory_space<vmem>>) offsets(%dma_start3A_156 : memref<64xi32, #tpu.memory_space<vmem>>) semaphore(%dma_start3A_161 : memref<!tpu.dma_semaphore, #tpu.memory_space<semaphore_mem>>)
      } else {
      }
      %add3A_109 = arith.constant 3 : i32
      %add3A_110 = arith.addi %while3A_90, %add3A_109 : i32
      %lt3A_111 = arith.cmpi slt, %add3A_110, %select_n3A_9 : i32
      %convert_element_type3A_112 = arith.extui %lt3A_111 : i1 to i32
      %cond3A_113 = arith.constant 0 : i32
      %cond3A_114 = arith.cmpi ne, %convert_element_type3A_112, %cond3A_113 : i32
      scf.if %cond3A_114 {
        %add3A_140 = arith.addi %select_n3A, %while3A_90 : i32
        %add3A_141 = arith.constant 3 : i32
        %add3A_142 = arith.addi %add3A_140, %add3A_141 : i32
        %dma_start3A_143 = arith.constant 0 : i32
        %dma_start3A_144 = arith.constant 0 : i32
        %dma_start3A_145 = tpu.memref_slice %arg6[%rem3A_105, %dma_start3A_143, %dma_start3A_144] : memref<6x2x64xi32, #tpu.memory_space<vmem>> -> memref<1x2x64xi32, #tpu.memory_space<vmem>>
        %dma_start3A_146 = tpu.memref_squeeze %dma_start3A_145 : memref<1x2x64xi32, #tpu.memory_space<vmem>> -> memref<2x64xi32, #tpu.memory_space<vmem>>
        %dma_start3A_147 = arith.constant 0 : i32
        %dma_start3A_148 = arith.constant 0 : i32
        %dma_start3A_149 = tpu.memref_slice %arg3[%add3A_142, %dma_start3A_147, %dma_start3A_148] : memref<5056x2x64xi32, #tpu.memory_space<hbm>> -> memref<1x2x64xi32, #tpu.memory_space<hbm>>
        %dma_start3A_150 = tpu.memref_squeeze %dma_start3A_149 : memref<1x2x64xi32, #tpu.memory_space<hbm>> -> memref<2x64xi32, #tpu.memory_space<hbm>>
        %dma_start3A_151 = tpu.memref_slice %arg11[%rem3A_105] : memref<6x!tpu.dma_semaphore, #tpu.memory_space<semaphore_mem>> -> memref<1x!tpu.dma_semaphore, #tpu.memory_space<semaphore_mem>>
        %dma_start3A_152 = tpu.memref_squeeze %dma_start3A_151 : memref<1x!tpu.dma_semaphore, #tpu.memory_space<semaphore_mem>> -> memref<!tpu.dma_semaphore, #tpu.memory_space<semaphore_mem>>
        %dma_start3A_153 = arith.constant 0 : i32
        %dma_start3A_154 = arith.constant 0 : i32
        %dma_start3A_155 = tpu.memref_slice %arg6[%rem3A_105, %dma_start3A_153, %dma_start3A_154] : memref<6x2x64xi32, #tpu.memory_space<vmem>> -> memref<1x2x64xi32, #tpu.memory_space<vmem>>
        %dma_start3A_156 = tpu.memref_squeeze %dma_start3A_155 : memref<1x2x64xi32, #tpu.memory_space<vmem>> -> memref<2x64xi32, #tpu.memory_space<vmem>>
        %dma_start3A_157 = arith.constant 0 : i32
        %dma_start3A_158 = arith.constant 0 : i32
        %dma_start3A_159 = tpu.memref_slice %arg3[%add3A_142, %dma_start3A_157, %dma_start3A_158] : memref<5056x2x64xi32, #tpu.memory_space<hbm>> -> memref<1x2x64xi32, #tpu.memory_space<hbm>>
        %dma_start3A_160 = tpu.memref_squeeze %dma_start3A_159 : memref<1x2x64xi32, #tpu.memory_space<hbm>> -> memref<2x64xi32, #tpu.memory_space<hbm>>
        tpu.enqueue_dma source(%dma_start3A_160 : memref<2x64xi32, #tpu.memory_space<hbm>>) target(%dma_start3A_156 : memref<2x64xi32, #tpu.memory_space<vmem>>) target_semaphore(%dma_start3A_152 : memref<!tpu.dma_semaphore, #tpu.memory_space<semaphore_mem>>)
      } else {
      }
      %dma_wait3A = arith.constant 0 : i32
      %dma_wait3A_115 = arith.constant 0 : i32
      %dma_wait3A_116 = arith.constant 0 : i32
      %dma_wait3A_117 = tpu.memref_slice %arg7[%rem3A_91, %dma_wait3A_115, %dma_wait3A_116] : memref<4x64x144xf32, #tpu.memory_space<vmem>> -> memref<1x64x144xf32, #tpu.memory_space<vmem>>
      %dma_wait3A_118 = tpu.memref_squeeze %dma_wait3A_117 : memref<1x64x144xf32, #tpu.memory_space<vmem>> -> memref<64x144xf32, #tpu.memory_space<vmem>>
      %dma_wait3A_119 = arith.constant 0 : i32
      %dma_wait3A_120 = tpu.memref_slice %arg6[%rem3A_97, %dma_wait3A, %dma_wait3A_119] : memref<6x2x64xi32, #tpu.memory_space<vmem>> -> memref<1x1x64xi32, #tpu.memory_space<vmem>>
      %dma_wait3A_121 = tpu.memref_squeeze %dma_wait3A_120 : memref<1x1x64xi32, #tpu.memory_space<vmem>> -> memref<64xi32, #tpu.memory_space<vmem>>
      %dma_wait3A_122 = arith.constant 0 : i32
      %dma_wait3A_123 = arith.constant 0 : i32
      %dma_wait3A_124 = tpu.memref_slice %arg2[%dma_wait3A_122, %dma_wait3A_123] : memref<10000x144xf32, #tpu.memory_space<hbm>> -> memref<10000x144xf32, #tpu.memory_space<hbm>>
      %dma_wait3A_125 = tpu.memref_slice %arg9[%rem3A_91] : memref<4x!tpu.dma_semaphore, #tpu.memory_space<semaphore_mem>> -> memref<1x!tpu.dma_semaphore, #tpu.memory_space<semaphore_mem>>
      %dma_wait3A_126 = tpu.memref_squeeze %dma_wait3A_125 : memref<1x!tpu.dma_semaphore, #tpu.memory_space<semaphore_mem>> -> memref<!tpu.dma_semaphore, #tpu.memory_space<semaphore_mem>>
      tpu.wait_indirect_dma semaphore(%dma_wait3A_126 : memref<!tpu.dma_semaphore, #tpu.memory_space<semaphore_mem>>) src(%dma_wait3A_124 : memref<10000x144xf32, #tpu.memory_space<hbm>>) dst(%dma_wait3A_118 : memref<64x144xf32, #tpu.memory_space<vmem>>)
      %dma_start3A_127 = arith.constant 1 : i32
      %dma_start3A_128 = arith.constant 0 : i32
      %dma_start3A_129 = arith.constant 0 : i32
      %dma_start3A_130 = tpu.memref_slice %arg7[%rem3A_91, %dma_start3A_128, %dma_start3A_129] : memref<4x64x144xf32, #tpu.memory_space<vmem>> -> memref<1x64x144xf32, #tpu.memory_space<vmem>>
      %dma_start3A_131 = tpu.memref_squeeze %dma_start3A_130 : memref<1x64x144xf32, #tpu.memory_space<vmem>> -> memref<64x144xf32, #tpu.memory_space<vmem>>
      %dma_start3A_132 = arith.constant 0 : i32
      %dma_start3A_133 = tpu.memref_slice %arg6[%rem3A_97, %dma_start3A_127, %dma_start3A_132] : memref<6x2x64xi32, #tpu.memory_space<vmem>> -> memref<1x1x64xi32, #tpu.memory_space<vmem>>
      %dma_start3A_134 = tpu.memref_squeeze %dma_start3A_133 : memref<1x1x64xi32, #tpu.memory_space<vmem>> -> memref<64xi32, #tpu.memory_space<vmem>>
      %dma_start3A_135 = arith.constant 0 : i32
      %dma_start3A_136 = arith.constant 0 : i32
      %dma_start3A_137 = tpu.memref_slice %arg8[%dma_start3A_135, %dma_start3A_136] : memref<10112x144xf32, #tpu.memory_space<vmem_shared>> -> memref<10112x144xf32, #tpu.memory_space<vmem_shared>>
      %dma_start3A_138 = tpu.memref_slice %arg10[%rem3A_91] : memref<4x!tpu.dma_semaphore, #tpu.memory_space<semaphore_mem>> -> memref<1x!tpu.dma_semaphore, #tpu.memory_space<semaphore_mem>>
      %dma_start3A_139 = tpu.memref_squeeze %dma_start3A_138 : memref<1x!tpu.dma_semaphore, #tpu.memory_space<semaphore_mem>> -> memref<!tpu.dma_semaphore, #tpu.memory_space<semaphore_mem>>
      tpu.enqueue_indirect_dma source(%dma_start3A_131 : memref<64x144xf32, #tpu.memory_space<vmem>>) target(%dma_start3A_137 : memref<10112x144xf32, #tpu.memory_space<vmem_shared>>) offsets(%dma_start3A_134 : memref<64xi32, #tpu.memory_space<vmem>>) semaphore(%dma_start3A_139 : memref<!tpu.dma_semaphore, #tpu.memory_space<semaphore_mem>>) {add = true}
    }
    %while3A_66 = arith.constant 1 : i32
    scf.for %while3A_90 = %while3A_64 to %while3A_60 step %while3A_66  : i32 {
      %rem3A = arith.constant 4 : i32
      %rem3A_91 = arith.remsi %while3A_90, %rem3A : i32
      %add3A_92 = arith.constant 2 : i32
      %add3A_93 = arith.addi %while3A_90, %add3A_92 : i32
      %rem3A_94 = arith.constant 4 : i32
      %rem3A_95 = arith.remsi %add3A_93, %rem3A_94 : i32
      %rem3A_96 = arith.constant 6 : i32
      %rem3A_97 = arith.remsi %while3A_90, %rem3A_96 : i32
      %add3A_98 = arith.constant 2 : i32
      %add3A_99 = arith.addi %while3A_90, %add3A_98 : i32
      %rem3A_100 = arith.constant 6 : i32
      %rem3A_101 = arith.remsi %add3A_99, %rem3A_100 : i32
      %add3A_102 = arith.constant 3 : i32
      %add3A_103 = arith.addi %while3A_90, %add3A_102 : i32
      %rem3A_104 = arith.constant 6 : i32
      %rem3A_105 = arith.remsi %add3A_103, %rem3A_104 : i32
      %add3A_106 = arith.constant 2 : i32
      %add3A_107 = arith.addi %while3A_90, %add3A_106 : i32
      %lt3A = arith.cmpi slt, %add3A_107, %select_n3A_9 : i32
      %convert_element_type3A = arith.extui %lt3A : i1 to i32
      %cond3A = arith.constant 0 : i32
      %cond3A_108 = arith.cmpi ne, %convert_element_type3A, %cond3A : i32
      scf.if %cond3A_108 {
        %ge3A = arith.constant 2 : i32
        %ge3A_140 = arith.cmpi sge, %while3A_90, %ge3A : i32
        %convert_element_type3A_141 = arith.extui %ge3A_140 : i1 to i32
        %cond3A_142 = arith.constant 0 : i32
        %cond3A_143 = arith.cmpi ne, %convert_element_type3A_141, %cond3A_142 : i32
        scf.if %cond3A_143 {
          %dma_wait3A_162 = arith.constant 1 : i32
          %dma_wait3A_163 = arith.constant 0 : i32
          %dma_wait3A_164 = arith.constant 0 : i32
          %dma_wait3A_165 = tpu.memref_slice %arg7[%rem3A_95, %dma_wait3A_163, %dma_wait3A_164] : memref<4x64x144xf32, #tpu.memory_space<vmem>> -> memref<1x64x144xf32, #tpu.memory_space<vmem>>
          %dma_wait3A_166 = tpu.memref_squeeze %dma_wait3A_165 : memref<1x64x144xf32, #tpu.memory_space<vmem>> -> memref<64x144xf32, #tpu.memory_space<vmem>>
          %dma_wait3A_167 = arith.constant 0 : i32
          %dma_wait3A_168 = tpu.memref_slice %arg6[%rem3A_101, %dma_wait3A_162, %dma_wait3A_167] : memref<6x2x64xi32, #tpu.memory_space<vmem>> -> memref<1x1x64xi32, #tpu.memory_space<vmem>>
          %dma_wait3A_169 = tpu.memref_squeeze %dma_wait3A_168 : memref<1x1x64xi32, #tpu.memory_space<vmem>> -> memref<64xi32, #tpu.memory_space<vmem>>
          %dma_wait3A_170 = arith.constant 0 : i32
          %dma_wait3A_171 = arith.constant 0 : i32
          %dma_wait3A_172 = tpu.memref_slice %arg8[%dma_wait3A_170, %dma_wait3A_171] : memref<10112x144xf32, #tpu.memory_space<vmem_shared>> -> memref<10112x144xf32, #tpu.memory_space<vmem_shared>>
          %dma_wait3A_173 = tpu.memref_slice %arg10[%rem3A_95] : memref<4x!tpu.dma_semaphore, #tpu.memory_space<semaphore_mem>> -> memref<1x!tpu.dma_semaphore, #tpu.memory_space<semaphore_mem>>
          %dma_wait3A_174 = tpu.memref_squeeze %dma_wait3A_173 : memref<1x!tpu.dma_semaphore, #tpu.memory_space<semaphore_mem>> -> memref<!tpu.dma_semaphore, #tpu.memory_space<semaphore_mem>>
          tpu.wait_indirect_dma semaphore(%dma_wait3A_174 : memref<!tpu.dma_semaphore, #tpu.memory_space<semaphore_mem>>) src(%dma_wait3A_166 : memref<64x144xf32, #tpu.memory_space<vmem>>) dst(%dma_wait3A_172 : memref<10112x144xf32, #tpu.memory_space<vmem_shared>>)
        } else {
        }
        %ge3A_144 = arith.constant 1 : i32
        %ge3A_145 = arith.cmpi sge, %while3A_90, %ge3A_144 : i32
        %convert_element_type3A_146 = arith.extui %ge3A_145 : i1 to i32
        %cond3A_147 = arith.constant 0 : i32
        %cond3A_148 = arith.cmpi ne, %convert_element_type3A_146, %cond3A_147 : i32
        scf.if %cond3A_148 {
          %add3A_162 = arith.addi %select_n3A, %while3A_90 : i32
          %add3A_163 = arith.constant 2 : i32
          %add3A_164 = arith.addi %add3A_162, %add3A_163 : i32
          %dma_wait3A_165 = arith.constant 0 : i32
          %dma_wait3A_166 = arith.constant 0 : i32
          %dma_wait3A_167 = tpu.memref_slice %arg6[%rem3A_101, %dma_wait3A_165, %dma_wait3A_166] : memref<6x2x64xi32, #tpu.memory_space<vmem>> -> memref<1x2x64xi32, #tpu.memory_space<vmem>>
          %dma_wait3A_168 = tpu.memref_squeeze %dma_wait3A_167 : memref<1x2x64xi32, #tpu.memory_space<vmem>> -> memref<2x64xi32, #tpu.memory_space<vmem>>
          %dma_wait3A_169 = arith.constant 0 : i32
          %dma_wait3A_170 = arith.constant 0 : i32
          %dma_wait3A_171 = tpu.memref_slice %arg3[%add3A_164, %dma_wait3A_169, %dma_wait3A_170] : memref<5056x2x64xi32, #tpu.memory_space<hbm>> -> memref<1x2x64xi32, #tpu.memory_space<hbm>>
          %dma_wait3A_172 = tpu.memref_squeeze %dma_wait3A_171 : memref<1x2x64xi32, #tpu.memory_space<hbm>> -> memref<2x64xi32, #tpu.memory_space<hbm>>
          %dma_wait3A_173 = tpu.memref_slice %arg11[%rem3A_101] : memref<6x!tpu.dma_semaphore, #tpu.memory_space<semaphore_mem>> -> memref<1x!tpu.dma_semaphore, #tpu.memory_space<semaphore_mem>>
          %dma_wait3A_174 = tpu.memref_squeeze %dma_wait3A_173 : memref<1x!tpu.dma_semaphore, #tpu.memory_space<semaphore_mem>> -> memref<!tpu.dma_semaphore, #tpu.memory_space<semaphore_mem>>
          %dma_wait3A_175 = arith.constant 0 : i32
          %dma_wait3A_176 = arith.constant 0 : i32
          %dma_wait3A_177 = tpu.memref_slice %arg6[%rem3A_101, %dma_wait3A_175, %dma_wait3A_176] : memref<6x2x64xi32, #tpu.memory_space<vmem>> -> memref<1x2x64xi32, #tpu.memory_space<vmem>>
          %dma_wait3A_178 = tpu.memref_squeeze %dma_wait3A_177 : memref<1x2x64xi32, #tpu.memory_space<vmem>> -> memref<2x64xi32, #tpu.memory_space<vmem>>
          %dma_wait3A_179 = arith.constant 0 : i32
          %dma_wait3A_180 = arith.constant 0 : i32
          %dma_wait3A_181 = tpu.memref_slice %arg3[%add3A_164, %dma_wait3A_179, %dma_wait3A_180] : memref<5056x2x64xi32, #tpu.memory_space<hbm>> -> memref<1x2x64xi32, #tpu.memory_space<hbm>>
          %dma_wait3A_182 = tpu.memref_squeeze %dma_wait3A_181 : memref<1x2x64xi32, #tpu.memory_space<hbm>> -> memref<2x64xi32, #tpu.memory_space<hbm>>
          tpu.wait_dma2 semaphore(%dma_wait3A_174 : memref<!tpu.dma_semaphore, #tpu.memory_space<semaphore_mem>>) src(%dma_wait3A_182 : memref<2x64xi32, #tpu.memory_space<hbm>>) dst(%dma_wait3A_178 : memref<2x64xi32, #tpu.memory_space<vmem>>)
        } else {
        }
        %dma_start3A_149 = arith.constant 0 : i32
        %dma_start3A_150 = arith.constant 0 : i32
        %dma_start3A_151 = arith.constant 0 : i32
        %dma_start3A_152 = tpu.memref_slice %arg7[%rem3A_95, %dma_start3A_150, %dma_start3A_151] : memref<4x64x144xf32, #tpu.memory_space<vmem>> -> memref<1x64x144xf32, #tpu.memory_space<vmem>>
        %dma_start3A_153 = tpu.memref_squeeze %dma_start3A_152 : memref<1x64x144xf32, #tpu.memory_space<vmem>> -> memref<64x144xf32, #tpu.memory_space<vmem>>
        %dma_start3A_154 = arith.constant 0 : i32
        %dma_start3A_155 = tpu.memref_slice %arg6[%rem3A_101, %dma_start3A_149, %dma_start3A_154] : memref<6x2x64xi32, #tpu.memory_space<vmem>> -> memref<1x1x64xi32, #tpu.memory_space<vmem>>
        %dma_start3A_156 = tpu.memref_squeeze %dma_start3A_155 : memref<1x1x64xi32, #tpu.memory_space<vmem>> -> memref<64xi32, #tpu.memory_space<vmem>>
        %dma_start3A_157 = arith.constant 0 : i32
        %dma_start3A_158 = arith.constant 0 : i32
        %dma_start3A_159 = tpu.memref_slice %arg2[%dma_start3A_157, %dma_start3A_158] : memref<10000x144xf32, #tpu.memory_space<hbm>> -> memref<10000x144xf32, #tpu.memory_space<hbm>>
        %dma_start3A_160 = tpu.memref_slice %arg9[%rem3A_95] : memref<4x!tpu.dma_semaphore, #tpu.memory_space<semaphore_mem>> -> memref<1x!tpu.dma_semaphore, #tpu.memory_space<semaphore_mem>>
        %dma_start3A_161 = tpu.memref_squeeze %dma_start3A_160 : memref<1x!tpu.dma_semaphore, #tpu.memory_space<semaphore_mem>> -> memref<!tpu.dma_semaphore, #tpu.memory_space<semaphore_mem>>
        tpu.enqueue_indirect_dma source(%dma_start3A_159 : memref<10000x144xf32, #tpu.memory_space<hbm>>) target(%dma_start3A_153 : memref<64x144xf32, #tpu.memory_space<vmem>>) offsets(%dma_start3A_156 : memref<64xi32, #tpu.memory_space<vmem>>) semaphore(%dma_start3A_161 : memref<!tpu.dma_semaphore, #tpu.memory_space<semaphore_mem>>)
      } else {
      }
      %add3A_109 = arith.constant 3 : i32
      %add3A_110 = arith.addi %while3A_90, %add3A_109 : i32
      %lt3A_111 = arith.cmpi slt, %add3A_110, %select_n3A_9 : i32
      %convert_element_type3A_112 = arith.extui %lt3A_111 : i1 to i32
      %cond3A_113 = arith.constant 0 : i32
      %cond3A_114 = arith.cmpi ne, %convert_element_type3A_112, %cond3A_113 : i32
      scf.if %cond3A_114 {
        %add3A_140 = arith.addi %select_n3A, %while3A_90 : i32
        %add3A_141 = arith.constant 3 : i32
        %add3A_142 = arith.addi %add3A_140, %add3A_141 : i32
        %dma_start3A_143 = arith.constant 0 : i32
        %dma_start3A_144 = arith.constant 0 : i32
        %dma_start3A_145 = tpu.memref_slice %arg6[%rem3A_105, %dma_start3A_143, %dma_start3A_144] : memref<6x2x64xi32, #tpu.memory_space<vmem>> -> memref<1x2x64xi32, #tpu.memory_space<vmem>>
        %dma_start3A_146 = tpu.memref_squeeze %dma_start3A_145 : memref<1x2x64xi32, #tpu.memory_space<vmem>> -> memref<2x64xi32, #tpu.memory_space<vmem>>
        %dma_start3A_147 = arith.constant 0 : i32
        %dma_start3A_148 = arith.constant 0 : i32
        %dma_start3A_149 = tpu.memref_slice %arg3[%add3A_142, %dma_start3A_147, %dma_start3A_148] : memref<5056x2x64xi32, #tpu.memory_space<hbm>> -> memref<1x2x64xi32, #tpu.memory_space<hbm>>
        %dma_start3A_150 = tpu.memref_squeeze %dma_start3A_149 : memref<1x2x64xi32, #tpu.memory_space<hbm>> -> memref<2x64xi32, #tpu.memory_space<hbm>>
        %dma_start3A_151 = tpu.memref_slice %arg11[%rem3A_105] : memref<6x!tpu.dma_semaphore, #tpu.memory_space<semaphore_mem>> -> memref<1x!tpu.dma_semaphore, #tpu.memory_space<semaphore_mem>>
        %dma_start3A_152 = tpu.memref_squeeze %dma_start3A_151 : memref<1x!tpu.dma_semaphore, #tpu.memory_space<semaphore_mem>> -> memref<!tpu.dma_semaphore, #tpu.memory_space<semaphore_mem>>
        %dma_start3A_153 = arith.constant 0 : i32
        %dma_start3A_154 = arith.constant 0 : i32
        %dma_start3A_155 = tpu.memref_slice %arg6[%rem3A_105, %dma_start3A_153, %dma_start3A_154] : memref<6x2x64xi32, #tpu.memory_space<vmem>> -> memref<1x2x64xi32, #tpu.memory_space<vmem>>
        %dma_start3A_156 = tpu.memref_squeeze %dma_start3A_155 : memref<1x2x64xi32, #tpu.memory_space<vmem>> -> memref<2x64xi32, #tpu.memory_space<vmem>>
        %dma_start3A_157 = arith.constant 0 : i32
        %dma_start3A_158 = arith.constant 0 : i32
        %dma_start3A_159 = tpu.memref_slice %arg3[%add3A_142, %dma_start3A_157, %dma_start3A_158] : memref<5056x2x64xi32, #tpu.memory_space<hbm>> -> memref<1x2x64xi32, #tpu.memory_space<hbm>>
        %dma_start3A_160 = tpu.memref_squeeze %dma_start3A_159 : memref<1x2x64xi32, #tpu.memory_space<hbm>> -> memref<2x64xi32, #tpu.memory_space<hbm>>
        tpu.enqueue_dma source(%dma_start3A_160 : memref<2x64xi32, #tpu.memory_space<hbm>>) target(%dma_start3A_156 : memref<2x64xi32, #tpu.memory_space<vmem>>) target_semaphore(%dma_start3A_152 : memref<!tpu.dma_semaphore, #tpu.memory_space<semaphore_mem>>)
      } else {
      }
      %dma_wait3A = arith.constant 0 : i32
      %dma_wait3A_115 = arith.constant 0 : i32
      %dma_wait3A_116 = arith.constant 0 : i32
      %dma_wait3A_117 = tpu.memref_slice %arg7[%rem3A_91, %dma_wait3A_115, %dma_wait3A_116] : memref<4x64x144xf32, #tpu.memory_space<vmem>> -> memref<1x64x144xf32, #tpu.memory_space<vmem>>
      %dma_wait3A_118 = tpu.memref_squeeze %dma_wait3A_117 : memref<1x64x144xf32, #tpu.memory_space<vmem>> -> memref<64x144xf32, #tpu.memory_space<vmem>>
      %dma_wait3A_119 = arith.constant 0 : i32
      %dma_wait3A_120 = tpu.memref_slice %arg6[%rem3A_97, %dma_wait3A, %dma_wait3A_119] : memref<6x2x64xi32, #tpu.memory_space<vmem>> -> memref<1x1x64xi32, #tpu.memory_space<vmem>>
      %dma_wait3A_121 = tpu.memref_squeeze %dma_wait3A_120 : memref<1x1x64xi32, #tpu.memory_space<vmem>> -> memref<64xi32, #tpu.memory_space<vmem>>
      %dma_wait3A_122 = arith.constant 0 : i32
      %dma_wait3A_123 = arith.constant 0 : i32
      %dma_wait3A_124 = tpu.memref_slice %arg2[%dma_wait3A_122, %dma_wait3A_123] : memref<10000x144xf32, #tpu.memory_space<hbm>> -> memref<10000x144xf32, #tpu.memory_space<hbm>>
      %dma_wait3A_125 = tpu.memref_slice %arg9[%rem3A_91] : memref<4x!tpu.dma_semaphore, #tpu.memory_space<semaphore_mem>> -> memref<1x!tpu.dma_semaphore, #tpu.memory_space<semaphore_mem>>
      %dma_wait3A_126 = tpu.memref_squeeze %dma_wait3A_125 : memref<1x!tpu.dma_semaphore, #tpu.memory_space<semaphore_mem>> -> memref<!tpu.dma_semaphore, #tpu.memory_space<semaphore_mem>>
      tpu.wait_indirect_dma semaphore(%dma_wait3A_126 : memref<!tpu.dma_semaphore, #tpu.memory_space<semaphore_mem>>) src(%dma_wait3A_124 : memref<10000x144xf32, #tpu.memory_space<hbm>>) dst(%dma_wait3A_118 : memref<64x144xf32, #tpu.memory_space<vmem>>)
      %dma_start3A_127 = arith.constant 1 : i32
      %dma_start3A_128 = arith.constant 0 : i32
      %dma_start3A_129 = arith.constant 0 : i32
      %dma_start3A_130 = tpu.memref_slice %arg7[%rem3A_91, %dma_start3A_128, %dma_start3A_129] : memref<4x64x144xf32, #tpu.memory_space<vmem>> -> memref<1x64x144xf32, #tpu.memory_space<vmem>>
      %dma_start3A_131 = tpu.memref_squeeze %dma_start3A_130 : memref<1x64x144xf32, #tpu.memory_space<vmem>> -> memref<64x144xf32, #tpu.memory_space<vmem>>
      %dma_start3A_132 = arith.constant 0 : i32
      %dma_start3A_133 = tpu.memref_slice %arg6[%rem3A_97, %dma_start3A_127, %dma_start3A_132] : memref<6x2x64xi32, #tpu.memory_space<vmem>> -> memref<1x1x64xi32, #tpu.memory_space<vmem>>
      %dma_start3A_134 = tpu.memref_squeeze %dma_start3A_133 : memref<1x1x64xi32, #tpu.memory_space<vmem>> -> memref<64xi32, #tpu.memory_space<vmem>>
      %dma_start3A_135 = arith.constant 0 : i32
      %dma_start3A_136 = arith.constant 0 : i32
      %dma_start3A_137 = tpu.memref_slice %arg8[%dma_start3A_135, %dma_start3A_136] : memref<10112x144xf32, #tpu.memory_space<vmem_shared>> -> memref<10112x144xf32, #tpu.memory_space<vmem_shared>>
      %dma_start3A_138 = tpu.memref_slice %arg10[%rem3A_91] : memref<4x!tpu.dma_semaphore, #tpu.memory_space<semaphore_mem>> -> memref<1x!tpu.dma_semaphore, #tpu.memory_space<semaphore_mem>>
      %dma_start3A_139 = tpu.memref_squeeze %dma_start3A_138 : memref<1x!tpu.dma_semaphore, #tpu.memory_space<semaphore_mem>> -> memref<!tpu.dma_semaphore, #tpu.memory_space<semaphore_mem>>
      tpu.enqueue_indirect_dma source(%dma_start3A_131 : memref<64x144xf32, #tpu.memory_space<vmem>>) target(%dma_start3A_137 : memref<10112x144xf32, #tpu.memory_space<vmem_shared>>) offsets(%dma_start3A_134 : memref<64xi32, #tpu.memory_space<vmem>>) semaphore(%dma_start3A_139 : memref<!tpu.dma_semaphore, #tpu.memory_space<semaphore_mem>>) {add = true}
    }
    %sub3A = arith.constant 4 : i32
    %sub3A_67 = arith.subi %select_n3A_9, %sub3A : i32
    %while3A_68 = arith.constant 0 : i32
    %while3A_69 = arith.subi %select_n3A_9, %sub3A_67 : i32
    %while3A_70 = arith.addi %sub3A_67, %while3A_69 : i32
    %while3A_71 = arith.constant 1 : i32
    %while3A_72 = arith.divsi %while3A_69, %while3A_71 : i32
    %while3A_73 = arith.muli %while3A_72, %while3A_71 : i32
    %while3A_74 = arith.addi %sub3A_67, %while3A_73 : i32
    %while3A_75 = arith.constant 1 : i32
    scf.for %while3A_90 = %sub3A_67 to %while3A_74 step %while3A_75  : i32 {
      %rem3A = arith.constant 4 : i32
      %rem3A_91 = arith.remsi %while3A_90, %rem3A : i32
      %rem3A_92 = arith.constant 6 : i32
      %rem3A_93 = arith.remsi %while3A_90, %rem3A_92 : i32
      %rem3A_94 = arith.constant 4 : i32
      %rem3A_95 = arith.remsi %while3A_90, %rem3A_94 : i32
      %dma_wait3A = arith.constant 1 : i32
      %dma_wait3A_96 = arith.constant 0 : i32
      %dma_wait3A_97 = arith.constant 0 : i32
      %dma_wait3A_98 = tpu.memref_slice %arg7[%rem3A_91, %dma_wait3A_96, %dma_wait3A_97] : memref<4x64x144xf32, #tpu.memory_space<vmem>> -> memref<1x64x144xf32, #tpu.memory_space<vmem>>
      %dma_wait3A_99 = tpu.memref_squeeze %dma_wait3A_98 : memref<1x64x144xf32, #tpu.memory_space<vmem>> -> memref<64x144xf32, #tpu.memory_space<vmem>>
      %dma_wait3A_100 = arith.constant 0 : i32
      %dma_wait3A_101 = tpu.memref_slice %arg6[%rem3A_93, %dma_wait3A, %dma_wait3A_100] : memref<6x2x64xi32, #tpu.memory_space<vmem>> -> memref<1x1x64xi32, #tpu.memory_space<vmem>>
      %dma_wait3A_102 = tpu.memref_squeeze %dma_wait3A_101 : memref<1x1x64xi32, #tpu.memory_space<vmem>> -> memref<64xi32, #tpu.memory_space<vmem>>
      %dma_wait3A_103 = arith.constant 0 : i32
      %dma_wait3A_104 = arith.constant 0 : i32
      %dma_wait3A_105 = tpu.memref_slice %arg8[%dma_wait3A_103, %dma_wait3A_104] : memref<10112x144xf32, #tpu.memory_space<vmem_shared>> -> memref<10112x144xf32, #tpu.memory_space<vmem_shared>>
      %dma_wait3A_106 = tpu.memref_slice %arg10[%rem3A_95] : memref<4x!tpu.dma_semaphore, #tpu.memory_space<semaphore_mem>> -> memref<1x!tpu.dma_semaphore, #tpu.memory_space<semaphore_mem>>
      %dma_wait3A_107 = tpu.memref_squeeze %dma_wait3A_106 : memref<1x!tpu.dma_semaphore, #tpu.memory_space<semaphore_mem>> -> memref<!tpu.dma_semaphore, #tpu.memory_space<semaphore_mem>>
      tpu.wait_indirect_dma semaphore(%dma_wait3A_107 : memref<!tpu.dma_semaphore, #tpu.memory_space<semaphore_mem>>) src(%dma_wait3A_99 : memref<64x144xf32, #tpu.memory_space<vmem>>) dst(%dma_wait3A_105 : memref<10112x144xf32, #tpu.memory_space<vmem_shared>>)
    }
    %while3A_76 = arith.constant 1 : i32
    scf.for %while3A_90 = %while3A_74 to %while3A_70 step %while3A_76  : i32 {
      %rem3A = arith.constant 4 : i32
      %rem3A_91 = arith.remsi %while3A_90, %rem3A : i32
      %rem3A_92 = arith.constant 6 : i32
      %rem3A_93 = arith.remsi %while3A_90, %rem3A_92 : i32
      %rem3A_94 = arith.constant 4 : i32
      %rem3A_95 = arith.remsi %while3A_90, %rem3A_94 : i32
      %dma_wait3A = arith.constant 1 : i32
      %dma_wait3A_96 = arith.constant 0 : i32
      %dma_wait3A_97 = arith.constant 0 : i32
      %dma_wait3A_98 = tpu.memref_slice %arg7[%rem3A_91, %dma_wait3A_96, %dma_wait3A_97] : memref<4x64x144xf32, #tpu.memory_space<vmem>> -> memref<1x64x144xf32, #tpu.memory_space<vmem>>
      %dma_wait3A_99 = tpu.memref_squeeze %dma_wait3A_98 : memref<1x64x144xf32, #tpu.memory_space<vmem>> -> memref<64x144xf32, #tpu.memory_space<vmem>>
      %dma_wait3A_100 = arith.constant 0 : i32
      %dma_wait3A_101 = tpu.memref_slice %arg6[%rem3A_93, %dma_wait3A, %dma_wait3A_100] : memref<6x2x64xi32, #tpu.memory_space<vmem>> -> memref<1x1x64xi32, #tpu.memory_space<vmem>>
      %dma_wait3A_102 = tpu.memref_squeeze %dma_wait3A_101 : memref<1x1x64xi32, #tpu.memory_space<vmem>> -> memref<64xi32, #tpu.memory_space<vmem>>
      %dma_wait3A_103 = arith.constant 0 : i32
      %dma_wait3A_104 = arith.constant 0 : i32
      %dma_wait3A_105 = tpu.memref_slice %arg8[%dma_wait3A_103, %dma_wait3A_104] : memref<10112x144xf32, #tpu.memory_space<vmem_shared>> -> memref<10112x144xf32, #tpu.memory_space<vmem_shared>>
      %dma_wait3A_106 = tpu.memref_slice %arg10[%rem3A_95] : memref<4x!tpu.dma_semaphore, #tpu.memory_space<semaphore_mem>> -> memref<1x!tpu.dma_semaphore, #tpu.memory_space<semaphore_mem>>
      %dma_wait3A_107 = tpu.memref_squeeze %dma_wait3A_106 : memref<1x!tpu.dma_semaphore, #tpu.memory_space<semaphore_mem>> -> memref<!tpu.dma_semaphore, #tpu.memory_space<semaphore_mem>>
      tpu.wait_indirect_dma semaphore(%dma_wait3A_107 : memref<!tpu.dma_semaphore, #tpu.memory_space<semaphore_mem>>) src(%dma_wait3A_99 : memref<64x144xf32, #tpu.memory_space<vmem>>) dst(%dma_wait3A_105 : memref<10112x144xf32, #tpu.memory_space<vmem_shared>>)
    }
    %barrier3A_77 = arith.constant 0 : index
    tpu.barrier barrier_id(%barrier3A_77)
    %scan3A_78 = arith.constant 0 : i32
    %scan3A_79 = arith.constant 0 : i32
    %scan3A_80 = arith.constant 9 : i32
    %scan3A_81 = arith.addi %scan3A_79, %scan3A_80 : i32
    %scan3A_82 = arith.constant 1 : i32
    scf.for %scan3A_90 = %scan3A_79 to %scan3A_81 step %scan3A_82  : i32 {
      %mul3A_91 = arith.constant 632 : i32
      %mul3A_92 = arith.muli %arg1, %mul3A_91 : i32
      %mul3A_93 = arith.constant 64 : i32
      %mul3A_94 = arith.muli %scan3A_90, %mul3A_93 : i32
      %add3A_95 = arith.addi %mul3A_92, %mul3A_94 : i32
      %run_scoped3A_96 = arith.constant 0 : i32
      "tpu.region"() ({
        %run_scoped3A_98 = tpu.sem_alloc : memref<!tpu.dma_semaphore, #tpu.memory_space<semaphore_mem>>
        %dma_start3A_99 = arith.constant 0 : i32
        %dma_start3A_100 = arith.constant 0 : i32
        %dma_start3A_101 = tpu.memref_slice %arg7[%run_scoped3A_96, %dma_start3A_99, %dma_start3A_100] : memref<4x64x144xf32, #tpu.memory_space<vmem>> -> memref<1x64x144xf32, #tpu.memory_space<vmem>>
        %dma_start3A_102 = tpu.memref_squeeze %dma_start3A_101 : memref<1x64x144xf32, #tpu.memory_space<vmem>> -> memref<64x144xf32, #tpu.memory_space<vmem>>
        %dma_start3A_103 = arith.constant 0 : i32
        %dma_start3A_104 = tpu.memref_slice %arg8[%add3A_95, %dma_start3A_103] : memref<10112x144xf32, #tpu.memory_space<vmem_shared>> -> memref<64x144xf32, #tpu.memory_space<vmem_shared>>
        %dma_start3A_105 = arith.constant 0 : i32
        %dma_start3A_106 = arith.constant 0 : i32
        %dma_start3A_107 = tpu.memref_slice %arg7[%run_scoped3A_96, %dma_start3A_105, %dma_start3A_106] : memref<4x64x144xf32, #tpu.memory_space<vmem>> -> memref<1x64x144xf32, #tpu.memory_space<vmem>>
        %dma_start3A_108 = tpu.memref_squeeze %dma_start3A_107 : memref<1x64x144xf32, #tpu.memory_space<vmem>> -> memref<64x144xf32, #tpu.memory_space<vmem>>
        %dma_start3A_109 = arith.constant 0 : i32
        %dma_start3A_110 = tpu.memref_slice %arg8[%add3A_95, %dma_start3A_109] : memref<10112x144xf32, #tpu.memory_space<vmem_shared>> -> memref<64x144xf32, #tpu.memory_space<vmem_shared>>
        tpu.enqueue_dma source(%dma_start3A_110 : memref<64x144xf32, #tpu.memory_space<vmem_shared>>) target(%dma_start3A_108 : memref<64x144xf32, #tpu.memory_space<vmem>>) target_semaphore(%run_scoped3A_98 : memref<!tpu.dma_semaphore, #tpu.memory_space<semaphore_mem>>)
        %dma_wait3A = arith.constant 0 : i32
        %dma_wait3A_111 = arith.constant 0 : i32
        %dma_wait3A_112 = tpu.memref_slice %arg7[%run_scoped3A_96, %dma_wait3A, %dma_wait3A_111] : memref<4x64x144xf32, #tpu.memory_space<vmem>> -> memref<1x64x144xf32, #tpu.memory_space<vmem>>
        %dma_wait3A_113 = tpu.memref_squeeze %dma_wait3A_112 : memref<1x64x144xf32, #tpu.memory_space<vmem>> -> memref<64x144xf32, #tpu.memory_space<vmem>>
        %dma_wait3A_114 = arith.constant 0 : i32
        %dma_wait3A_115 = tpu.memref_slice %arg8[%add3A_95, %dma_wait3A_114] : memref<10112x144xf32, #tpu.memory_space<vmem_shared>> -> memref<64x144xf32, #tpu.memory_space<vmem_shared>>
        %dma_wait3A_116 = arith.constant 0 : i32
        %dma_wait3A_117 = arith.constant 0 : i32
        %dma_wait3A_118 = tpu.memref_slice %arg7[%run_scoped3A_96, %dma_wait3A_116, %dma_wait3A_117] : memref<4x64x144xf32, #tpu.memory_space<vmem>> -> memref<1x64x144xf32, #tpu.memory_space<vmem>>
        %dma_wait3A_119 = tpu.memref_squeeze %dma_wait3A_118 : memref<1x64x144xf32, #tpu.memory_space<vmem>> -> memref<64x144xf32, #tpu.memory_space<vmem>>
        %dma_wait3A_120 = arith.constant 0 : i32
        %dma_wait3A_121 = tpu.memref_slice %arg8[%add3A_95, %dma_wait3A_120] : memref<10112x144xf32, #tpu.memory_space<vmem_shared>> -> memref<64x144xf32, #tpu.memory_space<vmem_shared>>
        tpu.wait_dma2 semaphore(%run_scoped3A_98 : memref<!tpu.dma_semaphore, #tpu.memory_space<semaphore_mem>>) src(%dma_wait3A_121 : memref<64x144xf32, #tpu.memory_space<vmem_shared>>) dst(%dma_wait3A_119 : memref<64x144xf32, #tpu.memory_space<vmem>>)
        tpu.yield
      }) : () -> ()
      %run_scoped3A_97 = arith.constant 0 : i32
      "tpu.region"() ({
        %run_scoped3A_98 = tpu.sem_alloc : memref<!tpu.dma_semaphore, #tpu.memory_space<semaphore_mem>>
        %dma_start3A_99 = arith.constant 0 : i32
        %dma_start3A_100 = arith.constant 0 : i32
        %dma_start3A_101 = tpu.memref_slice %arg7[%run_scoped3A_97, %dma_start3A_99, %dma_start3A_100] : memref<4x64x144xf32, #tpu.memory_space<vmem>> -> memref<1x64x144xf32, #tpu.memory_space<vmem>>
        %dma_start3A_102 = tpu.memref_squeeze %dma_start3A_101 : memref<1x64x144xf32, #tpu.memory_space<vmem>> -> memref<64x144xf32, #tpu.memory_space<vmem>>
        %dma_start3A_103 = arith.constant 0 : i32
        %dma_start3A_104 = tpu.memref_slice %arg5[%arg0, %add3A_95, %dma_start3A_103] : memref<2x10112x144xf32, #tpu.memory_space<hbm>> -> memref<1x64x144xf32, #tpu.memory_space<hbm>>
        %dma_start3A_105 = tpu.memref_squeeze %dma_start3A_104 : memref<1x64x144xf32, #tpu.memory_space<hbm>> -> memref<64x144xf32, #tpu.memory_space<hbm>>
        %dma_start3A_106 = arith.constant 0 : i32
        %dma_start3A_107 = tpu.memref_slice %arg5[%arg0, %add3A_95, %dma_start3A_106] : memref<2x10112x144xf32, #tpu.memory_space<hbm>> -> memref<1x64x144xf32, #tpu.memory_space<hbm>>
        %dma_start3A_108 = tpu.memref_squeeze %dma_start3A_107 : memref<1x64x144xf32, #tpu.memory_space<hbm>> -> memref<64x144xf32, #tpu.memory_space<hbm>>
        %dma_start3A_109 = arith.constant 0 : i32
        %dma_start3A_110 = arith.constant 0 : i32
        %dma_start3A_111 = tpu.memref_slice %arg7[%run_scoped3A_97, %dma_start3A_109, %dma_start3A_110] : memref<4x64x144xf32, #tpu.memory_space<vmem>> -> memref<1x64x144xf32, #tpu.memory_space<vmem>>
        %dma_start3A_112 = tpu.memref_squeeze %dma_start3A_111 : memref<1x64x144xf32, #tpu.memory_space<vmem>> -> memref<64x144xf32, #tpu.memory_space<vmem>>
        tpu.enqueue_dma source(%dma_start3A_112 : memref<64x144xf32, #tpu.memory_space<vmem>>) target(%dma_start3A_108 : memref<64x144xf32, #tpu.memory_space<hbm>>) target_semaphore(%run_scoped3A_98 : memref<!tpu.dma_semaphore, #tpu.memory_space<semaphore_mem>>)
        %dma_wait3A = arith.constant 0 : i32
        %dma_wait3A_113 = arith.constant 0 : i32
        %dma_wait3A_114 = tpu.memref_slice %arg7[%run_scoped3A_97, %dma_wait3A, %dma_wait3A_113] : memref<4x64x144xf32, #tpu.memory_space<vmem>> -> memref<1x64x144xf32, #tpu.memory_space<vmem>>
        %dma_wait3A_115 = tpu.memref_squeeze %dma_wait3A_114 : memref<1x64x144xf32, #tpu.memory_space<vmem>> -> memref<64x144xf32, #tpu.memory_space<vmem>>
        %dma_wait3A_116 = arith.constant 0 : i32
        %dma_wait3A_117 = tpu.memref_slice %arg5[%arg0, %add3A_95, %dma_wait3A_116] : memref<2x10112x144xf32, #tpu.memory_space<hbm>> -> memref<1x64x144xf32, #tpu.memory_space<hbm>>
        %dma_wait3A_118 = tpu.memref_squeeze %dma_wait3A_117 : memref<1x64x144xf32, #tpu.memory_space<hbm>> -> memref<64x144xf32, #tpu.memory_space<hbm>>
        %dma_wait3A_119 = arith.constant 0 : i32
        %dma_wait3A_120 = tpu.memref_slice %arg5[%arg0, %add3A_95, %dma_wait3A_119] : memref<2x10112x144xf32, #tpu.memory_space<hbm>> -> memref<1x64x144xf32, #tpu.memory_space<hbm>>
        %dma_wait3A_121 = tpu.memref_squeeze %dma_wait3A_120 : memref<1x64x144xf32, #tpu.memory_space<hbm>> -> memref<64x144xf32, #tpu.memory_space<hbm>>
        %dma_wait3A_122 = arith.constant 0 : i32
        %dma_wait3A_123 = arith.constant 0 : i32
        %dma_wait3A_124 = tpu.memref_slice %arg7[%run_scoped3A_97, %dma_wait3A_122, %dma_wait3A_123] : memref<4x64x144xf32, #tpu.memory_space<vmem>> -> memref<1x64x144xf32, #tpu.memory_space<vmem>>
        %dma_wait3A_125 = tpu.memref_squeeze %dma_wait3A_124 : memref<1x64x144xf32, #tpu.memory_space<vmem>> -> memref<64x144xf32, #tpu.memory_space<vmem>>
        tpu.wait_dma2 semaphore(%run_scoped3A_98 : memref<!tpu.dma_semaphore, #tpu.memory_space<semaphore_mem>>) src(%dma_wait3A_125 : memref<64x144xf32, #tpu.memory_space<vmem>>) dst(%dma_wait3A_121 : memref<64x144xf32, #tpu.memory_space<hbm>>)
        tpu.yield
      }) : () -> ()
    }
    %scan3A_83 = arith.constant 9 : i32
    %mul3A_84 = arith.constant 632 : i32
    %mul3A_85 = arith.muli %arg1, %mul3A_84 : i32
    %add3A_86 = arith.constant 576 : i32
    %add3A_87 = arith.addi %mul3A_85, %add3A_86 : i32
    %run_scoped3A_88 = arith.constant 0 : i32
    "tpu.region"() ({
      %run_scoped3A_90 = tpu.sem_alloc : memref<!tpu.dma_semaphore, #tpu.memory_space<semaphore_mem>>
      %dma_start3A_91 = arith.constant 0 : i32
      %dma_start3A_92 = arith.constant 0 : i32
      %dma_start3A_93 = tpu.memref_slice %arg7[%run_scoped3A_88, %dma_start3A_91, %dma_start3A_92] : memref<4x64x144xf32, #tpu.memory_space<vmem>> -> memref<1x56x144xf32, #tpu.memory_space<vmem>>
      %dma_start3A_94 = tpu.memref_squeeze %dma_start3A_93 : memref<1x56x144xf32, #tpu.memory_space<vmem>> -> memref<56x144xf32, #tpu.memory_space<vmem>>
      %dma_start3A_95 = arith.constant 0 : i32
      %dma_start3A_96 = tpu.memref_slice %arg8[%add3A_87, %dma_start3A_95] : memref<10112x144xf32, #tpu.memory_space<vmem_shared>> -> memref<56x144xf32, #tpu.memory_space<vmem_shared>>
      %dma_start3A_97 = arith.constant 0 : i32
      %dma_start3A_98 = arith.constant 0 : i32
      %dma_start3A_99 = tpu.memref_slice %arg7[%run_scoped3A_88, %dma_start3A_97, %dma_start3A_98] : memref<4x64x144xf32, #tpu.memory_space<vmem>> -> memref<1x56x144xf32, #tpu.memory_space<vmem>>
      %dma_start3A_100 = tpu.memref_squeeze %dma_start3A_99 : memref<1x56x144xf32, #tpu.memory_space<vmem>> -> memref<56x144xf32, #tpu.memory_space<vmem>>
      %dma_start3A_101 = arith.constant 0 : i32
      %dma_start3A_102 = tpu.memref_slice %arg8[%add3A_87, %dma_start3A_101] : memref<10112x144xf32, #tpu.memory_space<vmem_shared>> -> memref<56x144xf32, #tpu.memory_space<vmem_shared>>
      tpu.enqueue_dma source(%dma_start3A_102 : memref<56x144xf32, #tpu.memory_space<vmem_shared>>) target(%dma_start3A_100 : memref<56x144xf32, #tpu.memory_space<vmem>>) target_semaphore(%run_scoped3A_90 : memref<!tpu.dma_semaphore, #tpu.memory_space<semaphore_mem>>)
      %dma_wait3A = arith.constant 0 : i32
      %dma_wait3A_103 = arith.constant 0 : i32
      %dma_wait3A_104 = tpu.memref_slice %arg7[%run_scoped3A_88, %dma_wait3A, %dma_wait3A_103] : memref<4x64x144xf32, #tpu.memory_space<vmem>> -> memref<1x56x144xf32, #tpu.memory_space<vmem>>
      %dma_wait3A_105 = tpu.memref_squeeze %dma_wait3A_104 : memref<1x56x144xf32, #tpu.memory_space<vmem>> -> memref<56x144xf32, #tpu.memory_space<vmem>>
      %dma_wait3A_106 = arith.constant 0 : i32
      %dma_wait3A_107 = tpu.memref_slice %arg8[%add3A_87, %dma_wait3A_106] : memref<10112x144xf32, #tpu.memory_space<vmem_shared>> -> memref<56x144xf32, #tpu.memory_space<vmem_shared>>
      %dma_wait3A_108 = arith.constant 0 : i32
      %dma_wait3A_109 = arith.constant 0 : i32
      %dma_wait3A_110 = tpu.memref_slice %arg7[%run_scoped3A_88, %dma_wait3A_108, %dma_wait3A_109] : memref<4x64x144xf32, #tpu.memory_space<vmem>> -> memref<1x56x144xf32, #tpu.memory_space<vmem>>
      %dma_wait3A_111 = tpu.memref_squeeze %dma_wait3A_110 : memref<1x56x144xf32, #tpu.memory_space<vmem>> -> memref<56x144xf32, #tpu.memory_space<vmem>>
      %dma_wait3A_112 = arith.constant 0 : i32
      %dma_wait3A_113 = tpu.memref_slice %arg8[%add3A_87, %dma_wait3A_112] : memref<10112x144xf32, #tpu.memory_space<vmem_shared>> -> memref<56x144xf32, #tpu.memory_space<vmem_shared>>
      tpu.wait_dma2 semaphore(%run_scoped3A_90 : memref<!tpu.dma_semaphore, #tpu.memory_space<semaphore_mem>>) src(%dma_wait3A_113 : memref<56x144xf32, #tpu.memory_space<vmem_shared>>) dst(%dma_wait3A_111 : memref<56x144xf32, #tpu.memory_space<vmem>>)
      tpu.yield
    }) : () -> ()
    %run_scoped3A_89 = arith.constant 0 : i32
    "tpu.region"() ({
      %run_scoped3A_90 = tpu.sem_alloc : memref<!tpu.dma_semaphore, #tpu.memory_space<semaphore_mem>>
      %dma_start3A_91 = arith.constant 0 : i32
      %dma_start3A_92 = arith.constant 0 : i32
      %dma_start3A_93 = tpu.memref_slice %arg7[%run_scoped3A_89, %dma_start3A_91, %dma_start3A_92] : memref<4x64x144xf32, #tpu.memory_space<vmem>> -> memref<1x56x144xf32, #tpu.memory_space<vmem>>
      %dma_start3A_94 = tpu.memref_squeeze %dma_start3A_93 : memref<1x56x144xf32, #tpu.memory_space<vmem>> -> memref<56x144xf32, #tpu.memory_space<vmem>>
      %dma_start3A_95 = arith.constant 0 : i32
      %dma_start3A_96 = tpu.memref_slice %arg5[%arg0, %add3A_87, %dma_start3A_95] : memref<2x10112x144xf32, #tpu.memory_space<hbm>> -> memref<1x56x144xf32, #tpu.memory_space<hbm>>
      %dma_start3A_97 = tpu.memref_squeeze %dma_start3A_96 : memref<1x56x144xf32, #tpu.memory_space<hbm>> -> memref<56x144xf32, #tpu.memory_space<hbm>>
      %dma_start3A_98 = arith.constant 0 : i32
      %dma_start3A_99 = tpu.memref_slice %arg5[%arg0, %add3A_87, %dma_start3A_98] : memref<2x10112x144xf32, #tpu.memory_space<hbm>> -> memref<1x56x144xf32, #tpu.memory_space<hbm>>
      %dma_start3A_100 = tpu.memref_squeeze %dma_start3A_99 : memref<1x56x144xf32, #tpu.memory_space<hbm>> -> memref<56x144xf32, #tpu.memory_space<hbm>>
      %dma_start3A_101 = arith.constant 0 : i32
      %dma_start3A_102 = arith.constant 0 : i32
      %dma_start3A_103 = tpu.memref_slice %arg7[%run_scoped3A_89, %dma_start3A_101, %dma_start3A_102] : memref<4x64x144xf32, #tpu.memory_space<vmem>> -> memref<1x56x144xf32, #tpu.memory_space<vmem>>
      %dma_start3A_104 = tpu.memref_squeeze %dma_start3A_103 : memref<1x56x144xf32, #tpu.memory_space<vmem>> -> memref<56x144xf32, #tpu.memory_space<vmem>>
      tpu.enqueue_dma source(%dma_start3A_104 : memref<56x144xf32, #tpu.memory_space<vmem>>) target(%dma_start3A_100 : memref<56x144xf32, #tpu.memory_space<hbm>>) target_semaphore(%run_scoped3A_90 : memref<!tpu.dma_semaphore, #tpu.memory_space<semaphore_mem>>)
      %dma_wait3A = arith.constant 0 : i32
      %dma_wait3A_105 = arith.constant 0 : i32
      %dma_wait3A_106 = tpu.memref_slice %arg7[%run_scoped3A_89, %dma_wait3A, %dma_wait3A_105] : memref<4x64x144xf32, #tpu.memory_space<vmem>> -> memref<1x56x144xf32, #tpu.memory_space<vmem>>
      %dma_wait3A_107 = tpu.memref_squeeze %dma_wait3A_106 : memref<1x56x144xf32, #tpu.memory_space<vmem>> -> memref<56x144xf32, #tpu.memory_space<vmem>>
      %dma_wait3A_108 = arith.constant 0 : i32
      %dma_wait3A_109 = tpu.memref_slice %arg5[%arg0, %add3A_87, %dma_wait3A_108] : memref<2x10112x144xf32, #tpu.memory_space<hbm>> -> memref<1x56x144xf32, #tpu.memory_space<hbm>>
      %dma_wait3A_110 = tpu.memref_squeeze %dma_wait3A_109 : memref<1x56x144xf32, #tpu.memory_space<hbm>> -> memref<56x144xf32, #tpu.memory_space<hbm>>
      %dma_wait3A_111 = arith.constant 0 : i32
      %dma_wait3A_112 = tpu.memref_slice %arg5[%arg0, %add3A_87, %dma_wait3A_111] : memref<2x10112x144xf32, #tpu.memory_space<hbm>> -> memref<1x56x144xf32, #tpu.memory_space<hbm>>
      %dma_wait3A_113 = tpu.memref_squeeze %dma_wait3A_112 : memref<1x56x144xf32, #tpu.memory_space<hbm>> -> memref<56x144xf32, #tpu.memory_space<hbm>>
      %dma_wait3A_114 = arith.constant 0 : i32
      %dma_wait3A_115 = arith.constant 0 : i32
      %dma_wait3A_116 = tpu.memref_slice %arg7[%run_scoped3A_89, %dma_wait3A_114, %dma_wait3A_115] : memref<4x64x144xf32, #tpu.memory_space<vmem>> -> memref<1x56x144xf32, #tpu.memory_space<vmem>>
      %dma_wait3A_117 = tpu.memref_squeeze %dma_wait3A_116 : memref<1x56x144xf32, #tpu.memory_space<vmem>> -> memref<56x144xf32, #tpu.memory_space<vmem>>
      tpu.wait_dma2 semaphore(%run_scoped3A_90 : memref<!tpu.dma_semaphore, #tpu.memory_space<semaphore_mem>>) src(%dma_wait3A_117 : memref<56x144xf32, #tpu.memory_space<vmem>>) dst(%dma_wait3A_113 : memref<56x144xf32, #tpu.memory_space<hbm>>)
      tpu.yield
    }) : () -> ()
    return
  }
}

module attributes {stable_mosaic.version = 14 : i64} {
  func.func @body(%arg0: i32, %arg1: memref<2x1264x144xf32, #tpu.memory_space<vmem>>, %arg2: memref<128x128xf32, #tpu.memory_space<vmem>>, %arg3: memref<1x128xf32, #tpu.memory_space<vmem>>, %arg4: memref<1264x128xf32, #tpu.memory_space<vmem>>, %arg5: memref<1264x1xf32, #tpu.memory_space<vmem>>) attributes {dimension_semantics = [#tpu.dimension_semantics<arbitrary>], iteration_bounds = array<i64: 8>, scalar_prefetch = 0 : i64, scratch_operands = 0 : i64, tpu.core_type = #tpu.core_type<tc>, window_params = [{transform_indices = @transform_0, window_bounds = array<i64: 2, 1264, 144>}, {pipeline_mode = #tpu.pipeline_mode<synchronous>, transform_indices = @transform_1, window_bounds = array<i64: 128, 128>}, {pipeline_mode = #tpu.pipeline_mode<synchronous>, transform_indices = @transform_2, window_bounds = array<i64: 1, 128>}, {transform_indices = @transform_3, window_bounds = array<i64: 1264, 128>}, {transform_indices = @transform_4, window_bounds = array<i64: 1264, 1>}]} {
    %get3A = arith.constant 0 : index
    %get3A_0 = arith.constant 0 : index
    %get3A_1 = arith.constant 0 : index
    %get3A_2 = vector.load %arg1[%get3A, %get3A_0, %get3A_1] : memref<2x1264x144xf32, #tpu.memory_space<vmem>>, vector<1x1264x144xf32>
    %get3A_3 = vector.shape_cast %get3A_2 : vector<1x1264x144xf32> to vector<1264x144xf32>
    %get3A_4 = arith.constant 1 : index
    %get3A_5 = arith.constant 0 : index
    %get3A_6 = arith.constant 0 : index
    %get3A_7 = vector.load %arg1[%get3A_4, %get3A_5, %get3A_6] : memref<2x1264x144xf32, #tpu.memory_space<vmem>>, vector<1x1264x144xf32>
    %get3A_8 = vector.shape_cast %get3A_7 : vector<1x1264x144xf32> to vector<1264x144xf32>
    %add3A = arith.addf %get3A_3, %get3A_8 : vector<1264x144xf32>
    %slice3A = vector.extract_strided_slice %add3A {offsets = [0, 128], sizes = [1264, 1], strides = [1, 1]} : vector<1264x144xf32> to vector<1264x1xf32>
    %max3A = arith.constant 1.000000e+00 : f32
    %max3A_9 = vector.broadcast %max3A : f32 to vector<1264x1xf32>
    %max3A_10 = arith.maximumf %slice3A, %max3A_9 : vector<1264x1xf32>
    %div3A = arith.constant 1.000000e+00 : f32
    %div3A_11 = vector.broadcast %div3A : f32 to vector<1264x1xf32>
    %div3A_12 = arith.divf %div3A_11, %max3A_10 : vector<1264x1xf32>
    %slice3A_13 = vector.extract_strided_slice %add3A {offsets = [0, 0], sizes = [1264, 128], strides = [1, 1]} : vector<1264x144xf32> to vector<1264x128xf32>
    %mul3A = vector.broadcast %div3A_12 : vector<1264x1xf32> to vector<1264x128xf32>
    %mul3A_14 = arith.mulf %slice3A_13, %mul3A : vector<1264x128xf32>
    %get3A_15 = arith.constant 0 : index
    %get3A_16 = arith.constant 0 : index
    %get3A_17 = vector.load %arg2[%get3A_15, %get3A_16] : memref<128x128xf32, #tpu.memory_space<vmem>>, vector<128x128xf32>
    %dot_general3A = arith.constant dense<0.000000e+00> : vector<1264x128xf32>
    %dot_general3A_18 = tpu.matmul %mul3A_14, %get3A_17, %dot_general3A {dimension_numbers = #tpu.dot_dimension_numbers<[1], [1], [0], [0], [0, 0, 1, 0], [], []>, transpose_lhs_hint = false} : vector<1264x128xf32>, vector<128x128xf32>, vector<1264x128xf32> -> vector<1264x128xf32>
    %get3A_19 = arith.constant 0 : index
    %get3A_20 = arith.constant 0 : index
    %get3A_21 = vector.load %arg3[%get3A_19, %get3A_20] : memref<1x128xf32, #tpu.memory_space<vmem>>, vector<1x128xf32>
    %add3A_22 = vector.broadcast %get3A_21 : vector<1x128xf32> to vector<1264x128xf32>
    %add3A_23 = arith.addf %dot_general3A_18, %add3A_22 : vector<1264x128xf32>
    %gt3A = arith.constant 0.000000e+00 : f32
    %gt3A_24 = vector.broadcast %gt3A : f32 to vector<1264x128xf32>
    %gt3A_25 = arith.cmpf ogt, %add3A_23, %gt3A_24 : vector<1264x128xf32>
    %min3A = arith.constant 0.000000e+00 : f32
    %min3A_26 = vector.broadcast %min3A : f32 to vector<1264x128xf32>
    %min3A_27 = arith.minimumf %add3A_23, %min3A_26 : vector<1264x128xf32>
    %exp3A = math.exp %min3A_27 : vector<1264x128xf32>
    %sub3A = arith.constant 1.000000e+00 : f32
    %sub3A_28 = vector.broadcast %sub3A : f32 to vector<1264x128xf32>
    %sub3A_29 = arith.subf %exp3A, %sub3A_28 : vector<1264x128xf32>
    %select_n3A = arith.select %gt3A_25, %add3A_23, %sub3A_29 : vector<1264x128xi1>, vector<1264x128xf32>
    %swap3A = arith.constant 0 : index
    %swap3A_30 = arith.constant 0 : index
    %swap3A_31 = vector.load %arg4[%swap3A, %swap3A_30] : memref<1264x128xf32, #tpu.memory_space<vmem>>, vector<1264x128xf32>
    tpu.vector_store %arg4[%swap3A, %swap3A_30], %select_n3A {strides = array<i32>} : memref<1264x128xf32, #tpu.memory_space<vmem>>, vector<1264x128xf32>,
    %swap3A_32 = arith.constant 0 : index
    %swap3A_33 = arith.constant 0 : index
    %swap3A_34 = vector.load %arg5[%swap3A_32, %swap3A_33] : memref<1264x1xf32, #tpu.memory_space<vmem>>, vector<1264x1xf32>
    tpu.vector_store %arg5[%swap3A_32, %swap3A_33], %div3A_12 {strides = array<i32>} : memref<1264x1xf32, #tpu.memory_space<vmem>>, vector<1264x1xf32>,
    return
  }
  func.func @transform_0(%arg0: i32) -> (i32, i32, i32) {
    %c0_i32 = arith.constant 0 : i32
    %c0_i32_0 = arith.constant 0 : i32
    %c0_i32_1 = arith.constant 0 : i32
    return %c0_i32, %arg0, %c0_i32_0 : i32, i32, i32
  }
  func.func @transform_1(%arg0: i32) -> (i32, i32) {
    %c0_i32 = arith.constant 0 : i32
    %c0_i32_0 = arith.constant 0 : i32
    %c0_i32_1 = arith.constant 0 : i32
    return %c0_i32, %c0_i32_0 : i32, i32
  }
  func.func @transform_2(%arg0: i32) -> (i32, i32) {
    %c0_i32 = arith.constant 0 : i32
    %c0_i32_0 = arith.constant 0 : i32
    %c0_i32_1 = arith.constant 0 : i32
    return %c0_i32, %c0_i32_0 : i32, i32
  }
  func.func @transform_3(%arg0: i32) -> (i32, i32) {
    %c0_i32 = arith.constant 0 : i32
    %c0_i32_0 = arith.constant 0 : i32
    return %arg0, %c0_i32 : i32, i32
  }
  func.func @transform_4(%arg0: i32) -> (i32, i32) {
    %c0_i32 = arith.constant 0 : i32
    %c0_i32_0 = arith.constant 0 : i32
    return %arg0, %c0_i32 : i32, i32
  }
}

module attributes {stable_mosaic.version = 14 : i64} {
  func.func @body(%arg0: i32, %arg1: memref<2x1264x128xf32, #tpu.memory_space<vmem>>, %arg2: memref<1264x1xf32, #tpu.memory_space<vmem>>, %arg3: memref<128x128xf32, #tpu.memory_space<vmem>>, %arg4: memref<1x128xf32, #tpu.memory_space<vmem>>, %arg5: memref<1264x128xf32, #tpu.memory_space<vmem>>) attributes {dimension_semantics = [#tpu.dimension_semantics<arbitrary>], iteration_bounds = array<i64: 8>, scalar_prefetch = 0 : i64, scratch_operands = 0 : i64, tpu.core_type = #tpu.core_type<tc>, window_params = [{transform_indices = @transform_0, window_bounds = array<i64: 2, 1264, 128>}, {transform_indices = @transform_1, window_bounds = array<i64: 1264, 1>}, {pipeline_mode = #tpu.pipeline_mode<synchronous>, transform_indices = @transform_2, window_bounds = array<i64: 128, 128>}, {pipeline_mode = #tpu.pipeline_mode<synchronous>, transform_indices = @transform_3, window_bounds = array<i64: 1, 128>}, {transform_indices = @transform_4, window_bounds = array<i64: 1264, 128>}]} {
    %get3A = arith.constant 0 : index
    %get3A_0 = arith.constant 0 : index
    %get3A_1 = arith.constant 0 : index
    %get3A_2 = vector.load %arg1[%get3A, %get3A_0, %get3A_1] : memref<2x1264x128xf32, #tpu.memory_space<vmem>>, vector<1x1264x128xf32>
    %get3A_3 = vector.shape_cast %get3A_2 : vector<1x1264x128xf32> to vector<1264x128xf32>
    %get3A_4 = arith.constant 1 : index
    %get3A_5 = arith.constant 0 : index
    %get3A_6 = arith.constant 0 : index
    %get3A_7 = vector.load %arg1[%get3A_4, %get3A_5, %get3A_6] : memref<2x1264x128xf32, #tpu.memory_space<vmem>>, vector<1x1264x128xf32>
    %get3A_8 = vector.shape_cast %get3A_7 : vector<1x1264x128xf32> to vector<1264x128xf32>
    %add3A = arith.addf %get3A_3, %get3A_8 : vector<1264x128xf32>
    %get3A_9 = arith.constant 0 : index
    %get3A_10 = arith.constant 0 : index
    %get3A_11 = vector.load %arg2[%get3A_9, %get3A_10] : memref<1264x1xf32, #tpu.memory_space<vmem>>, vector<1264x1xf32>
    %mul3A = vector.broadcast %get3A_11 : vector<1264x1xf32> to vector<1264x128xf32>
    %mul3A_12 = arith.mulf %add3A, %mul3A : vector<1264x128xf32>
    %get3A_13 = arith.constant 0 : index
    %get3A_14 = arith.constant 0 : index
    %get3A_15 = vector.load %arg3[%get3A_13, %get3A_14] : memref<128x128xf32, #tpu.memory_space<vmem>>, vector<128x128xf32>
    %dot_general3A = arith.constant dense<0.000000e+00> : vector<1264x128xf32>
    %dot_general3A_16 = tpu.matmul %mul3A_12, %get3A_15, %dot_general3A {dimension_numbers = #tpu.dot_dimension_numbers<[1], [1], [0], [0], [0, 0, 1, 0], [], []>, transpose_lhs_hint = false} : vector<1264x128xf32>, vector<128x128xf32>, vector<1264x128xf32> -> vector<1264x128xf32>
    %get3A_17 = arith.constant 0 : index
    %get3A_18 = arith.constant 0 : index
    %get3A_19 = vector.load %arg4[%get3A_17, %get3A_18] : memref<1x128xf32, #tpu.memory_space<vmem>>, vector<1x128xf32>
    %add3A_20 = vector.broadcast %get3A_19 : vector<1x128xf32> to vector<1264x128xf32>
    %add3A_21 = arith.addf %dot_general3A_16, %add3A_20 : vector<1264x128xf32>
    %gt3A = arith.constant 0.000000e+00 : f32
    %gt3A_22 = vector.broadcast %gt3A : f32 to vector<1264x128xf32>
    %gt3A_23 = arith.cmpf ogt, %add3A_21, %gt3A_22 : vector<1264x128xf32>
    %min3A = arith.constant 0.000000e+00 : f32
    %min3A_24 = vector.broadcast %min3A : f32 to vector<1264x128xf32>
    %min3A_25 = arith.minimumf %add3A_21, %min3A_24 : vector<1264x128xf32>
    %exp3A = math.exp %min3A_25 : vector<1264x128xf32>
    %sub3A = arith.constant 1.000000e+00 : f32
    %sub3A_26 = vector.broadcast %sub3A : f32 to vector<1264x128xf32>
    %sub3A_27 = arith.subf %exp3A, %sub3A_26 : vector<1264x128xf32>
    %select_n3A = arith.select %gt3A_23, %add3A_21, %sub3A_27 : vector<1264x128xi1>, vector<1264x128xf32>
    %swap3A = arith.constant 0 : index
    %swap3A_28 = arith.constant 0 : index
    %swap3A_29 = vector.load %arg5[%swap3A, %swap3A_28] : memref<1264x128xf32, #tpu.memory_space<vmem>>, vector<1264x128xf32>
    tpu.vector_store %arg5[%swap3A, %swap3A_28], %select_n3A {strides = array<i32>} : memref<1264x128xf32, #tpu.memory_space<vmem>>, vector<1264x128xf32>,
    return
  }
  func.func @transform_0(%arg0: i32) -> (i32, i32, i32) {
    %c0_i32 = arith.constant 0 : i32
    %c0_i32_0 = arith.constant 0 : i32
    %c0_i32_1 = arith.constant 0 : i32
    return %c0_i32, %arg0, %c0_i32_0 : i32, i32, i32
  }
  func.func @transform_1(%arg0: i32) -> (i32, i32) {
    %c0_i32 = arith.constant 0 : i32
    %c0_i32_0 = arith.constant 0 : i32
    return %arg0, %c0_i32 : i32, i32
  }
  func.func @transform_2(%arg0: i32) -> (i32, i32) {
    %c0_i32 = arith.constant 0 : i32
    %c0_i32_0 = arith.constant 0 : i32
    %c0_i32_1 = arith.constant 0 : i32
    return %c0_i32, %c0_i32_0 : i32, i32
  }
  func.func @transform_3(%arg0: i32) -> (i32, i32) {
    %c0_i32 = arith.constant 0 : i32
    %c0_i32_0 = arith.constant 0 : i32
    %c0_i32_1 = arith.constant 0 : i32
    return %c0_i32, %c0_i32_0 : i32, i32
  }
  func.func @transform_4(%arg0: i32) -> (i32, i32) {
    %c0_i32 = arith.constant 0 : i32
    %c0_i32_0 = arith.constant 0 : i32
    return %arg0, %c0_i32 : i32, i32
  }
}

</mosaic_0001>

<sc_bundles>
// kernel: kernel.6.cloned.1.call-start
scs
__scs_entry_jumppad:
0x0: {  	(pc) =	sbr.rel $0x88, $3  }
0x1: {  	(tag) =	ssettag $0x0;
	lr =	simm.s32 $0x1  }
0x2: {  	[smem:$0x3F9B] =	sst lr;
	_ =	strace $0xD0000000  }
0x3: {  	_ = 	snop  }
0x4: {  	_ = 	snop  }
0x5: {  	_ = 	snop  }
0x6: {  	_ = 	snop  }
0x7: {  	_ = 	snop  }
__scs_overlays_trampoline_lowered:
0x8: {  	[smem:$0x3FAA] =	sst s0  }
0x9: {  	[smem:$0x3FAB] =	sst s1  }
0xa: {  	[smem:$0x3FAC] =	sst s2  }
0xb: {  	[smem:$0x3FAD] =	sst s3  }
0xc: {  	[smem:$0x3FAE] =	sst s4  }
0xd: {  	[smem:$0x3FAF] =	sst s5  }
0xe: {  	[smem:$0x3FB0] =	sst s6  }
0xf: {  	[smem:$0x3FB1] =	sst s7  }
0x10: {  	[smem:$0x3FB2] =	sst s8  }
0x11: {  	[smem:$0x3FB3] =	sst s9;
	s0 =	simm.s32 @!p0 $0x0  }
0x12: {  	s1 =	sld [smem:$0x3F99];
	s0 =	simm.s32 @p0 $0x1  }
0x13: {  	[smem:$0x3FB4] =	sst s0;
	s0 =	simm.s32 @!p1 $0x0  }
0x14: {  	s2 =	sld [smem:$0x3F98];
	s0 =	simm.s32 @p1 $0x1  }
0x15: {  	[smem:$0x3FB5] =	sst s0;
	s0 =	simm.s32 @!p2 $0x0  }
0x16: {  	s3 =	sld [smem:$0x3FDB];
	s0 =	simm.s32 @p2 $0x1  }
0x17: {  	s4 =	simm.s32 $0x1BF5;
	[smem:$0x3FB7] =	sst s0  }
0x18: {  	s0 =	sld [smem:$0x3F9A];
	_ =	swait.ge [sflag:s4], $0x0  }
0x19: {  	s7 =	sld [smem:$0x3F9B]  }
0x1a: {  	s8 =	sadd.s32 $0xFFFFE003, lr  }
0x1b: {  	s9 =	sadd.s32 $0xFFFFFEF7, lr;
	s5 =	simm.s32 $0xFFFFFFFF;
	p2 =	slt.u32 s8, $0xFFFFF086  }
0x1c: {  	p1 =	slt.u32 s9, $0xF7A;
	s5 =	simm.s32 @!p2 $0x0  }
0x1d: {  	s5 =	simm.s32 @p1 $0x1;
	p0 =	seq.s32 s7, s2  }
0x1e: {  	s7 =	smul.u32 @!p0 $0xF7A, s2;
	p2 =	seq.s32 @!p0 s5, $0x0  }
0x1f: {  	s9 =	smul.u32 $0xF7A, s1;
	s8 =	simm.s32 @!p0 $0x1BF5;
	p2 =	por !p2, p0  }
0x20: {  	[sflag:s8] =	ssyncset.s32 @!p0 $0xFFFFF086;
	s6 =	sadd.s32 @!p0 s3, s7;
	s7 =	simm.s32 @!p0 $0x108  }
0x21: {  	s3 =	sadd.s32 s3, s9;
	s6 =	sadd.s32 @!p0 $0x88, s6;
	s7 =	simm.s32 @p2 $0x1082  }
0x22: {  	[simem:s7], [sflag:s8] =	dma.local @!p0 [hbm:s6], $0xF7A  }
0x23: {  	s9 =	sor.u32 $0xD0000000, s2;
	s6 =	simm.s32 $0x108;
	_ =	swait.ge @!p0 [sflag:s8], $0x0  }
0x24: {  	s3 =	sadd.s32 $0x88, s3;
	s6 =	simm.s32 @!p1 $0x1082;
	[sflag:s4] =	ssyncset.s32 $0xFFFFF086  }
0x25: {  	[simem:s6], [sflag:s4] =	dma.local [hbm:s3], $0xF7A  }
0x26: {  	[smem:$0x3F9B] =	sst s1;
	(tag) =	ssettag s2;
	_ =	strace s9  }
0x27: {  	s1 =	sld [smem:$0x3FAB]  }
0x28: {  	s2 =	sld [smem:$0x3FAC]  }
0x29: {  	s4 =	sld [smem:$0x3FAE]  }
0x2a: {  	p0 =	seq.s32 s5, $0x0;
	s5 =	sld [smem:$0x3FAF]  }
0x2b: {  	s6 =	sld [smem:$0x3FB0]  }
0x2c: {  	s7 =	sld [smem:$0x3FB1]  }
0x2d: {  	s3 =	simm.s32 $0x108;
	s8 =	sld [smem:$0x3FB2]  }
0x2e: {  	s3 =	simm.s32 @!p0 $0x1082;
	s9 =	sld [smem:$0x3FB3]  }
0x2f: {  	lr =	sadd.s32 s0, s3;
	s0 =	sld [smem:$0x3FAA]  }
0x30: {  	s3 =	sld [smem:$0x3FAD]  }
0x31: {  	[smem:$0x3FB6] =	sst s10  }
0x32: {  	s10 =	sld [smem:$0x3FB4];
	_ =	sdelay $0x3  }
0x33: {  	p0 =	seq.s32 s10, $0x1;
	s10 =	sld [smem:$0x3FB6];
	_ =	sdelay $0x3  }
0x34: {  	[smem:$0x3FB6] =	sst s10  }
0x35: {  	s10 =	sld [smem:$0x3FB5];
	_ =	sdelay $0x3  }
0x36: {  	p1 =	seq.s32 s10, $0x1;
	s10 =	sld [smem:$0x3FB6];
	_ =	sdelay $0x3  }
0x37: {  	[smem:$0x3FB6] =	sst s10  }
0x38: {  	s10 =	sld [smem:$0x3FB7]  }
0x39: {  	_ = 	snop;
	(pc) =	sbr.ind lr, $3  }
0x3a: {  	_ = 	snop  }
0x3b: {  	_ = 	snop  }
0x3c: {  	p2 =	seq.s32 s10, $0x1;
	s10 =	sld [smem:$0x3FB6]  }
0x3d: {  	_ =	shalt  }
0x3e: {  	_ =	shalt  }
0x3f: {  	_ =	shalt  }
0x40: {  	_ =	shalt  }
0x41: {  	_ =	shalt  }
0x42: {  	_ =	shalt  }
0x43: {  	_ =	shalt  }
0x44: {  	_ =	shalt  }
0x45: {  	_ =	shalt  }
0x46: {  	_ =	shalt  }
0x47: {  	_ =	shalt  }
0x48: {  	_ =	shalt  }
0x49: {  	_ =	shalt  }
0x4a: {  	_ =	shalt  }
0x4b: {  	_ =	shalt  }
0x4c: {  	_ =	shalt  }
0x4d: {  	_ =	shalt  }
0x4e: {  	_ =	shalt  }
0x4f: {  	_ =	shalt  }
0x50: {  	_ =	shalt  }
0x51: {  	_ =	shalt  }
0x52: {  	_ =	shalt  }
0x53: {  	_ =	shalt  }
0x54: {  	_ =	shalt  }
0x55: {  	_ =	shalt  }
0x56: {  	_ =	shalt  }
0x57: {  	_ =	shalt  }
0x58: {  	_ =	shalt  }
0x59: {  	_ =	shalt  }
0x5a: {  	_ =	shalt  }
0x5b: {  	_ =	shalt  }
0x5c: {  	_ =	shalt  }
0x5d: {  	_ =	shalt  }
0x5e: {  	_ =	shalt  }
0x5f: {  	_ =	shalt  }
0x60: {  	_ =	shalt  }
0x61: {  	_ =	shalt  }
0x62: {  	_ =	shalt  }
0x63: {  	_ =	shalt  }
0x64: {  	_ =	shalt  }
0x65: {  	_ =	shalt  }
0x66: {  	_ =	shalt  }
0x67: {  	_ =	shalt  }
0x68: {  	_ =	shalt  }
0x69: {  	_ =	shalt  }
0x6a: {  	_ =	shalt  }
0x6b: {  	_ =	shalt  }
0x6c: {  	_ =	shalt  }
0x6d: {  	_ =	shalt  }
0x6e: {  	_ =	shalt  }
0x6f: {  	_ =	shalt  }
0x70: {  	_ =	shalt  }
0x71: {  	_ =	shalt  }
0x72: {  	_ =	shalt  }
0x73: {  	_ =	shalt  }
0x74: {  	_ =	shalt  }
0x75: {  	_ =	shalt  }
0x76: {  	_ =	shalt  }
0x77: {  	_ =	shalt  }
0x78: {  	_ =	shalt  }
0x79: {  	_ =	shalt  }
0x7a: {  	_ =	shalt  }
0x7b: {  	_ =	shalt  }
0x7c: {  	_ =	shalt  }
0x7d: {  	_ =	shalt  }
0x7e: {  	_ =	shalt  }
0x7f: {  	_ =	shalt  }
0x80: {  	_ =	shalt  }
0x81: {  	_ =	shalt  }
0x82: {  	_ =	shalt  }
0x83: {  	_ =	shalt  }
0x84: {  	_ =	shalt  }
0x85: {  	_ =	shalt  }
0x86: {  	_ =	shalt  }
0x87: {  	_ =	shalt  }
.Lfunc_end0:
.L_simem_size_0:
called_computation_lowered:
.L_overlay_start_0:
0x88: {  	s2 =	sld [smem:$0x3FD9]  }
0x89: {  	s3 =	sld [smem:$0x3FFE];
	_ =	sdelay $0x1  }
0x8a: {  	s1 =	srdreg.scid  }
0x8b: {  	s0 =	sand.u32 $0x1, s1  }
0x8c: {  	s17 =	sshll.u32 s0, $0xA;
	s2 =	sadd.s32 s3, s2  }
0x8d: {  	s2 =	sadd.s32 s2, s17  }
0x8e: {  	[smem:$0x3FC2] =	sst s2  }
0x8f: {  	_ = 	snop  }
0x90: {  	s2 =	sld [smem:$0x3FD0];
	(tm) =	ssettm $0x1  }
0x91: {  	s18 =	sld [smem:$0x3FFB];
	_ =	sdelay $0x3  }
0x92: {  	_ =	strace s18  }
0x93: {  	s3 =	sld [smem:$0x3FFC];
	_ =	sdelay $0x3  }
0x94: {  	_ =	strace s3  }
0x95: {  	s3 =	sld [smem:$0x3FFD];
	_ =	sdelay $0x3  }
0x96: {  	_ =	strace s3  }
0x97: {  	_ =	strace $0x8FFFFFFF  }
0x98: {  	s19 =	sld [smem:$0x3FDB];
	_ =	sdelay $0x1  }
0x99: {  	s4 =	simm.s32 $_scs_section_size  }
0x9a: {  	s5 =	simm.s32 $_size__tile_overlayer_lowered;
	s6 =	simm.s32 $_tile_overlayer_lowered  }
0x9b: {  	s22 =	simm.s32 $0x1BFF;
	s21 =	sshll.u32 s6, $0x1;
	s3 =	sadd.s32 s4, s19  }
0x9c: {  	s7 =	simm.s32 $0x0;
	s20 =	sshll.u32 s5, $0x1;
	s5 =	sadd.s32 s21, s3  }
0x9d: {  	[timem:s7], [sflag:s22] =	dma.local [hbm:s5], s20  }
0x9e: {  	_ =	swait.ge [sflag:s22], s20  }
0x9f: {  	s4 =	ssub.s32 $0x0, s20;
	[sflag:s22] =	ssyncset.done $0x0  }
0xa0: {  	[sflag:s22] =	ssyncadd.s32 s4;
	_ =	sdelay $0x1  }
0xa1: {  	s23 =	simm.s32 $0x1B8B  }
0xa2: {  	_ =	swait.ge [sflag:s23], $0x1  }
0xa3: {  	[sflag:s23] =	ssyncset.done $0x0  }
0xa4: {  	s25 =	simm.s32 $0x1B8E;
	s24 =	sld [smem:$0x3FFE];
	[sflag:s23] =	ssyncadd.s32 $0xFFFFFFFF  }
0xa5: {  	s26 =	simm.s32 $execute0_lowered;
	[smem:$0x3FD2] =	sst s25  }
0xa6: {  	s5 =	sshll.u32 s26, $0x1;
	_ =	strace $0x80000046;
	[dreg:$0x1] =	wrdreg $0xFFFFFFFF  }
0xa7: {  	s28 =	simm.s32 $_size_execute0_lowered;
	s3 =	sadd.s32 s3, s5;
	[dreg:$0x0] =	wrdreg $0x0  }
0xa8: {  	s5 =	sshll.u32 s28, $0x1;
	[dreg:$0x2] =	wrdreg s3  }
0xa9: {  	[dreg:$0x3] =	wrdreg s5  }
0xaa: {  	[dreg:$0x4] =	wrdreg $0xC0  }
0xab: {  	_ =	task [dreg:s7], $0x5FFFF  }
0xac: {  	[dreg:$0x1] =	wrdreg $0xFFFFFFFF  }
0xad: {  	[dreg:$0x0] =	wrdreg $0x60  }
0xae: {  	[dreg:$0x2] =	wrdreg s24  }
0xaf: {  	[dreg:$0x3] =	wrdreg s2  }
0xb0: {  	[dreg:$0x4] =	wrdreg $0x93000  }
0xb1: {  	[dreg:$0x5] =	wrdreg $0x9  }
0xb2: {  	_ =	task.clear_ibuf [dreg:s7], $0x6FFFF;
	_ =	strace $0x90000046  }
0xb3: {  	s29 =	simm.s32 $0x9;
	_ =	strace $0x80000048  }
0xb4: {  	_ =	swait.ge [sflag:s29], $0x1  }
0xb5: {  	[sflag:s29] =	ssyncadd.s32 $0xFFFFFFFF  }
0xb6: {  	_ =	strace $0x90000048  }
0xb7: {  	_ =	sfence  }
0xb8: {  	s30 =	sld [smem:$0x0];
	_ =	sdelay $0x2  }
0xb9: {  	s31 =	sshll.u32 s1, $0xD;
	s1 =	sshrl.u32 s1, $0x2  }
0xba: {  	s3 =	sand.u32 $0x4000, s31;
	s1 =	sadd.s32 s1, s30  }
0xbb: {  	s0 =	sor.u32 s3, s0;
	s1 =	sshll.u32 s1, $0x11  }
0xbc: {  	s0 =	sor.u32 s1, s0  }
0xbd: {  	s0 =	sadd.s32 $0x8F2B, s0  }
0xbe: {  	[sflag:s0] =	ssyncadd.remote.s32 $0x1  }
0xbf: {  	_ =	sfence.sel $0xFFFF  }
0xc0: {  	[dreg:$0x0] =	wrdreg $0xFFFFFFFF;
	(pc) =	sbr.abs _section_cstart, $3  }
0xc1: {  	[dreg:$0x1] =	wrdreg $0xFFFFFFFF  }
0xc2: {  	_ =	task.clear_ibuf [dreg:s7], $0x2FFFF;
	_ =	strace $0x9FFFFFFF  }
0xc3: {  	(tm) =	ssettm $0x7FFFFFFF  }
tec
execute0_lowered:
.L_overlay_start_1:
0x0: {  	(tag) =	ssettag $0x1  }
0x1: {  	s5 =	rddreg [dreg:$0x0];
	s18 =	stileid.u32  }
0x2: {  	s1 =	rddreg [dreg:$0x1];
	s3 =	smul.u32 $0x128, s18  }
0x3: {  	s0 =	srdreg.scid;
	s4 =	smul.u32 $0x14, s18  }
0x4: {  	s2 =	simm.s32 $0x0;
	s0 =	sand.u32 $0x1, s0;
	s7 =	smul.u32 $0x278, s18  }
0x5: {  	[smem:$0x7FF] =	sst s2;
	s8 =	sadd.s32 $0x2DC00, s5;
	s11 =	smul.u32 $0x16380, s18  }
0x6: {  	s6 =	ssub.s32 $0x2, s0;
	p0 =	seq.s32 s0, $0x0;
	s12 =	smul.u32 $0x163800, s0  }
0x7: {  	s10 =	sshrl.u32 s6, $0x1;
	s9 =	sadd.s32 $0x1280, s4;
	s7 =	sadd.s32 $0x40, s7  }
0x8: {  	s19 =	sadd.s32 $0xD800, s11;
	s6 =	ssub.s32 s6, s10;
	s9 =	smov.u32 @p0 s3  }
0x9: {  	s10 =	sadd.s32 $0x14400, s11;
	s20 =	sadd.s32 s12, s11;
	s17 =	sadd.s32 s12, s19  }
0xa: {  	s0 =	sadd.s32 s12, s10;
	s3 =	sshrl.u32 s20, $0x3;
	s26 =	sshrl.u32 s17, $0x3  }
0xb: {  	s20 =	sadd.s32 $0x12000, s11;
	s21 =	sshrl.u32 s0, $0x3;
	s3 =	sadd.s32 s8, s3  }
0xc: {  	s0 =	smul.u32 $0x90, s7;
	s4 =	sadd.s32 s8, s21;
	[dreg:$0x5] =	wrdreg s3  }
0xd: {  	s31 =	sshll.u32 s9, $0x4;
	s3 =	sadd.s32 $0x4800, s11;
	[dreg:$0x4] =	wrdreg s4  }
0xe: {  	s13 =	sadd.s32 s12, s0;
	s14 =	sadd.s32 s12, s3;
	s4 =	sadd.s32 $0x6C00, s11  }
0xf: {  	s13 =	sshrl.u32 s13, $0x3;
	s14 =	sshrl.u32 s14, $0x3;
	s15 =	sadd.s32 s12, s4  }
0x10: {  	s13 =	sadd.s32 s8, s13;
	s22 =	sadd.s32 s8, s14;
	s23 =	sshrl.u32 s15, $0x3  }
0x11: {  	s14 =	sadd.s32 $0xB400, s11;
	[dreg:$0x6] =	wrdreg s13;
	s13 =	sadd.s32 s8, s23  }
0x12: {  	s16 =	sadd.s32 s12, s14;
	[dreg:$0x8] =	wrdreg s13;
	s13 =	sadd.s32 $0x9000, s11  }
0x13: {  	s6 =	smax.u32 s6, $0x1;
	s16 =	sshrl.u32 s16, $0x3;
	s24 =	sadd.s32 s12, s13  }
0x14: {  	[dreg:$0x7] =	wrdreg s22;
	s25 =	sadd.s32 s8, s16;
	s15 =	sshrl.u32 s24, $0x3  }
0x15: {  	s16 =	sadd.s32 $0xFC00, s11;
	[dreg:$0xa] =	wrdreg s25;
	s15 =	sadd.s32 s8, s15  }
0x16: {  	s28 =	sadd.s32 s12, s16;
	[dreg:$0x9] =	wrdreg s15;
	s15 =	sadd.s32 s8, s26  }
0x17: {  	s29 =	sadd.s32 s12, s20;
	[dreg:$0xb] =	wrdreg s15;
	s15 =	sshrl.u32 s28, $0x3  }
0x18: {  	s17 =	sshrl.u32 s29, $0x3;
	s12 =	rddreg [dreg:$0x2];
	s15 =	sadd.s32 s8, s15  }
0x19: {  	s11 =	sadd.s32 s11, s12;
	s8 =	sadd.s32 s8, s17;
	[dreg:$0xc] =	wrdreg s15  }
0x1a: {  	[dreg:$0xd] =	wrdreg s8;
	s15 =	sadd.s32 $0x1600, s5;
	s5 =	sadd.s32 $0x2D600, s5  }
0x1b: {  	s0 =	sadd.s32 s0, s12;
	_ =	strace $0x80000047;
	[dreg:$0xe] =	wrdreg s5  }
0x1c: {  	s17 =	simm.s32 $0x128;
	s8 =	smul.u32 $0x58E00, s18;
	[dreg:$0xf] =	wrdreg s11  }
0x1d: {  	s18 =	sadd.s32 s10, s12;
	s10 =	smul.u32 $0x240, s7;
	[dreg:$0x10] =	wrdreg s6  }
0x1e: {  	s21 =	sadd.s32 s1, s31;
	s17 =	simm.s32 @!p0 $0x14;
	[dreg:$0x1a] =	wrdreg s0  }
0x1f: {  	s22 =	sadd.s32 $0x12000, s8;
	s5 =	sshrl.u32 s10, $0x2;
	s23 =	sshrl.u32 s8, $0x2  }
0x20: {  	s25 =	sadd.s32 $0x1B000, s8;
	s26 =	sadd.s32 $0x24000, s8;
	s28 =	sadd.s32 $0x2D000, s8  }
0x21: {  	s10 =	sadd.s32 $0x48000, s8;
	s6 =	sshrl.u32 s22, $0x2;
	s7 =	sadd.s32 s23, s12  }
0x22: {  	s5 =	sadd.s32 s5, s12;
	s23 =	sadd.s32 s3, s12;
	[dreg:$0x11] =	wrdreg s7  }
0x23: {  	[dreg:$0x12] =	wrdreg s5;
	s24 =	sadd.s32 s6, s12;
	s5 =	sshrl.u32 s25, $0x2  }
0x24: {  	s6 =	sshrl.u32 s26, $0x2;
	s7 =	sshrl.u32 s28, $0x2;
	[dreg:$0x1b] =	wrdreg s23  }
0x25: {  	s25 =	sadd.s32 s13, s12;
	s26 =	sadd.s32 s14, s12;
	[dreg:$0x13] =	wrdreg s24  }
0x26: {  	s28 =	sadd.s32 s19, s12;
	s13 =	sadd.s32 $0x20, s21;
	[dreg:$0x1d] =	wrdreg s25  }
0x27: {  	s14 =	simm.s32 $0x300;
	s5 =	sadd.s32 s5, s12;
	[dreg:$0x1e] =	wrdreg s26  }
0x28: {  	s29 =	sadd.s32 s6, s12;
	s31 =	sadd.s32 s7, s12;
	[dreg:$0x1f] =	wrdreg s28  }
0x29: {  	s6 =	sadd.s32 $0x36000, s8;
	s7 =	sadd.s32 $0x3F000, s8;
	[dreg:$0x14] =	wrdreg s5  }
0x2a: {  	s24 =	sadd.s32 s4, s12;
	s8 =	sadd.s32 s20, s12;
	[dreg:$0x15] =	wrdreg s29  }
0x2b: {  	s20 =	simm.s32 $0x80;
	[dreg:$0x16] =	wrdreg s31;
	s5 =	sshrl.u32 s6, $0x2  }
0x2c: {  	s6 =	sshrl.u32 s7, $0x2;
	s7 =	sshrl.u32 s10, $0x2;
	[dreg:$0x1c] =	wrdreg s24  }
0x2d: {  	s29 =	sadd.s32 s16, s12;
	s31 =	sshll.u32 s9, $0x7;
	s10 =	sadd.s32 $0x10, s21  }
0x2e: {  	s16 =	simm.s32 $0xF;
	s5 =	sadd.s32 s5, s12;
	[smem:$0x7FD] =	sst s29  }
0x2f: {  	s11 =	sadd.s32 s6, s12;
	s22 =	sadd.s32 s7, s12;
	[dreg:$0x17] =	wrdreg s5  }
0x30: {  	s30 =	sor.u32 $0x180, s31;
	s7 =	smov.u32 s21;
	[dreg:$0x18] =	wrdreg s11  }
0x31: {  	s21 =	simm.s32 $0x40;
	[dreg:$0x19] =	wrdreg s22;
	s22 =	simm.s32 $0x0  }
.LBB2_1:
0x32: {  	s0 =	rddreg [dreg:$0xe]  }
0x33: {  	[tilespmem:s14], [sflag:$0xF] =	stream.linear.gather [hbm4b:s0+s2], $0x2400, $0x38;
	[tilespmem:$0x1F680] =	vst v63  }
0x34: {  	_ =	swait.ge [sflag:s16], $0x2400  }
0x35: {  	[sflag:s16] =	ssyncset.done $0x0  }
0x36: {  	s4 =	rddreg [dreg:$0x11];
	[sflag:s16] =	ssyncadd.s32 $0xFFFFDC00  }
0x37: {  	[spmem:s4] =	stream.linear.scatter [tilespmem:s14], [sflag:$0xF], $0x2400, $0x38;
	[tilespmem:$0x1F680] =	vst v63  }
0x38: {  	_ =	swait.ge [sflag:s16], $0x2400  }
0x39: {  	[sflag:s16] =	ssyncset.done $0x0  }
0x3a: {  	s5 =	rddreg [dreg:$0x12];
	[sflag:s16] =	ssyncadd.s32 $0xFFFFDC00  }
0x3b: {  	[spmem:s5] =	stream.linear.scatter [tilespmem:s14], [sflag:$0xF], $0x2400, $0x38;
	[tilespmem:$0x1F680] =	vst v63  }
0x3c: {  	_ =	swait.ge [sflag:s16], $0x2400  }
0x3d: {  	[sflag:s16] =	ssyncset.done $0x0  }
0x3e: {  	s6 =	rddreg [dreg:$0x13];
	[sflag:s16] =	ssyncadd.s32 $0xFFFFDC00  }
0x3f: {  	[spmem:s6] =	stream.linear.scatter [tilespmem:s14], [sflag:$0xF], $0x2400, $0x38;
	[tilespmem:$0x1F680] =	vst v63  }
0x40: {  	_ =	swait.ge [sflag:s16], $0x2400  }
0x41: {  	[sflag:s16] =	ssyncset.done $0x0  }
0x42: {  	s9 =	rddreg [dreg:$0x14];
	[sflag:s16] =	ssyncadd.s32 $0xFFFFDC00  }
0x43: {  	[spmem:s9] =	stream.linear.scatter [tilespmem:s14], [sflag:$0xF], $0x2400, $0x38;
	[tilespmem:$0x1F680] =	vst v63  }
0x44: {  	_ =	swait.ge [sflag:s16], $0x2400  }
0x45: {  	[sflag:s16] =	ssyncset.done $0x0  }
0x46: {  	s11 =	rddreg [dreg:$0x15];
	[sflag:s16] =	ssyncadd.s32 $0xFFFFDC00  }
0x47: {  	[spmem:s11] =	stream.linear.scatter [tilespmem:s14], [sflag:$0xF], $0x2400, $0x38;
	[tilespmem:$0x1F680] =	vst v63  }
0x48: {  	_ =	swait.ge [sflag:s16], $0x2400  }
0x49: {  	[sflag:s16] =	ssyncset.done $0x0  }
0x4a: {  	s19 =	rddreg [dreg:$0x16];
	[sflag:s16] =	ssyncadd.s32 $0xFFFFDC00  }
0x4b: {  	[spmem:s19] =	stream.linear.scatter [tilespmem:s14], [sflag:$0xF], $0x2400, $0x38;
	[tilespmem:$0x1F680] =	vst v63  }
0x4c: {  	_ =	swait.ge [sflag:s16], $0x2400  }
0x4d: {  	[sflag:s16] =	ssyncset.done $0x0  }
0x4e: {  	s23 =	rddreg [dreg:$0x17];
	[sflag:s16] =	ssyncadd.s32 $0xFFFFDC00  }
0x4f: {  	[spmem:s23] =	stream.linear.scatter [tilespmem:s14], [sflag:$0xF], $0x2400, $0x38;
	[tilespmem:$0x1F680] =	vst v63  }
0x50: {  	_ =	swait.ge [sflag:s16], $0x2400  }
0x51: {  	[sflag:s16] =	ssyncset.done $0x0  }
0x52: {  	s24 =	rddreg [dreg:$0x18];
	[sflag:s16] =	ssyncadd.s32 $0xFFFFDC00  }
0x53: {  	[spmem:s24] =	stream.linear.scatter [tilespmem:s14], [sflag:$0xF], $0x2400, $0x38;
	[tilespmem:$0x1F680] =	vst v63  }
0x54: {  	_ =	swait.ge [sflag:s16], $0x2400  }
0x55: {  	[sflag:s16] =	ssyncset.done $0x0  }
0x56: {  	s25 =	rddreg [dreg:$0x19];
	[sflag:s16] =	ssyncadd.s32 $0xFFFFDC00  }
0x57: {  	[spmem:s25] =	stream.linear.scatter [tilespmem:s14], [sflag:$0xF], $0x2400, $0x38;
	[tilespmem:$0x1F680] =	vst v63  }
0x58: {  	_ =	swait.ge [sflag:s16], $0x2400  }
0x59: {  	[sflag:s16] =	ssyncset.done $0x0  }
0x5a: {  	[sflag:s16] =	ssyncadd.s32 $0xFFFFDC00  }
0x5b: {  	[spmem:s18] =	stream.linear.scatter [tilespmem:s14], [sflag:$0xF], $0x1F80, $0x38;
	[tilespmem:$0x1F680] =	vst v63  }
0x5c: {  	_ =	swait.ge [sflag:s16], $0x1F80  }
0x5d: {  	[sflag:s16] =	ssyncset.done $0x0  }
0x5e: {  	[sflag:s16] =	ssyncadd.s32 $0xFFFFE080  }
0x5f: {  	[bflag:$0x0] =	sbarrier.arrive $0xFFFF  }
0x60: {  	[tilespmem:s2], [sflag:$0xF] =	stream.linear.gather [hbm4b:s7+s2], $0x80, $0x38;
	[tilespmem:$0x1F680] =	vst v63  }
0x61: {  	_ =	swait.ge [sflag:s16], $0x80  }
0x62: {  	[sflag:s16] =	ssyncset.done $0x0  }
0x63: {  	[sflag:s16] =	ssyncadd.s32 $0xFFFFFF80  }
0x64: {  	[tilespmem:s20], [sflag:$0xF] =	stream.linear.gather [hbm4b:s10+s2], $0x80, $0x38;
	[tilespmem:$0x1F680] =	vst v63  }
0x65: {  	_ =	swait.ge [sflag:s16], $0x80  }
0x66: {  	[sflag:s16] =	ssyncset.done $0x0  }
0x67: {  	s23 =	simm.s32 $0x100;
	[sflag:s16] =	ssyncadd.s32 $0xFFFFFF80  }
0x68: {  	[tilespmem:s23], [sflag:$0xF] =	stream.linear.gather [hbm4b:s13+s2], $0x80, $0x38;
	[tilespmem:$0x1F680] =	vst v63  }
0x69: {  	_ =	swait.ge [sflag:s16], $0x80  }
0x6a: {  	s26 =	simm.s32 $0x2700;
	s28 =	simm.s32 $0xB;
	[sflag:s16] =	ssyncset.done $0x0  }
.Ltmp0:
0x6b: {  	s29 =	simm.s32 $0x40;
	[sflag:s16] =	ssyncadd.s32 $0xFFFFFF80;
	(pc) =	sbr.rel .LBB2_2-.Ltmp0, $4  }
0x6c: {  	[tilespmem:s14], [sflag:$0x1] =	stream.indirect.gather [hbm4b:s15+s21], $0x90, s2, s21, $0xb8;
	[tilespmem:$0x1F680] =	vst v63  }
0x6d: {  	s31 =	simm.s32 $0x0;
	s9 =	smov.u32 s30;
	s19 =	simm.s32 $0x2  }
0x6e: {  	[tilespmem:s26], [sflag:$0x2] =	stream.indirect.gather [hbm4b:s15+s21], $0x90, s20, s21, $0xb8;
	[tilespmem:$0x1F680] =	vst v63  }
0x6f: {  	s24 =	simm.s32 $0xC;
	s25 =	simm.s32 $0x3;
	s26 =	simm.s32 $0x180  }
.LBB2_4:
0x70: {  	s3 =	sadd.s32 $0x5, s11  }
0x71: {  	_ =	swait.ge [sflag:s3], $0x2400  }
0x72: {  	[sflag:s3] =	ssyncset.done $0x0  }
0x73: {  	[sflag:s3] =	ssyncadd.s32 $0xFFFFDC00  }
.LBB2_6:
0x74: {  	s3 =	smul.u32 $0xFFFFFFE8, s0;
	_ =	sdelay $0x1  }
0x75: {  	s3 =	sshra.s32 s3, $0x2  }
0x76: {  	s3 =	sadd.s32 s3, s28  }
0x77: {  	_ =	swait.ge [sflag:s3], $0x80  }
0x78: {  	[sflag:s3] =	ssyncset.done $0x0  }
0x79: {  	[sflag:s3] =	ssyncadd.s32 $0xFFFFFF80  }
.LBB2_7:
0x7a: {  	s0 =	smul.u32 $0xFFFFF400, s0  }
0x7b: {  	s3 =	smul.u32 $0x9000, s11;
	_ =	sdelay $0x1  }
0x7c: {  	s0 =	sshra.s32 s0, $0x2;
	s3 =	sshrl.u32 s3, $0x2  }
0x7d: {  	s6 =	sadd.s32 $0x1, s11;
	s0 =	sadd.s32 s0, s23;
	s3 =	sor.u32 $0x300, s3  }
0x7e: {  	[tilespmem:s3], [sflag:s6] =	stream.indirect.gather [hbm4b:s15+s21], $0x90, s0, s21, $0xb8;
	[tilespmem:$0x1F680] =	vst v63  }
.LBB2_8:
0x7f: {  	s0 =	smulhi.u32 $0xAAAAAAAB, s25  }
0x80: {  	s11 =	smulhi.u32 $0xAAAAAAAB, s31  }
0x81: {  	s4 =	sadd.s32 $0x3, s31;
	s5 =	sand.u32 $0x3, s31;
	s31 =	sadd.s32 $0x1, s31  }
0x82: {  	s25 =	sadd.s32 $0x1, s25;
	s28 =	sadd.s32 $0x1, s28;
	s0 =	sshrl.u32 s0, $0x2  }
0x83: {  	s19 =	sadd.s32 $0x1, s19;
	s23 =	sadd.s32 $0x80, s23;
	s3 =	smul.u32 $0xFFFFFFE8, s0  }
0x84: {  	p0 =	sge.u32 s4, s17;
	s11 =	sshrl.u32 s11, $0x2;
	s0 =	smul.u32 $0xFFFFF400, s0  }
0x85: {  	s6 =	simm.s32 @!p0 $0x0;
	s4 =	smul.u32 $0xFFFFF400, s11;
	s11 =	sshrl.u32 @!p0 s9, $0x3  }
0x86: {  	s9 =	sadd.s32 $0x80, s9;
	s3 =	sshra.s32 s3, $0x2;
	s0 =	sshra.s32 s0, $0x2  }
0x87: {  	s11 =	sadd.s32 @!p0 s1, s11;
	s3 =	sadd.s32 s3, s24;
	s0 =	sadd.s32 s0, s26  }
0x88: {  	[tilespmem:s0], [sflag:s3] =	stream.linear.gather @!p0 [hbm4b:s11+s6], $0x80, $0x38;
	[tilespmem:$0x1F680] =	vst v63  }
0x89: {  	s4 =	sshra.s32 s4, $0x2;
	s3 =	smul.u32 $0x9000, s5;
	p0 =	sne.s32 s17, s31  }
.Ltmp1:
0x8a: {  	s4 =	sadd.s32 s4, s29;
	s6 =	sadd.s32 $0x1, s5;
	(pc) =	sbr.rel @!p0 .LBB2_9-.Ltmp1, $4  }
0x8b: {  	s24 =	sadd.s32 $0x1, s24;
	s26 =	sadd.s32 $0x80, s26;
	_ =	swait.ge [sflag:s6], $0x2400  }
0x8c: {  	s29 =	sadd.s32 $0x80, s29;
	s0 =	sshrl.u32 s3, $0x2;
	[sflag:s6] =	ssyncset.done $0x0  }
0x8d: {  	s11 =	sadd.s32 $0x5, s5;
	s0 =	sor.u32 $0x300, s0;
	[sflag:s6] =	ssyncadd.s32 $0xFFFFDC00  }
0x8e: {  	[spmem:s12] =	stream.indirect.scatter.add.f32 [tilespmem:s0], [sflag:s11], $0x90, s4, s21, $0xb8;
	[tilespmem:$0x1F680] =	vst v63  }
.LBB2_2:
0x8f: {  	s11 =	sadd.s32 $0x2, s31  }
0x90: {  	p0 =	sge.u32 s11, s17  }
.Ltmp2:
0x91: {  	_ = 	snop;
	(pc) =	sbr.rel @p0 .LBB2_8-.Ltmp2, $1  }
0x92: {  	_ =	sdelay $0x3  }
0x93: {  	p0 =	slt.u32 s31, $0x2  }
.Ltmp3:
0x94: {  	_ = 	snop;
	(pc) =	sbr.rel @!p0 .LBB2_4-.Ltmp3, $3  }
0x95: {  	_ = 	snop  }
0x96: {  	s0 =	smulhi.u32 $0xAAAAAAAB, s19;
	_ =	sdelay $0x1  }
0x97: {  	s11 =	sand.u32 $0x3, s11;
	s0 =	sshrl.u32 s0, $0x2  }
0x98: {  	p0 =	seq.s32 s31, $0x0  }
.Ltmp4:
0x99: {  	_ = 	snop;
	(pc) =	sbr.rel @!p0 .LBB2_6-.Ltmp4, $4  }
.Ltmp5:
0x9a: {  	_ = 	snop;
	(pc) =	sbr.rel @p0 .LBB2_7-.Ltmp5, $4  }
0x9b: {  	_ = 	snop  }
0x9c: {  	_ = 	snop  }
0x9d: {  	_ = 	snop  }
0x9e: {  	_ = 	snop  }
.LBB2_9:
0x9f: {  	p1 =	por $0x0, $0x0  }
.Ltmp6:
0xa0: {  	_ = 	snop;
	(pc) =	sbr.rel @p1 .LBB2_10-.Ltmp6, $4  }
0xa1: {  	_ = 	snop  }
0xa2: {  	s9 =	sadd.s32 $0xFFFFFFFC, s17  }
0xa3: {  	s0 =	sshra.s32 s9, $0x1F  }
0xa4: {  	p0 =	por $0x0, $0x0;
	s0 =	sshrl.u32 s0, $0x1E  }
0xa5: {  	s0 =	sadd.s32 s0, s9;
	p1 =	por $0x0, $0x0  }
.Ltmp7:
0xa6: {  	s0 =	sand.u32 $0xFFFFFFFC, s0;
	(pc) =	sbr.rel @p1 .LBB2_13-.Ltmp7, $4  }
0xa7: {  	s0 =	ssub.s32 s9, s0  }
0xa8: {  	s9 =	sadd.s32 $0xFFFFFFFD, s17;
	s23 =	sadd.s32 $0x5, s0  }
0xa9: {  	s19 =	simm.s32 $0xFFFFFFFE;
	s31 =	sshra.s32 s9, $0x1F;
	_ =	swait.ge [sflag:s23], $0x2400  }
0xaa: {  	p0 =	por $0x1, $0x1;
	s0 =	sshrl.u32 s31, $0x1E;
	[sflag:s23] =	ssyncset.done $0x0  }
.LBB2_12:
0xab: {  	s3 =	smov.u32 s19;
	s19 =	sadd.s32 $0x1, s19  }
0xac: {  	s0 =	sadd.s32 s0, s9;
	[sflag:s23] =	ssyncadd.s32 $0xFFFFDC00;
	p1 =	seq.s32 s19, $0x0  }
.Ltmp8:
0xad: {  	s0 =	sand.u32 $0xFFFFFFFC, s0;
	(pc) =	sbr.rel @!p1 .LBB2_12-.Ltmp8, $4  }
0xae: {  	s0 =	ssub.s32 s9, s0  }
0xaf: {  	s9 =	sadd.s32 s3, s17;
	s23 =	sadd.s32 $0x5, s0  }
0xb0: {  	s0 =	sshra.s32 s9, $0x1F;
	_ =	swait.ge [sflag:s23], $0x2400  }
0xb1: {  	s0 =	sshrl.u32 s0, $0x1E;
	[sflag:s23] =	ssyncset.done $0x0  }
.LBB2_13:
0xb2: {  	s0 =	sadd.s32 s0, s9  }
0xb3: {  	s0 =	sand.u32 $0xFFFFFFFC, s0  }
0xb4: {  	s0 =	ssub.s32 s9, s0  }
0xb5: {  	[sflag:s23] =	ssyncadd.s32 @p0 $0xFFFFDC00;
	s0 =	sadd.s32 $0x5, s0  }
0xb6: {  	_ =	swait.ge [sflag:s0], $0x2400  }
0xb7: {  	[sflag:s0] =	ssyncset.done $0x0  }
0xb8: {  	[sflag:s0] =	ssyncadd.s32 $0xFFFFDC00  }
0xb9: {  	[bflag:$0x0] =	sbarrier.arrive $0xFFFF  }
0xba: {  	s25 =	rddreg [dreg:$0xf]  }
0xbb: {  	[tilespmem:s14], [sflag:$0xF] =	stream.linear.gather [spmem:s25], $0x2400, $0x38;
	[tilespmem:$0x1F680] =	vst v63  }
0xbc: {  	_ =	swait.ge [sflag:s16], $0x2400  }
0xbd: {  	[sflag:s16] =	ssyncset.done $0x0  }
0xbe: {  	s26 =	rddreg [dreg:$0x5];
	[sflag:s16] =	ssyncadd.s32 $0xFFFFDC00  }
0xbf: {  	[hbm4b:s26+s2] =	stream.linear.scatter [tilespmem:s14], [sflag:$0xF], $0x2400, $0x38;
	[tilespmem:$0x1F680] =	vst v63  }
0xc0: {  	_ =	swait.ge [sflag:s16], $0x2400  }
0xc1: {  	[sflag:s16] =	ssyncset.done $0x0  }
0xc2: {  	s28 =	rddreg [dreg:$0x1a];
	[sflag:s16] =	ssyncadd.s32 $0xFFFFDC00  }
0xc3: {  	[tilespmem:s14], [sflag:$0xF] =	stream.linear.gather [spmem:s28], $0x2400, $0x38;
	[tilespmem:$0x1F680] =	vst v63  }
0xc4: {  	_ =	swait.ge [sflag:s16], $0x2400  }
0xc5: {  	[sflag:s16] =	ssyncset.done $0x0  }
0xc6: {  	s29 =	rddreg [dreg:$0x6];
	[sflag:s16] =	ssyncadd.s32 $0xFFFFDC00  }
0xc7: {  	[hbm4b:s29+s2] =	stream.linear.scatter [tilespmem:s14], [sflag:$0xF], $0x2400, $0x38;
	[tilespmem:$0x1F680] =	vst v63  }
0xc8: {  	_ =	swait.ge [sflag:s16], $0x2400  }
0xc9: {  	[sflag:s16] =	ssyncset.done $0x0  }
0xca: {  	s31 =	rddreg [dreg:$0x1b];
	[sflag:s16] =	ssyncadd.s32 $0xFFFFDC00  }
0xcb: {  	[tilespmem:s14], [sflag:$0xF] =	stream.linear.gather [spmem:s31], $0x2400, $0x38;
	[tilespmem:$0x1F680] =	vst v63  }
0xcc: {  	_ =	swait.ge [sflag:s16], $0x2400  }
0xcd: {  	[sflag:s16] =	ssyncset.done $0x0  }
0xce: {  	s3 =	rddreg [dreg:$0x7];
	[sflag:s16] =	ssyncadd.s32 $0xFFFFDC00  }
0xcf: {  	[hbm4b:s3+s2] =	stream.linear.scatter [tilespmem:s14], [sflag:$0xF], $0x2400, $0x38;
	[tilespmem:$0x1F680] =	vst v63  }
0xd0: {  	_ =	swait.ge [sflag:s16], $0x2400  }
0xd1: {  	[sflag:s16] =	ssyncset.done $0x0  }
0xd2: {  	s4 =	rddreg [dreg:$0x1c];
	[sflag:s16] =	ssyncadd.s32 $0xFFFFDC00  }
0xd3: {  	[tilespmem:s14], [sflag:$0xF] =	stream.linear.gather [spmem:s4], $0x2400, $0x38;
	[tilespmem:$0x1F680] =	vst v63  }
0xd4: {  	_ =	swait.ge [sflag:s16], $0x2400  }
0xd5: {  	[sflag:s16] =	ssyncset.done $0x0  }
0xd6: {  	s5 =	rddreg [dreg:$0x8];
	[sflag:s16] =	ssyncadd.s32 $0xFFFFDC00  }
0xd7: {  	[hbm4b:s5+s2] =	stream.linear.scatter [tilespmem:s14], [sflag:$0xF], $0x2400, $0x38;
	[tilespmem:$0x1F680] =	vst v63  }
0xd8: {  	_ =	swait.ge [sflag:s16], $0x2400  }
0xd9: {  	[sflag:s16] =	ssyncset.done $0x0  }
0xda: {  	s6 =	rddreg [dreg:$0x1d];
	[sflag:s16] =	ssyncadd.s32 $0xFFFFDC00  }
0xdb: {  	[tilespmem:s14], [sflag:$0xF] =	stream.linear.gather [spmem:s6], $0x2400, $0x38;
	[tilespmem:$0x1F680] =	vst v63  }
0xdc: {  	_ =	swait.ge [sflag:s16], $0x2400  }
0xdd: {  	[sflag:s16] =	ssyncset.done $0x0  }
0xde: {  	s9 =	rddreg [dreg:$0x9];
	[sflag:s16] =	ssyncadd.s32 $0xFFFFDC00  }
0xdf: {  	[hbm4b:s9+s2] =	stream.linear.scatter [tilespmem:s14], [sflag:$0xF], $0x2400, $0x38;
	[tilespmem:$0x1F680] =	vst v63  }
0xe0: {  	_ =	swait.ge [sflag:s16], $0x2400  }
0xe1: {  	[sflag:s16] =	ssyncset.done $0x0  }
0xe2: {  	s11 =	rddreg [dreg:$0x1e];
	[sflag:s16] =	ssyncadd.s32 $0xFFFFDC00  }
0xe3: {  	[tilespmem:s14], [sflag:$0xF] =	stream.linear.gather [spmem:s11], $0x2400, $0x38;
	[tilespmem:$0x1F680] =	vst v63  }
0xe4: {  	_ =	swait.ge [sflag:s16], $0x2400  }
0xe5: {  	[sflag:s16] =	ssyncset.done $0x0  }
0xe6: {  	s19 =	rddreg [dreg:$0xa];
	[sflag:s16] =	ssyncadd.s32 $0xFFFFDC00  }
0xe7: {  	[hbm4b:s19+s2] =	stream.linear.scatter [tilespmem:s14], [sflag:$0xF], $0x2400, $0x38;
	[tilespmem:$0x1F680] =	vst v63  }
0xe8: {  	_ =	swait.ge [sflag:s16], $0x2400  }
0xe9: {  	[sflag:s16] =	ssyncset.done $0x0  }
0xea: {  	s23 =	rddreg [dreg:$0x1f];
	[sflag:s16] =	ssyncadd.s32 $0xFFFFDC00  }
0xeb: {  	[tilespmem:s14], [sflag:$0xF] =	stream.linear.gather [spmem:s23], $0x2400, $0x38;
	[tilespmem:$0x1F680] =	vst v63  }
0xec: {  	_ =	swait.ge [sflag:s16], $0x2400  }
0xed: {  	[sflag:s16] =	ssyncset.done $0x0  }
0xee: {  	s24 =	rddreg [dreg:$0xb];
	[sflag:s16] =	ssyncadd.s32 $0xFFFFDC00  }
0xef: {  	[hbm4b:s24+s2] =	stream.linear.scatter [tilespmem:s14], [sflag:$0xF], $0x2400, $0x38;
	[tilespmem:$0x1F680] =	vst v63  }
0xf0: {  	_ =	swait.ge [sflag:s16], $0x2400  }
0xf1: {  	s25 =	sld [smem:$0x7FD]  }
0xf2: {  	[sflag:s16] =	ssyncset.done $0x0  }
0xf3: {  	[sflag:s16] =	ssyncadd.s32 $0xFFFFDC00  }
0xf4: {  	[tilespmem:s14], [sflag:$0xF] =	stream.linear.gather [spmem:s25], $0x2400, $0x38;
	[tilespmem:$0x1F680] =	vst v63  }
0xf5: {  	_ =	swait.ge [sflag:s16], $0x2400  }
0xf6: {  	[sflag:s16] =	ssyncset.done $0x0  }
0xf7: {  	s26 =	rddreg [dreg:$0xc];
	[sflag:s16] =	ssyncadd.s32 $0xFFFFDC00  }
0xf8: {  	[hbm4b:s26+s2] =	stream.linear.scatter [tilespmem:s14], [sflag:$0xF], $0x2400, $0x38;
	[tilespmem:$0x1F680] =	vst v63  }
0xf9: {  	_ =	swait.ge [sflag:s16], $0x2400  }
0xfa: {  	[sflag:s16] =	ssyncset.done $0x0  }
0xfb: {  	[sflag:s16] =	ssyncadd.s32 $0xFFFFDC00  }
0xfc: {  	[tilespmem:s14], [sflag:$0xF] =	stream.linear.gather [spmem:s8], $0x2400, $0x38;
	[tilespmem:$0x1F680] =	vst v63  }
0xfd: {  	_ =	swait.ge [sflag:s16], $0x2400  }
0xfe: {  	[sflag:s16] =	ssyncset.done $0x0  }
0xff: {  	s28 =	rddreg [dreg:$0xd];
	[sflag:s16] =	ssyncadd.s32 $0xFFFFDC00  }
0x100: {  	[hbm4b:s28+s2] =	stream.linear.scatter [tilespmem:s14], [sflag:$0xF], $0x2400, $0x38;
	[tilespmem:$0x1F680] =	vst v63  }
0x101: {  	_ =	swait.ge [sflag:s16], $0x2400  }
0x102: {  	[sflag:s16] =	ssyncset.done $0x0  }
0x103: {  	[sflag:s16] =	ssyncadd.s32 $0xFFFFDC00  }
0x104: {  	[tilespmem:s14], [sflag:$0xF] =	stream.linear.gather [spmem:s18], $0x1F80, $0x38;
	[tilespmem:$0x1F680] =	vst v63  }
0x105: {  	_ =	swait.ge [sflag:s16], $0x1F80  }
0x106: {  	[sflag:s16] =	ssyncset.done $0x0  }
0x107: {  	s29 =	rddreg [dreg:$0x4];
	[sflag:s16] =	ssyncadd.s32 $0xFFFFE080  }
0x108: {  	[hbm4b:s29+s2] =	stream.linear.scatter [tilespmem:s14], [sflag:$0xF], $0x1F80, $0x38;
	[tilespmem:$0x1F680] =	vst v63  }
0x109: {  	_ =	swait.ge [sflag:s16], $0x1F80  }
0x10a: {  	s22 =	sadd.s32 $0x1, s22;
	s31 =	rddreg [dreg:$0x10]  }
0x10b: {  	p0 =	sne.s32 s22, s31  }
.Ltmp9:
0x10c: {  	_ = 	snop;
	(pc) =	sbr.rel @p0 .LBB2_1-.Ltmp9, $4  }
.Ltmp10:
0x10d: {  	_ = 	snop;
	(pc) =	sbr.rel @!p0 .LBB2_14-.Ltmp10, $4  }
0x10e: {  	_ = 	snop  }
0x10f: {  	[sflag:s16] =	ssyncset.done $0x0  }
0x110: {  	[sflag:s16] =	ssyncadd.s32 $0xFFFFE080  }
0x111: {  	_ = 	snop  }
.LBB2_10:
.Ltmp11:
0x112: {  	(pc) =	sbr.rel .LBB2_13-.Ltmp11, $2  }
0x113: {  	_ =	sdelay $0x2  }
0x114: {  	_ = 	snop  }
.LBB2_14:
0x115: {  	_ =	sfence.sel $0x180000  }
0x116: {  	[bflag:$0x0] =	sbarrier.arrive $0xFFFF  }
0x117: {  	_ =	strace $0x90000047  }
0x118: {  	s0 =	stileid.u32;
	[bflag:$0x2] =	sbarrier.arrive $0xFFFF  }
0x119: {  	p0 =	sne.s32 s0, $0x0;
	s0 =	rddreg [dreg:$0x3]  }
0x11a: {  	s0 =	sadd.s32 @!p0 $0x100000, s0  }
0x11b: {  	[sflag:s0] =	ssyncadd.tile.s32 @!p0 $0x1;
	_ =	shalt  }
.Lfunc_end2:
_tile_overlayer_lowered:
.L_overlay_start_2:
0x11c: {  	(tag) =	ssettag $0x2  }
0x11d: {  	s0 =	rddreg [dreg:$0x0];
	s2 =	stileid.u32  }
0x11e: {  	s1 =	rddreg [dreg:$0x1];
	p0 =	sne.s32 s2, $0x0  }
0x11f: {  	s3 =	rddreg [dreg:$0x2];
	[bflag:$0x3] =	sbarrier.arrive $0xFFFF;
	s2 =	simm.s32 @!p0 $0x1C0F  }
0x120: {  	[timem:s3], [sflag:s2] =	dma.local @!p0 [hbm:s0], s1  }
0x121: {  	s0 =	simm.s32 @!p0 $0xF  }
0x122: {  	_ =	swait.ge @!p0 [sflag:s0], s1  }
0x123: {  	s1 =	ssub.s32 @!p0 $0x0, s1;
	[sflag:s0] =	ssyncset.done @!p0 $0x0  }
0x124: {  	[sflag:s0] =	ssyncadd.s32 @!p0 s1  }
0x125: {  	[bflag:$0x3] =	sbarrier.arrive $0xFFFF  }
0x126: {  	_ =	shalt  }

// kernel: kernel.9.cloned.1.call-start
scs
__scs_entry_jumppad:
0x0: {  	(pc) =	sbr.rel $0x88, $3  }
0x1: {  	(tag) =	ssettag $0x0;
	lr =	simm.s32 $0x1  }
0x2: {  	[smem:$0x3F9B] =	sst lr;
	_ =	strace $0xD0000000  }
0x3: {  	_ = 	snop  }
0x4: {  	_ = 	snop  }
0x5: {  	_ = 	snop  }
0x6: {  	_ = 	snop  }
0x7: {  	_ = 	snop  }
__scs_overlays_trampoline_lowered:
0x8: {  	[smem:$0x3FAA] =	sst s0  }
0x9: {  	[smem:$0x3FAB] =	sst s1  }
0xa: {  	[smem:$0x3FAC] =	sst s2  }
0xb: {  	[smem:$0x3FAD] =	sst s3  }
0xc: {  	[smem:$0x3FAE] =	sst s4  }
0xd: {  	[smem:$0x3FAF] =	sst s5  }
0xe: {  	[smem:$0x3FB0] =	sst s6  }
0xf: {  	[smem:$0x3FB1] =	sst s7  }
0x10: {  	[smem:$0x3FB2] =	sst s8  }
0x11: {  	[smem:$0x3FB3] =	sst s9;
	s0 =	simm.s32 @!p0 $0x0  }
0x12: {  	s1 =	sld [smem:$0x3F99];
	s0 =	simm.s32 @p0 $0x1  }
0x13: {  	[smem:$0x3FB4] =	sst s0;
	s0 =	simm.s32 @!p1 $0x0  }
0x14: {  	s2 =	sld [smem:$0x3F98];
	s0 =	simm.s32 @p1 $0x1  }
0x15: {  	[smem:$0x3FB5] =	sst s0;
	s0 =	simm.s32 @!p2 $0x0  }
0x16: {  	s3 =	sld [smem:$0x3FDB];
	s0 =	simm.s32 @p2 $0x1  }
0x17: {  	s4 =	simm.s32 $0x1BF5;
	[smem:$0x3FB7] =	sst s0  }
0x18: {  	s0 =	sld [smem:$0x3F9A];
	_ =	swait.ge [sflag:s4], $0x0  }
0x19: {  	s7 =	sld [smem:$0x3F9B]  }
0x1a: {  	s8 =	sadd.s32 $0xFFFFE003, lr  }
0x1b: {  	s9 =	sadd.s32 $0xFFFFFEF7, lr;
	s5 =	simm.s32 $0xFFFFFFFF;
	p2 =	slt.u32 s8, $0xFFFFF086  }
0x1c: {  	p1 =	slt.u32 s9, $0xF7A;
	s5 =	simm.s32 @!p2 $0x0  }
0x1d: {  	s5 =	simm.s32 @p1 $0x1;
	p0 =	seq.s32 s7, s2  }
0x1e: {  	s7 =	smul.u32 @!p0 $0xF7A, s2;
	p2 =	seq.s32 @!p0 s5, $0x0  }
0x1f: {  	s9 =	smul.u32 $0xF7A, s1;
	s8 =	simm.s32 @!p0 $0x1BF5;
	p2 =	por !p2, p0  }
0x20: {  	[sflag:s8] =	ssyncset.s32 @!p0 $0xFFFFF086;
	s6 =	sadd.s32 @!p0 s3, s7;
	s7 =	simm.s32 @!p0 $0x108  }
0x21: {  	s3 =	sadd.s32 s3, s9;
	s6 =	sadd.s32 @!p0 $0x88, s6;
	s7 =	simm.s32 @p2 $0x1082  }
0x22: {  	[simem:s7], [sflag:s8] =	dma.local @!p0 [hbm:s6], $0xF7A  }
0x23: {  	s9 =	sor.u32 $0xD0000000, s2;
	s6 =	simm.s32 $0x108;
	_ =	swait.ge @!p0 [sflag:s8], $0x0  }
0x24: {  	s3 =	sadd.s32 $0x88, s3;
	s6 =	simm.s32 @!p1 $0x1082;
	[sflag:s4] =	ssyncset.s32 $0xFFFFF086  }
0x25: {  	[simem:s6], [sflag:s4] =	dma.local [hbm:s3], $0xF7A  }
0x26: {  	[smem:$0x3F9B] =	sst s1;
	(tag) =	ssettag s2;
	_ =	strace s9  }
0x27: {  	s1 =	sld [smem:$0x3FAB]  }
0x28: {  	s2 =	sld [smem:$0x3FAC]  }
0x29: {  	s4 =	sld [smem:$0x3FAE]  }
0x2a: {  	p0 =	seq.s32 s5, $0x0;
	s5 =	sld [smem:$0x3FAF]  }
0x2b: {  	s6 =	sld [smem:$0x3FB0]  }
0x2c: {  	s7 =	sld [smem:$0x3FB1]  }
0x2d: {  	s3 =	simm.s32 $0x108;
	s8 =	sld [smem:$0x3FB2]  }
0x2e: {  	s3 =	simm.s32 @!p0 $0x1082;
	s9 =	sld [smem:$0x3FB3]  }
0x2f: {  	lr =	sadd.s32 s0, s3;
	s0 =	sld [smem:$0x3FAA]  }
0x30: {  	s3 =	sld [smem:$0x3FAD]  }
0x31: {  	[smem:$0x3FB6] =	sst s10  }
0x32: {  	s10 =	sld [smem:$0x3FB4];
	_ =	sdelay $0x3  }
0x33: {  	p0 =	seq.s32 s10, $0x1;
	s10 =	sld [smem:$0x3FB6];
	_ =	sdelay $0x3  }
0x34: {  	[smem:$0x3FB6] =	sst s10  }
0x35: {  	s10 =	sld [smem:$0x3FB5];
	_ =	sdelay $0x3  }
0x36: {  	p1 =	seq.s32 s10, $0x1;
	s10 =	sld [smem:$0x3FB6];
	_ =	sdelay $0x3  }
0x37: {  	[smem:$0x3FB6] =	sst s10  }
0x38: {  	s10 =	sld [smem:$0x3FB7]  }
0x39: {  	_ = 	snop;
	(pc) =	sbr.ind lr, $3  }
0x3a: {  	_ = 	snop  }
0x3b: {  	_ = 	snop  }
0x3c: {  	p2 =	seq.s32 s10, $0x1;
	s10 =	sld [smem:$0x3FB6]  }
0x3d: {  	_ =	shalt  }
0x3e: {  	_ =	shalt  }
0x3f: {  	_ =	shalt  }
0x40: {  	_ =	shalt  }
0x41: {  	_ =	shalt  }
0x42: {  	_ =	shalt  }
0x43: {  	_ =	shalt  }
0x44: {  	_ =	shalt  }
0x45: {  	_ =	shalt  }
0x46: {  	_ =	shalt  }
0x47: {  	_ =	shalt  }
0x48: {  	_ =	shalt  }
0x49: {  	_ =	shalt  }
0x4a: {  	_ =	shalt  }
0x4b: {  	_ =	shalt  }
0x4c: {  	_ =	shalt  }
0x4d: {  	_ =	shalt  }
0x4e: {  	_ =	shalt  }
0x4f: {  	_ =	shalt  }
0x50: {  	_ =	shalt  }
0x51: {  	_ =	shalt  }
0x52: {  	_ =	shalt  }
0x53: {  	_ =	shalt  }
0x54: {  	_ =	shalt  }
0x55: {  	_ =	shalt  }
0x56: {  	_ =	shalt  }
0x57: {  	_ =	shalt  }
0x58: {  	_ =	shalt  }
0x59: {  	_ =	shalt  }
0x5a: {  	_ =	shalt  }
0x5b: {  	_ =	shalt  }
0x5c: {  	_ =	shalt  }
0x5d: {  	_ =	shalt  }
0x5e: {  	_ =	shalt  }
0x5f: {  	_ =	shalt  }
0x60: {  	_ =	shalt  }
0x61: {  	_ =	shalt  }
0x62: {  	_ =	shalt  }
0x63: {  	_ =	shalt  }
0x64: {  	_ =	shalt  }
0x65: {  	_ =	shalt  }
0x66: {  	_ =	shalt  }
0x67: {  	_ =	shalt  }
0x68: {  	_ =	shalt  }
0x69: {  	_ =	shalt  }
0x6a: {  	_ =	shalt  }
0x6b: {  	_ =	shalt  }
0x6c: {  	_ =	shalt  }
0x6d: {  	_ =	shalt  }
0x6e: {  	_ =	shalt  }
0x6f: {  	_ =	shalt  }
0x70: {  	_ =	shalt  }
0x71: {  	_ =	shalt  }
0x72: {  	_ =	shalt  }
0x73: {  	_ =	shalt  }
0x74: {  	_ =	shalt  }
0x75: {  	_ =	shalt  }
0x76: {  	_ =	shalt  }
0x77: {  	_ =	shalt  }
0x78: {  	_ =	shalt  }
0x79: {  	_ =	shalt  }
0x7a: {  	_ =	shalt  }
0x7b: {  	_ =	shalt  }
0x7c: {  	_ =	shalt  }
0x7d: {  	_ =	shalt  }
0x7e: {  	_ =	shalt  }
0x7f: {  	_ =	shalt  }
0x80: {  	_ =	shalt  }
0x81: {  	_ =	shalt  }
0x82: {  	_ =	shalt  }
0x83: {  	_ =	shalt  }
0x84: {  	_ =	shalt  }
0x85: {  	_ =	shalt  }
0x86: {  	_ =	shalt  }
0x87: {  	_ =	shalt  }
.Lfunc_end0:
.L_simem_size_0:
called_computation.1_lowered:
.L_overlay_start_0:
0x88: {  	s2 =	sld [smem:$0x3FD9]  }
0x89: {  	s3 =	sld [smem:$0x3FFE];
	_ =	sdelay $0x1  }
0x8a: {  	s1 =	srdreg.scid  }
0x8b: {  	s0 =	sand.u32 $0x1, s1  }
0x8c: {  	s17 =	sshll.u32 s0, $0xA;
	s2 =	sadd.s32 s3, s2  }
0x8d: {  	s2 =	sadd.s32 s2, s17  }
0x8e: {  	[smem:$0x3FC2] =	sst s2  }
0x8f: {  	_ = 	snop  }
0x90: {  	s2 =	sld [smem:$0x3FD0];
	(tm) =	ssettm $0x1  }
0x91: {  	s18 =	sld [smem:$0x3FFB];
	_ =	sdelay $0x3  }
0x92: {  	_ =	strace s18  }
0x93: {  	s3 =	sld [smem:$0x3FFC];
	_ =	sdelay $0x3  }
0x94: {  	_ =	strace s3  }
0x95: {  	s3 =	sld [smem:$0x3FFD];
	_ =	sdelay $0x3  }
0x96: {  	_ =	strace s3  }
0x97: {  	_ =	strace $0x8FFFFFFF  }
0x98: {  	s19 =	sld [smem:$0x3FDB];
	_ =	sdelay $0x1  }
0x99: {  	s4 =	simm.s32 $_scs_section_size  }
0x9a: {  	s5 =	simm.s32 $_size__tile_overlayer_lowered;
	s6 =	simm.s32 $_tile_overlayer_lowered  }
0x9b: {  	s22 =	simm.s32 $0x1BFF;
	s21 =	sshll.u32 s6, $0x1;
	s3 =	sadd.s32 s4, s19  }
0x9c: {  	s7 =	simm.s32 $0x0;
	s20 =	sshll.u32 s5, $0x1;
	s5 =	sadd.s32 s21, s3  }
0x9d: {  	[timem:s7], [sflag:s22] =	dma.local [hbm:s5], s20  }
0x9e: {  	_ =	swait.ge [sflag:s22], s20  }
0x9f: {  	s4 =	ssub.s32 $0x0, s20;
	[sflag:s22] =	ssyncset.done $0x0  }
0xa0: {  	[sflag:s22] =	ssyncadd.s32 s4;
	_ =	sdelay $0x1  }
0xa1: {  	s23 =	simm.s32 $0x1B8B  }
0xa2: {  	_ =	swait.ge [sflag:s23], $0x1  }
0xa3: {  	[sflag:s23] =	ssyncset.done $0x0  }
0xa4: {  	s25 =	simm.s32 $0x1B8E;
	s24 =	sld [smem:$0x3FFE];
	[sflag:s23] =	ssyncadd.s32 $0xFFFFFFFF  }
0xa5: {  	s26 =	simm.s32 $execute0_lowered;
	[smem:$0x3FD2] =	sst s25  }
0xa6: {  	s5 =	sshll.u32 s26, $0x1;
	_ =	strace $0x80000049;
	[dreg:$0x1] =	wrdreg $0xFFFFFFFF  }
0xa7: {  	s28 =	simm.s32 $_size_execute0_lowered;
	s3 =	sadd.s32 s3, s5;
	[dreg:$0x0] =	wrdreg $0x0  }
0xa8: {  	s5 =	sshll.u32 s28, $0x1;
	[dreg:$0x2] =	wrdreg s3  }
0xa9: {  	[dreg:$0x3] =	wrdreg s5  }
0xaa: {  	[dreg:$0x4] =	wrdreg $0xC0  }
0xab: {  	_ =	task [dreg:s7], $0x5FFFF  }
0xac: {  	[dreg:$0x1] =	wrdreg $0xFFFFFFFF  }
0xad: {  	[dreg:$0x0] =	wrdreg $0x60  }
0xae: {  	[dreg:$0x2] =	wrdreg s24  }
0xaf: {  	[dreg:$0x3] =	wrdreg s2  }
0xb0: {  	[dreg:$0x4] =	wrdreg $0x83000  }
0xb1: {  	[dreg:$0x5] =	wrdreg $0x9  }
0xb2: {  	_ =	task.clear_ibuf [dreg:s7], $0x6FFFF;
	_ =	strace $0x90000049  }
0xb3: {  	s29 =	simm.s32 $0x9;
	_ =	strace $0x8000004B  }
0xb4: {  	_ =	swait.ge [sflag:s29], $0x1  }
0xb5: {  	[sflag:s29] =	ssyncadd.s32 $0xFFFFFFFF  }
0xb6: {  	_ =	strace $0x9000004B  }
0xb7: {  	_ =	sfence  }
0xb8: {  	s30 =	sld [smem:$0x0];
	_ =	sdelay $0x2  }
0xb9: {  	s31 =	sshll.u32 s1, $0xD;
	s1 =	sshrl.u32 s1, $0x2  }
0xba: {  	s3 =	sand.u32 $0x4000, s31;
	s1 =	sadd.s32 s1, s30  }
0xbb: {  	s0 =	sor.u32 s3, s0;
	s1 =	sshll.u32 s1, $0x11  }
0xbc: {  	s0 =	sor.u32 s1, s0  }
0xbd: {  	s0 =	sadd.s32 $0x8F2B, s0  }
0xbe: {  	[sflag:s0] =	ssyncadd.remote.s32 $0x1  }
0xbf: {  	_ =	sfence.sel $0xFFFF  }
0xc0: {  	[dreg:$0x0] =	wrdreg $0xFFFFFFFF;
	(pc) =	sbr.abs _section_cstart, $3  }
0xc1: {  	[dreg:$0x1] =	wrdreg $0xFFFFFFFF  }
0xc2: {  	_ =	task.clear_ibuf [dreg:s7], $0x2FFFF;
	_ =	strace $0x9FFFFFFF  }
0xc3: {  	(tm) =	ssettm $0x7FFFFFFF  }
tec
execute0_lowered:
.L_overlay_start_1:
0x0: {  	(tag) =	ssettag $0x1  }
0x1: {  	s3 =	rddreg [dreg:$0x0]  }
0x2: {  	s1 =	rddreg [dreg:$0x1];
	s15 =	stileid.u32  }
0x3: {  	s0 =	srdreg.scid;
	s2 =	simm.s32 $0x0;
	s4 =	smul.u32 $0x128, s15  }
0x4: {  	s0 =	sand.u32 $0x1, s0;
	s5 =	smul.u32 $0x14, s15;
	[smem:$0x7FF] =	sst s2  }
0x5: {  	s7 =	smul.u32 $0x13C00, s15;
	s8 =	sadd.s32 $0x29200, s3;
	s6 =	ssub.s32 $0x2, s0  }
0x6: {  	s10 =	smul.u32 $0x13C000, s0;
	p0 =	seq.s32 s0, $0x0;
	s9 =	sshrl.u32 s6, $0x1  }
0x7: {  	s0 =	sadd.s32 $0x1280, s5;
	s5 =	sadd.s32 $0x12000, s7;
	s11 =	sadd.s32 $0x2000, s7  }
0x8: {  	s12 =	sadd.s32 $0x6000, s7;
	s6 =	ssub.s32 s6, s9;
	s0 =	smov.u32 @p0 s4  }
0x9: {  	s13 =	sadd.s32 s10, s5;
	s14 =	sadd.s32 s10, s7;
	s17 =	sadd.s32 s10, s11  }
0xa: {  	s9 =	sadd.s32 $0x4000, s7;
	s4 =	sshrl.u32 s13, $0x3;
	s16 =	sshrl.u32 s14, $0x3  }
0xb: {  	s18 =	sshrl.u32 s17, $0x3;
	s19 =	sadd.s32 s10, s9;
	s13 =	sadd.s32 s10, s12  }
0xc: {  	s14 =	sadd.s32 $0x8000, s7;
	s4 =	sadd.s32 s8, s4;
	s20 =	sshrl.u32 s13, $0x3  }
0xd: {  	s21 =	sadd.s32 s10, s14;
	[dreg:$0x4] =	wrdreg s4;
	s4 =	sadd.s32 s8, s16  }
0xe: {  	s22 =	sshrl.u32 s21, $0x3;
	[dreg:$0x5] =	wrdreg s4;
	s4 =	sadd.s32 s8, s18  }
0xf: {  	s16 =	sadd.s32 $0xA000, s7;
	[dreg:$0x6] =	wrdreg s4;
	s4 =	sshrl.u32 s19, $0x3  }
0x10: {  	s21 =	sadd.s32 $0xC000, s7;
	s23 =	sadd.s32 s10, s16;
	s4 =	sadd.s32 s8, s4  }
0x11: {  	s24 =	sadd.s32 s10, s21;
	[dreg:$0x7] =	wrdreg s4;
	s4 =	sadd.s32 s8, s20  }
0x12: {  	s25 =	sshrl.u32 s24, $0x3;
	[dreg:$0x8] =	wrdreg s4;
	s4 =	sadd.s32 s8, s22  }
0x13: {  	s22 =	sadd.s32 $0xE000, s7;
	[dreg:$0x9] =	wrdreg s4;
	s4 =	sshrl.u32 s23, $0x3  }
0x14: {  	s26 =	sadd.s32 s10, s22;
	s23 =	sadd.s32 $0x10000, s7;
	s4 =	sadd.s32 s8, s4  }
0x15: {  	s28 =	sshrl.u32 s26, $0x3;
	[dreg:$0xa] =	wrdreg s4;
	s4 =	sadd.s32 s8, s25  }
0x16: {  	s29 =	sadd.s32 s10, s23;
	[dreg:$0xb] =	wrdreg s4;
	s4 =	sadd.s32 s8, s28  }
0x17: {  	[dreg:$0xc] =	wrdreg s4;
	s4 =	sshrl.u32 s29, $0x3  }
0x18: {  	s30 =	smul.u32 $0x4F000, s15;
	s13 =	rddreg [dreg:$0x2];
	s4 =	sadd.s32 s8, s4  }
0x19: {  	s15 =	sadd.s32 $0x1600, s3;
	s3 =	sadd.s32 $0x28E00, s3;
	[dreg:$0xd] =	wrdreg s4  }
0x1a: {  	s7 =	sadd.s32 s7, s13;
	_ =	strace $0x8000004A;
	[dreg:$0xe] =	wrdreg s3  }
0x1b: {  	s8 =	smax.u32 s6, $0x1;
	[dreg:$0xf] =	wrdreg s7  }
0x1c: {  	s10 =	sadd.s32 s11, s13;
	[dreg:$0x10] =	wrdreg s8  }
0x1d: {  	s11 =	sadd.s32 s9, s13;
	[dreg:$0x11] =	wrdreg s10  }
0x1e: {  	s12 =	sadd.s32 s12, s13;
	[dreg:$0x12] =	wrdreg s11  }
0x1f: {  	s14 =	sadd.s32 s14, s13;
	[dreg:$0x13] =	wrdreg s12  }
0x20: {  	s16 =	sadd.s32 s16, s13;
	[dreg:$0x14] =	wrdreg s14  }
0x21: {  	s31 =	sshrl.u32 s30, $0x2;
	s21 =	sadd.s32 s21, s13;
	[dreg:$0x15] =	wrdreg s16  }
0x22: {  	s17 =	simm.s32 $0x128;
	s22 =	sadd.s32 s22, s13;
	[dreg:$0x16] =	wrdreg s21  }
0x23: {  	s18 =	sadd.s32 s31, s13;
	s23 =	sadd.s32 s23, s13;
	[dreg:$0x17] =	wrdreg s22  }
0x24: {  	s17 =	simm.s32 @!p0 $0x14;
	s26 =	sadd.s32 $0x2000, s18;
	[dreg:$0x18] =	wrdreg s23  }
0x25: {  	s19 =	sadd.s32 s5, s13;
	s28 =	sadd.s32 $0x4000, s18;
	[dreg:$0x1c] =	wrdreg s26  }
0x26: {  	s30 =	sadd.s32 $0x8000, s18;
	s29 =	sadd.s32 $0x6000, s18;
	[dreg:$0x1d] =	wrdreg s28  }
0x27: {  	s31 =	sadd.s32 $0xA000, s18;
	s9 =	sadd.s32 $0xC000, s18;
	[dreg:$0x1e] =	wrdreg s29  }
0x28: {  	s4 =	sshll.u32 s0, $0x4;
	s0 =	sshll.u32 s0, $0x7;
	[dreg:$0x1f] =	wrdreg s30  }
0x29: {  	s20 =	sadd.s32 s1, s4;
	s0 =	sor.u32 $0x180, s0;
	[smem:$0x7FD] =	sst s31  }
0x2a: {  	s10 =	sadd.s32 $0xE000, s18;
	s12 =	sadd.s32 $0x10000, s18;
	s14 =	simm.s32 $0x300  }
0x2b: {  	s16 =	simm.s32 $0xF;
	[dreg:$0x19] =	wrdreg s0;
	s24 =	sadd.s32 $0x10, s20  }
0x2c: {  	s21 =	simm.s32 $0x80;
	s25 =	sadd.s32 $0x20, s20;
	[dreg:$0x1a] =	wrdreg s24  }
0x2d: {  	s22 =	simm.s32 $0x40;
	s23 =	simm.s32 $0x0;
	[dreg:$0x1b] =	wrdreg s25  }
.LBB2_1:
0x2e: {  	s0 =	rddreg [dreg:$0xe]  }
0x2f: {  	[tilespmem:s14], [sflag:$0xF] =	stream.linear.gather [hbm4b:s0+s2], $0x2000, $0x38;
	[tilespmem:$0x1BF00] =	vst v63  }
0x30: {  	_ =	swait.ge [sflag:s16], $0x2000  }
0x31: {  	[sflag:s16] =	ssyncset.done $0x0  }
0x32: {  	[sflag:s16] =	ssyncadd.s32 $0xFFFFE000  }
0x33: {  	[spmem:s18] =	stream.linear.scatter [tilespmem:s14], [sflag:$0xF], $0x2000, $0x38;
	[tilespmem:$0x1BF00] =	vst v63  }
0x34: {  	_ =	swait.ge [sflag:s16], $0x2000  }
0x35: {  	[sflag:s16] =	ssyncset.done $0x0  }
0x36: {  	s5 =	rddreg [dreg:$0x1c];
	[sflag:s16] =	ssyncadd.s32 $0xFFFFE000  }
0x37: {  	[spmem:s5] =	stream.linear.scatter [tilespmem:s14], [sflag:$0xF], $0x2000, $0x38;
	[tilespmem:$0x1BF00] =	vst v63  }
0x38: {  	_ =	swait.ge [sflag:s16], $0x2000  }
0x39: {  	[sflag:s16] =	ssyncset.done $0x0  }
0x3a: {  	s6 =	rddreg [dreg:$0x1d];
	[sflag:s16] =	ssyncadd.s32 $0xFFFFE000  }
0x3b: {  	[spmem:s6] =	stream.linear.scatter [tilespmem:s14], [sflag:$0xF], $0x2000, $0x38;
	[tilespmem:$0x1BF00] =	vst v63  }
0x3c: {  	_ =	swait.ge [sflag:s16], $0x2000  }
0x3d: {  	[sflag:s16] =	ssyncset.done $0x0  }
0x3e: {  	s7 =	rddreg [dreg:$0x1e];
	[sflag:s16] =	ssyncadd.s32 $0xFFFFE000  }
0x3f: {  	[spmem:s7] =	stream.linear.scatter [tilespmem:s14], [sflag:$0xF], $0x2000, $0x38;
	[tilespmem:$0x1BF00] =	vst v63  }
0x40: {  	_ =	swait.ge [sflag:s16], $0x2000  }
0x41: {  	[sflag:s16] =	ssyncset.done $0x0  }
0x42: {  	s8 =	rddreg [dreg:$0x1f];
	[sflag:s16] =	ssyncadd.s32 $0xFFFFE000  }
0x43: {  	[spmem:s8] =	stream.linear.scatter [tilespmem:s14], [sflag:$0xF], $0x2000, $0x38;
	[tilespmem:$0x1BF00] =	vst v63  }
0x44: {  	_ =	swait.ge [sflag:s16], $0x2000  }
0x45: {  	s11 =	sld [smem:$0x7FD]  }
0x46: {  	[sflag:s16] =	ssyncset.done $0x0  }
0x47: {  	[sflag:s16] =	ssyncadd.s32 $0xFFFFE000  }
0x48: {  	[spmem:s11] =	stream.linear.scatter [tilespmem:s14], [sflag:$0xF], $0x2000, $0x38;
	[tilespmem:$0x1BF00] =	vst v63  }
0x49: {  	_ =	swait.ge [sflag:s16], $0x2000  }
0x4a: {  	[sflag:s16] =	ssyncset.done $0x0  }
0x4b: {  	[sflag:s16] =	ssyncadd.s32 $0xFFFFE000  }
0x4c: {  	[spmem:s9] =	stream.linear.scatter [tilespmem:s14], [sflag:$0xF], $0x2000, $0x38;
	[tilespmem:$0x1BF00] =	vst v63  }
0x4d: {  	_ =	swait.ge [sflag:s16], $0x2000  }
0x4e: {  	[sflag:s16] =	ssyncset.done $0x0  }
0x4f: {  	[sflag:s16] =	ssyncadd.s32 $0xFFFFE000  }
0x50: {  	[spmem:s10] =	stream.linear.scatter [tilespmem:s14], [sflag:$0xF], $0x2000, $0x38;
	[tilespmem:$0x1BF00] =	vst v63  }
0x51: {  	_ =	swait.ge [sflag:s16], $0x2000  }
0x52: {  	[sflag:s16] =	ssyncset.done $0x0  }
0x53: {  	[sflag:s16] =	ssyncadd.s32 $0xFFFFE000  }
0x54: {  	[spmem:s12] =	stream.linear.scatter [tilespmem:s14], [sflag:$0xF], $0x2000, $0x38;
	[tilespmem:$0x1BF00] =	vst v63  }
0x55: {  	_ =	swait.ge [sflag:s16], $0x2000  }
0x56: {  	[sflag:s16] =	ssyncset.done $0x0  }
0x57: {  	[sflag:s16] =	ssyncadd.s32 $0xFFFFE000  }
0x58: {  	[spmem:s19] =	stream.linear.scatter [tilespmem:s14], [sflag:$0xF], $0x1C00, $0x38;
	[tilespmem:$0x1BF00] =	vst v63  }
0x59: {  	_ =	swait.ge [sflag:s16], $0x1C00  }
0x5a: {  	[sflag:s16] =	ssyncset.done $0x0  }
0x5b: {  	[sflag:s16] =	ssyncadd.s32 $0xFFFFE400  }
0x5c: {  	[bflag:$0x0] =	sbarrier.arrive $0xFFFF  }
0x5d: {  	[tilespmem:s2], [sflag:$0xF] =	stream.linear.gather [hbm4b:s20+s2], $0x80, $0x38;
	[tilespmem:$0x1BF00] =	vst v63  }
0x5e: {  	_ =	swait.ge [sflag:s16], $0x80  }
0x5f: {  	[sflag:s16] =	ssyncset.done $0x0  }
0x60: {  	s24 =	rddreg [dreg:$0x1a];
	[sflag:s16] =	ssyncadd.s32 $0xFFFFFF80  }
0x61: {  	[tilespmem:s21], [sflag:$0xF] =	stream.linear.gather [hbm4b:s24+s2], $0x80, $0x38;
	[tilespmem:$0x1BF00] =	vst v63  }
0x62: {  	_ =	swait.ge [sflag:s16], $0x80  }
0x63: {  	[sflag:s16] =	ssyncset.done $0x0  }
0x64: {  	s24 =	simm.s32 $0x100;
	s25 =	rddreg [dreg:$0x1b];
	[sflag:s16] =	ssyncadd.s32 $0xFFFFFF80  }
0x65: {  	[tilespmem:s24], [sflag:$0xF] =	stream.linear.gather [hbm4b:s25+s2], $0x80, $0x38;
	[tilespmem:$0x1BF00] =	vst v63  }
0x66: {  	_ =	swait.ge [sflag:s16], $0x80  }
0x67: {  	s26 =	simm.s32 $0x2300;
	s28 =	simm.s32 $0x180;
	[sflag:s16] =	ssyncset.done $0x0  }
.Ltmp0:
0x68: {  	s29 =	simm.s32 $0xB;
	[sflag:s16] =	ssyncadd.s32 $0xFFFFFF80;
	(pc) =	sbr.rel .LBB2_2-.Ltmp0, $4  }
0x69: {  	[tilespmem:s14], [sflag:$0x1] =	stream.indirect.gather [hbm4b:s15+s22], $0x80, s2, s22, $0xb8;
	[tilespmem:$0x1BF00] =	vst v63  }
0x6a: {  	s30 =	simm.s32 $0x2;
	s31 =	simm.s32 $0x40;
	s3 =	simm.s32 $0x0  }
0x6b: {  	[tilespmem:s26], [sflag:$0x2] =	stream.indirect.gather [hbm4b:s15+s22], $0x80, s21, s22, $0xb8;
	[tilespmem:$0x1BF00] =	vst v63  }
0x6c: {  	s25 =	simm.s32 $0xC;
	s11 =	rddreg [dreg:$0x19];
	s26 =	simm.s32 $0x3  }
.LBB2_4:
0x6d: {  	s5 =	sadd.s32 $0x5, s4  }
0x6e: {  	_ =	swait.ge [sflag:s5], $0x2000  }
0x6f: {  	[sflag:s5] =	ssyncset.done $0x0  }
0x70: {  	[sflag:s5] =	ssyncadd.s32 $0xFFFFE000  }
.LBB2_6:
0x71: {  	s5 =	smul.u32 $0xFFFFFFE8, s0;
	_ =	sdelay $0x1  }
0x72: {  	s5 =	sshra.s32 s5, $0x2  }
0x73: {  	s5 =	sadd.s32 s5, s29  }
0x74: {  	_ =	swait.ge [sflag:s5], $0x80  }
0x75: {  	[sflag:s5] =	ssyncset.done $0x0  }
0x76: {  	[sflag:s5] =	ssyncadd.s32 $0xFFFFFF80  }
.LBB2_7:
0x77: {  	s0 =	smul.u32 $0xFFFFF400, s0;
	_ =	sdelay $0x1  }
0x78: {  	s5 =	sshll.u32 s4, $0xD;
	s0 =	sshra.s32 s0, $0x2  }
0x79: {  	s8 =	sadd.s32 $0x1, s4;
	s5 =	sor.u32 $0x300, s5;
	s0 =	sadd.s32 s0, s24  }
0x7a: {  	[tilespmem:s5], [sflag:s8] =	stream.indirect.gather [hbm4b:s15+s22], $0x80, s0, s22, $0xb8;
	[tilespmem:$0x1BF00] =	vst v63  }
.LBB2_8:
0x7b: {  	s0 =	smulhi.u32 $0xAAAAAAAB, s26  }
0x7c: {  	s5 =	smulhi.u32 $0xAAAAAAAB, s3;
	s6 =	sadd.s32 $0x3, s3;
	s7 =	sand.u32 $0x3, s3  }
0x7d: {  	s3 =	sadd.s32 $0x1, s3;
	s26 =	sadd.s32 $0x1, s26;
	s0 =	sshrl.u32 s0, $0x2  }
0x7e: {  	s29 =	sadd.s32 $0x1, s29;
	s30 =	sadd.s32 $0x1, s30;
	s4 =	smul.u32 $0xFFFFFFE8, s0  }
0x7f: {  	s24 =	sadd.s32 $0x80, s24;
	p0 =	sge.u32 s6, s17;
	s0 =	smul.u32 $0xFFFFF400, s0  }
0x80: {  	s5 =	sshrl.u32 s5, $0x2;
	s6 =	sshrl.u32 @!p0 s11, $0x3;
	s8 =	simm.s32 @!p0 $0x0  }
0x81: {  	s5 =	smul.u32 $0xFFFFF400, s5;
	s4 =	sshra.s32 s4, $0x2;
	s0 =	sshra.s32 s0, $0x2  }
0x82: {  	s6 =	sadd.s32 @!p0 s1, s6;
	s4 =	sadd.s32 s4, s25;
	s0 =	sadd.s32 s0, s28  }
0x83: {  	[tilespmem:s0], [sflag:s4] =	stream.linear.gather @!p0 [hbm4b:s6+s8], $0x80, $0x38;
	[tilespmem:$0x1BF00] =	vst v63  }
0x84: {  	s11 =	sadd.s32 $0x80, s11;
	s5 =	sshra.s32 s5, $0x2;
	p0 =	sne.s32 s17, s3  }
.Ltmp1:
0x85: {  	s25 =	sadd.s32 $0x1, s25;
	s8 =	sadd.s32 $0x1, s7;
	(pc) =	sbr.rel @!p0 .LBB2_9-.Ltmp1, $4  }
0x86: {  	s28 =	sadd.s32 $0x80, s28;
	s4 =	sadd.s32 s5, s31;
	_ =	swait.ge [sflag:s8], $0x2000  }
0x87: {  	s6 =	sshll.u32 s7, $0xD;
	s31 =	sadd.s32 $0x80, s31;
	[sflag:s8] =	ssyncset.done $0x0  }
0x88: {  	s5 =	sor.u32 $0x300, s6;
	[sflag:s8] =	ssyncadd.s32 $0xFFFFE000;
	s8 =	sadd.s32 $0x5, s7  }
0x89: {  	[spmem:s13] =	stream.indirect.scatter.add.f32 [tilespmem:s5], [sflag:s8], $0x80, s4, s22, $0xb8;
	[tilespmem:$0x1BF00] =	vst v63  }
.LBB2_2:
0x8a: {  	s4 =	sadd.s32 $0x2, s3  }
0x8b: {  	p0 =	sge.u32 s4, s17  }
.Ltmp2:
0x8c: {  	_ = 	snop;
	(pc) =	sbr.rel @p0 .LBB2_8-.Ltmp2, $1  }
0x8d: {  	_ =	sdelay $0x3  }
0x8e: {  	p0 =	slt.u32 s3, $0x2  }
.Ltmp3:
0x8f: {  	_ = 	snop;
	(pc) =	sbr.rel @!p0 .LBB2_4-.Ltmp3, $3  }
0x90: {  	_ = 	snop  }
0x91: {  	s0 =	smulhi.u32 $0xAAAAAAAB, s30;
	_ =	sdelay $0x1  }
0x92: {  	s4 =	sand.u32 $0x3, s4;
	s0 =	sshrl.u32 s0, $0x2  }
0x93: {  	p0 =	seq.s32 s3, $0x0  }
.Ltmp4:
0x94: {  	_ = 	snop;
	(pc) =	sbr.rel @!p0 .LBB2_6-.Ltmp4, $4  }
.Ltmp5:
0x95: {  	_ = 	snop;
	(pc) =	sbr.rel @p0 .LBB2_7-.Ltmp5, $4  }
0x96: {  	_ = 	snop  }
0x97: {  	_ = 	snop  }
0x98: {  	_ = 	snop  }
0x99: {  	_ = 	snop  }
.LBB2_9:
0x9a: {  	p1 =	por $0x0, $0x0  }
.Ltmp6:
0x9b: {  	_ = 	snop;
	(pc) =	sbr.rel @p1 .LBB2_10-.Ltmp6, $4  }
0x9c: {  	_ = 	snop  }
0x9d: {  	s3 =	sadd.s32 $0xFFFFFFFC, s17  }
0x9e: {  	s0 =	sshra.s32 s3, $0x1F  }
0x9f: {  	p0 =	por $0x0, $0x0;
	s0 =	sshrl.u32 s0, $0x1E  }
0xa0: {  	s0 =	sadd.s32 s0, s3;
	p1 =	por $0x0, $0x0  }
.Ltmp7:
0xa1: {  	s0 =	sand.u32 $0xFFFFFFFC, s0;
	(pc) =	sbr.rel @p1 .LBB2_13-.Ltmp7, $4  }
0xa2: {  	s0 =	ssub.s32 s3, s0  }
0xa3: {  	s3 =	sadd.s32 $0xFFFFFFFD, s17;
	s24 =	sadd.s32 $0x5, s0  }
0xa4: {  	s11 =	simm.s32 $0xFFFFFFFE;
	s31 =	sshra.s32 s3, $0x1F;
	_ =	swait.ge [sflag:s24], $0x2000  }
0xa5: {  	p0 =	por $0x1, $0x1;
	s0 =	sshrl.u32 s31, $0x1E;
	[sflag:s24] =	ssyncset.done $0x0  }
.LBB2_12:
0xa6: {  	s4 =	smov.u32 s11;
	s11 =	sadd.s32 $0x1, s11  }
0xa7: {  	s0 =	sadd.s32 s0, s3;
	[sflag:s24] =	ssyncadd.s32 $0xFFFFE000;
	p1 =	seq.s32 s11, $0x0  }
.Ltmp8:
0xa8: {  	s0 =	sand.u32 $0xFFFFFFFC, s0;
	(pc) =	sbr.rel @!p1 .LBB2_12-.Ltmp8, $4  }
0xa9: {  	s0 =	ssub.s32 s3, s0  }
0xaa: {  	s3 =	sadd.s32 s4, s17;
	s24 =	sadd.s32 $0x5, s0  }
0xab: {  	s0 =	sshra.s32 s3, $0x1F;
	_ =	swait.ge [sflag:s24], $0x2000  }
0xac: {  	s0 =	sshrl.u32 s0, $0x1E;
	[sflag:s24] =	ssyncset.done $0x0  }
.LBB2_13:
0xad: {  	s0 =	sadd.s32 s0, s3  }
0xae: {  	s0 =	sand.u32 $0xFFFFFFFC, s0  }
0xaf: {  	s0 =	ssub.s32 s3, s0  }
0xb0: {  	[sflag:s24] =	ssyncadd.s32 @p0 $0xFFFFE000;
	s0 =	sadd.s32 $0x5, s0  }
0xb1: {  	_ =	swait.ge [sflag:s0], $0x2000  }
0xb2: {  	[sflag:s0] =	ssyncset.done $0x0  }
0xb3: {  	[sflag:s0] =	ssyncadd.s32 $0xFFFFE000  }
0xb4: {  	[bflag:$0x0] =	sbarrier.arrive $0xFFFF  }
0xb5: {  	s25 =	rddreg [dreg:$0xf]  }
0xb6: {  	[tilespmem:s14], [sflag:$0xF] =	stream.linear.gather [spmem:s25], $0x2000, $0x38;
	[tilespmem:$0x1BF00] =	vst v63  }
0xb7: {  	_ =	swait.ge [sflag:s16], $0x2000  }
0xb8: {  	[sflag:s16] =	ssyncset.done $0x0  }
0xb9: {  	s26 =	rddreg [dreg:$0x5];
	[sflag:s16] =	ssyncadd.s32 $0xFFFFE000  }
0xba: {  	[hbm4b:s26+s2] =	stream.linear.scatter [tilespmem:s14], [sflag:$0xF], $0x2000, $0x38;
	[tilespmem:$0x1BF00] =	vst v63  }
0xbb: {  	_ =	swait.ge [sflag:s16], $0x2000  }
0xbc: {  	[sflag:s16] =	ssyncset.done $0x0  }
0xbd: {  	s28 =	rddreg [dreg:$0x11];
	[sflag:s16] =	ssyncadd.s32 $0xFFFFE000  }
0xbe: {  	[tilespmem:s14], [sflag:$0xF] =	stream.linear.gather [spmem:s28], $0x2000, $0x38;
	[tilespmem:$0x1BF00] =	vst v63  }
0xbf: {  	_ =	swait.ge [sflag:s16], $0x2000  }
0xc0: {  	[sflag:s16] =	ssyncset.done $0x0  }
0xc1: {  	s29 =	rddreg [dreg:$0x6];
	[sflag:s16] =	ssyncadd.s32 $0xFFFFE000  }
0xc2: {  	[hbm4b:s29+s2] =	stream.linear.scatter [tilespmem:s14], [sflag:$0xF], $0x2000, $0x38;
	[tilespmem:$0x1BF00] =	vst v63  }
0xc3: {  	_ =	swait.ge [sflag:s16], $0x2000  }
0xc4: {  	[sflag:s16] =	ssyncset.done $0x0  }
0xc5: {  	s30 =	rddreg [dreg:$0x12];
	[sflag:s16] =	ssyncadd.s32 $0xFFFFE000  }
0xc6: {  	[tilespmem:s14], [sflag:$0xF] =	stream.linear.gather [spmem:s30], $0x2000, $0x38;
	[tilespmem:$0x1BF00] =	vst v63  }
0xc7: {  	_ =	swait.ge [sflag:s16], $0x2000  }
0xc8: {  	[sflag:s16] =	ssyncset.done $0x0  }
0xc9: {  	s31 =	rddreg [dreg:$0x7];
	[sflag:s16] =	ssyncadd.s32 $0xFFFFE000  }
0xca: {  	[hbm4b:s31+s2] =	stream.linear.scatter [tilespmem:s14], [sflag:$0xF], $0x2000, $0x38;
	[tilespmem:$0x1BF00] =	vst v63  }
0xcb: {  	_ =	swait.ge [sflag:s16], $0x2000  }
0xcc: {  	[sflag:s16] =	ssyncset.done $0x0  }
0xcd: {  	s3 =	rddreg [dreg:$0x13];
	[sflag:s16] =	ssyncadd.s32 $0xFFFFE000  }
0xce: {  	[tilespmem:s14], [sflag:$0xF] =	stream.linear.gather [spmem:s3], $0x2000, $0x38;
	[tilespmem:$0x1BF00] =	vst v63  }
0xcf: {  	_ =	swait.ge [sflag:s16], $0x2000  }
0xd0: {  	[sflag:s16] =	ssyncset.done $0x0  }
0xd1: {  	s4 =	rddreg [dreg:$0x8];
	[sflag:s16] =	ssyncadd.s32 $0xFFFFE000  }
0xd2: {  	[hbm4b:s4+s2] =	stream.linear.scatter [tilespmem:s14], [sflag:$0xF], $0x2000, $0x38;
	[tilespmem:$0x1BF00] =	vst v63  }
0xd3: {  	_ =	swait.ge [sflag:s16], $0x2000  }
0xd4: {  	[sflag:s16] =	ssyncset.done $0x0  }
0xd5: {  	s5 =	rddreg [dreg:$0x14];
	[sflag:s16] =	ssyncadd.s32 $0xFFFFE000  }
0xd6: {  	[tilespmem:s14], [sflag:$0xF] =	stream.linear.gather [spmem:s5], $0x2000, $0x38;
	[tilespmem:$0x1BF00] =	vst v63  }
0xd7: {  	_ =	swait.ge [sflag:s16], $0x2000  }
0xd8: {  	[sflag:s16] =	ssyncset.done $0x0  }
0xd9: {  	s6 =	rddreg [dreg:$0x9];
	[sflag:s16] =	ssyncadd.s32 $0xFFFFE000  }
0xda: {  	[hbm4b:s6+s2] =	stream.linear.scatter [tilespmem:s14], [sflag:$0xF], $0x2000, $0x38;
	[tilespmem:$0x1BF00] =	vst v63  }
0xdb: {  	_ =	swait.ge [sflag:s16], $0x2000  }
0xdc: {  	[sflag:s16] =	ssyncset.done $0x0  }
0xdd: {  	s7 =	rddreg [dreg:$0x15];
	[sflag:s16] =	ssyncadd.s32 $0xFFFFE000  }
0xde: {  	[tilespmem:s14], [sflag:$0xF] =	stream.linear.gather [spmem:s7], $0x2000, $0x38;
	[tilespmem:$0x1BF00] =	vst v63  }
0xdf: {  	_ =	swait.ge [sflag:s16], $0x2000  }
0xe0: {  	[sflag:s16] =	ssyncset.done $0x0  }
0xe1: {  	s8 =	rddreg [dreg:$0xa];
	[sflag:s16] =	ssyncadd.s32 $0xFFFFE000  }
0xe2: {  	[hbm4b:s8+s2] =	stream.linear.scatter [tilespmem:s14], [sflag:$0xF], $0x2000, $0x38;
	[tilespmem:$0x1BF00] =	vst v63  }
0xe3: {  	_ =	swait.ge [sflag:s16], $0x2000  }
0xe4: {  	[sflag:s16] =	ssyncset.done $0x0  }
0xe5: {  	s11 =	rddreg [dreg:$0x16];
	[sflag:s16] =	ssyncadd.s32 $0xFFFFE000  }
0xe6: {  	[tilespmem:s14], [sflag:$0xF] =	stream.linear.gather [spmem:s11], $0x2000, $0x38;
	[tilespmem:$0x1BF00] =	vst v63  }
0xe7: {  	_ =	swait.ge [sflag:s16], $0x2000  }
0xe8: {  	[sflag:s16] =	ssyncset.done $0x0  }
0xe9: {  	s24 =	rddreg [dreg:$0xb];
	[sflag:s16] =	ssyncadd.s32 $0xFFFFE000  }
0xea: {  	[hbm4b:s24+s2] =	stream.linear.scatter [tilespmem:s14], [sflag:$0xF], $0x2000, $0x38;
	[tilespmem:$0x1BF00] =	vst v63  }
0xeb: {  	_ =	swait.ge [sflag:s16], $0x2000  }
0xec: {  	[sflag:s16] =	ssyncset.done $0x0  }
0xed: {  	s25 =	rddreg [dreg:$0x17];
	[sflag:s16] =	ssyncadd.s32 $0xFFFFE000  }
0xee: {  	[tilespmem:s14], [sflag:$0xF] =	stream.linear.gather [spmem:s25], $0x2000, $0x38;
	[tilespmem:$0x1BF00] =	vst v63  }
0xef: {  	_ =	swait.ge [sflag:s16], $0x2000  }
0xf0: {  	[sflag:s16] =	ssyncset.done $0x0  }
0xf1: {  	s26 =	rddreg [dreg:$0xc];
	[sflag:s16] =	ssyncadd.s32 $0xFFFFE000  }
0xf2: {  	[hbm4b:s26+s2] =	stream.linear.scatter [tilespmem:s14], [sflag:$0xF], $0x2000, $0x38;
	[tilespmem:$0x1BF00] =	vst v63  }
0xf3: {  	_ =	swait.ge [sflag:s16], $0x2000  }
0xf4: {  	[sflag:s16] =	ssyncset.done $0x0  }
0xf5: {  	s28 =	rddreg [dreg:$0x18];
	[sflag:s16] =	ssyncadd.s32 $0xFFFFE000  }
0xf6: {  	[tilespmem:s14], [sflag:$0xF] =	stream.linear.gather [spmem:s28], $0x2000, $0x38;
	[tilespmem:$0x1BF00] =	vst v63  }
0xf7: {  	_ =	swait.ge [sflag:s16], $0x2000  }
0xf8: {  	[sflag:s16] =	ssyncset.done $0x0  }
0xf9: {  	s29 =	rddreg [dreg:$0xd];
	[sflag:s16] =	ssyncadd.s32 $0xFFFFE000  }
0xfa: {  	[hbm4b:s29+s2] =	stream.linear.scatter [tilespmem:s14], [sflag:$0xF], $0x2000, $0x38;
	[tilespmem:$0x1BF00] =	vst v63  }
0xfb: {  	_ =	swait.ge [sflag:s16], $0x2000  }
0xfc: {  	[sflag:s16] =	ssyncset.done $0x0  }
0xfd: {  	[sflag:s16] =	ssyncadd.s32 $0xFFFFE000  }
0xfe: {  	[tilespmem:s14], [sflag:$0xF] =	stream.linear.gather [spmem:s19], $0x1C00, $0x38;
	[tilespmem:$0x1BF00] =	vst v63  }
0xff: {  	_ =	swait.ge [sflag:s16], $0x1C00  }
0x100: {  	[sflag:s16] =	ssyncset.done $0x0  }
0x101: {  	s30 =	rddreg [dreg:$0x4];
	[sflag:s16] =	ssyncadd.s32 $0xFFFFE400  }
0x102: {  	[hbm4b:s30+s2] =	stream.linear.scatter [tilespmem:s14], [sflag:$0xF], $0x1C00, $0x38;
	[tilespmem:$0x1BF00] =	vst v63  }
0x103: {  	_ =	swait.ge [sflag:s16], $0x1C00  }
0x104: {  	s23 =	sadd.s32 $0x1, s23;
	s31 =	rddreg [dreg:$0x10]  }
0x105: {  	p0 =	sne.s32 s23, s31  }
.Ltmp9:
0x106: {  	_ = 	snop;
	(pc) =	sbr.rel @p0 .LBB2_1-.Ltmp9, $4  }
.Ltmp10:
0x107: {  	_ = 	snop;
	(pc) =	sbr.rel @!p0 .LBB2_14-.Ltmp10, $4  }
0x108: {  	_ = 	snop  }
0x109: {  	[sflag:s16] =	ssyncset.done $0x0  }
0x10a: {  	[sflag:s16] =	ssyncadd.s32 $0xFFFFE400  }
0x10b: {  	_ = 	snop  }
.LBB2_10:
.Ltmp11:
0x10c: {  	(pc) =	sbr.rel .LBB2_13-.Ltmp11, $2  }
0x10d: {  	_ =	sdelay $0x2  }
0x10e: {  	_ = 	snop  }
.LBB2_14:
0x10f: {  	_ =	sfence.sel $0x180000  }
0x110: {  	[bflag:$0x0] =	sbarrier.arrive $0xFFFF  }
0x111: {  	_ =	strace $0x9000004A  }
0x112: {  	s0 =	stileid.u32;
	[bflag:$0x2] =	sbarrier.arrive $0xFFFF  }
0x113: {  	p0 =	sne.s32 s0, $0x0;
	s0 =	rddreg [dreg:$0x3]  }
0x114: {  	s0 =	sadd.s32 @!p0 $0x100000, s0  }
0x115: {  	[sflag:s0] =	ssyncadd.tile.s32 @!p0 $0x1;
	_ =	shalt  }
.Lfunc_end2:
_tile_overlayer_lowered:
.L_overlay_start_2:
0x116: {  	(tag) =	ssettag $0x2  }
0x117: {  	s0 =	rddreg [dreg:$0x0];
	s2 =	stileid.u32  }
0x118: {  	s1 =	rddreg [dreg:$0x1];
	p0 =	sne.s32 s2, $0x0  }
0x119: {  	s3 =	rddreg [dreg:$0x2];
	[bflag:$0x3] =	sbarrier.arrive $0xFFFF;
	s2 =	simm.s32 @!p0 $0x1C0F  }
0x11a: {  	[timem:s3], [sflag:s2] =	dma.local @!p0 [hbm:s0], s1  }
0x11b: {  	s0 =	simm.s32 @!p0 $0xF  }
0x11c: {  	_ =	swait.ge @!p0 [sflag:s0], s1  }
0x11d: {  	s1 =	ssub.s32 @!p0 $0x0, s1;
	[sflag:s0] =	ssyncset.done @!p0 $0x0  }
0x11e: {  	[sflag:s0] =	ssyncadd.s32 @!p0 s1  }
0x11f: {  	[bflag:$0x3] =	sbarrier.arrive $0xFFFF  }
0x120: {  	_ =	shalt  }

</sc_bundles>
